<compile_context>
chip_gen: v7x
topology: tpu7x:2x2x1
jax: 0.10.2.dev20260603
libtpu: 0.0.44.dev20260713+nightly
codegen_flags: <defaults>
</compile_context>

<pallas_src>
import functools

import jax
import jax.numpy as jnp
from jax import lax
from jax.experimental import pallas as pl
from jax.experimental.pallas import tpu as pltpu
from jax.experimental.pallas import tpu_sc as plsc

D = 128
BU = 64
SPAD = 56

NSLICE = 1
NW = 32
CH = 64
QA_NBUF = 5
UN_NBUF = 2

_BF = jnp.bfloat16
_F32 = jnp.float32


def _sc_gather_all(table_i, table_u, idx_items, idx_social, idx_self):
  ni = idx_items.shape[0]
  ns = idx_social.shape[0]
  nu = idx_self.shape[0]
  w = table_i.shape[1]
  assert w == D
  qa_ch = ni // (NW * CH)
  un_ch = ns // (NW * CH)
  pi_work = nu // CH
  mesh = plsc.VectorSubcoreMesh(core_axis_name="core",
                                subcore_axis_name="subcore")
  nbuf_max = max(QA_NBUF, UN_NBUF)

  @functools.partial(
      pl.kernel,
      mesh=mesh,
      out_type=(
          jax.ShapeDtypeStruct((ni, w), table_i.dtype),
          jax.ShapeDtypeStruct((ns, w), table_u.dtype),
          jax.ShapeDtypeStruct((nu, w), table_u.dtype),
      ),
      scratch_types=[
          pltpu.VMEM((qa_ch, CH), jnp.int32),
          pltpu.VMEM((nbuf_max, CH, w), table_i.dtype),
          pltpu.SemaphoreType.DMA((nbuf_max,)),
          pltpu.SemaphoreType.DMA((nbuf_max,)),
      ],
  )
  def k(ei_hbm, eu_hbm, ii_hbm, is_hbm, iu_hbm, qa_hbm, un_hbm, pi_hbm,
        idx_v, bufs, gsem, ssem):
    wid = lax.axis_index("core") * 16 + lax.axis_index("subcore")

    def phase(table_hbm, idx3_hbm, out_hbm, n_ch, nbuf, nwork):
      @pl.when(wid < nwork)
      def _():
        pltpu.sync_copy(idx3_hbm.at[wid], idx_v.at[pl.ds(0, n_ch)])
        base = wid * n_ch * CH

        def gather(c, b):
          return pltpu.async_copy(table_hbm.at[idx_v.at[c]], bufs.at[b],
                                  gsem.at[b])

        def store(c, b):
          return pltpu.async_copy(
              bufs.at[b], out_hbm.at[pl.ds(base + c * CH, CH)], ssem.at[b])

        def wait_gather(c, b):
          pltpu.make_async_copy(table_hbm.at[idx_v.at[c]], bufs.at[b],
                                gsem.at[b]).wait()

        def wait_store(c, b):
          pltpu.make_async_copy(
              bufs.at[b], out_hbm.at[pl.ds(base + c * CH, CH)],
              ssem.at[b]).wait()

        for b in range(nbuf):
          gather(b, b)

        @pl.loop(0, (n_ch - nbuf) // nbuf)
        def _(t):
          for b in range(nbuf):
            c = t * nbuf + b
            wait_gather(c, b)
            store(c, b)
            wait_store(c, b)
            gather(c + nbuf, b)

        for b in range(nbuf):
          c = n_ch - nbuf + b
          wait_gather(c, b)
          store(c, b)
        for b in range(nbuf):
          wait_store(n_ch - nbuf + b, b)

    phase(ei_hbm, ii_hbm, qa_hbm, qa_ch, QA_NBUF, NW)
    phase(eu_hbm, is_hbm, un_hbm, un_ch, UN_NBUF, NW)
    phase(eu_hbm, iu_hbm, pi_hbm, 1, 1, pi_work)

  return k(table_i, table_u,
           idx_items.reshape(NW, qa_ch, CH),
           idx_social.reshape(NW, un_ch, CH),
           idx_self.reshape(pi_work, 1, CH))


def _tc_body(qa_ref, oh_ref, un_ref, pi_ref, er8_ref,
             gvw1t_ref, gvw1b_ref, gvb1_ref, gvw2_ref, gvb2_ref,
             aiw1t_ref, aiw1b_ref, aib1_ref, aiw2_ref, aib2_ref, aiw3_ref,
             asw1t_ref, asw1b_ref, asb1_ref, asw2_ref, asb2_ref, asw3_ref,
             mw1_ref, mb1_ref, mw2_ref, mb2_ref,
             out_ref):
  nl = qa_ref.shape[0]
  l = nl // BU
  sp = un_ref.shape[0] // BU

  rt = jnp.dot(er8_ref[...], gvw1b_ref[...], preferred_element_type=_F32)
  rt = (rt + gvb1_ref[...]).astype(_BF)
  h = jnp.dot(qa_ref[...].astype(_BF), gvw1t_ref[...],
              preferred_element_type=_F32)
  h = h + jnp.dot(oh_ref[...], rt, preferred_element_type=_F32)
  h = jnp.maximum(h, 0.0).astype(_BF)
  xia = jnp.dot(h, gvw2_ref[...], preferred_element_type=_F32) + gvb2_ref[...]
  xia = jnp.maximum(xia, 0.0)
  xia_bf = xia.astype(_BF)

  pi = pi_ref[...]
  pia = jnp.dot(pi, aiw1b_ref[...], preferred_element_type=_F32) + aib1_ref[...]
  a1 = jnp.dot(xia_bf, aiw1t_ref[...], preferred_element_type=_F32)
  a1 = jnp.maximum(a1.reshape(BU, l, D) + pia[:, None, :], 0.0).astype(_BF)
  a2 = jnp.dot(a1.reshape(nl, D), aiw2_ref[...], preferred_element_type=_F32)
  a2 = jnp.maximum(a2 + aib2_ref[...], 0.0)
  z = jnp.sum(a2 * aiw3_ref[...], axis=1, keepdims=True).reshape(BU, l, 1)
  z = z - jnp.max(z, axis=1, keepdims=True)
  ez = jnp.exp(z)
  alpha = ez / jnp.sum(ez, axis=1, keepdims=True)
  hi_i = jnp.sum(alpha * xia.reshape(BU, l, D), axis=1)

  un = un_ref[...]
  pis = jnp.dot(pi, asw1b_ref[...], preferred_element_type=_F32) + asb1_ref[...]
  b1 = jnp.dot(un.astype(_BF), asw1t_ref[...], preferred_element_type=_F32)
  b1 = jnp.maximum(b1.reshape(BU, sp, D) + pis[:, None, :], 0.0).astype(_BF)
  b2 = jnp.dot(b1.reshape(BU * sp, D), asw2_ref[...],
               preferred_element_type=_F32)
  b2 = jnp.maximum(b2 + asb2_ref[...], 0.0)
  zs = jnp.sum(b2 * asw3_ref[...], axis=1, keepdims=True).reshape(BU, sp, 1)
  valid = lax.broadcasted_iota(jnp.int32, (BU, sp, 1), 1) < 50
  zs = jnp.where(valid, zs, -1e30)
  zs = zs - jnp.max(zs, axis=1, keepdims=True)
  ezs = jnp.exp(zs)
  beta = ezs / jnp.sum(ezs, axis=1, keepdims=True)
  hi_s = jnp.sum(beta * un.reshape(BU, sp, D), axis=1)

  h2 = (jnp.dot(hi_i, mw1_ref[:D, :], preferred_element_type=_F32)
        + jnp.dot(hi_s, mw1_ref[D:, :], preferred_element_type=_F32)
        + mb1_ref[...])
  h2 = jnp.maximum(h2, 0.0)
  out = jnp.dot(h2, mw2_ref[...], preferred_element_type=_F32) + mb2_ref[...]
  out_ref[...] = jnp.maximum(out, 0.0)


def kernel(nodes_u, history_u_lists_batch, social_adj_lists_batch,
           history_ur_lists_batch,
           embed_u_w, embed_i_w, embed_r_w,
           gv_w1, gv_b1, gv_w2, gv_b2,
           attI_w1, attI_b1, attI_w2, attI_b2, attI_w3, attI_b3,
           attS_w1, attS_b1, attS_w2, attS_b2, attS_w3, attS_b3,
           mlp_w1, mlp_b1, mlp_w2, mlp_b2):
  b, l = history_u_lists_batch.shape
  s = social_adj_lists_batch.shape[1]

  npad = SPAD - s
  pad_idx = (jnp.arange(b, dtype=jnp.int32)[:, None] * npad
             + jnp.arange(npad, dtype=jnp.int32)[None, :]) % embed_u_w.shape[0]
  soc_pad = jnp.concatenate([social_adj_lists_batch, pad_idx], axis=1)
  oh = jax.nn.one_hot(history_ur_lists_batch.reshape(-1), 8, dtype=_BF)
  er8 = jnp.pad(embed_r_w, ((0, 2), (0, 0)))

  row = lambda v: v.reshape(1, D)
  bf = lambda w: w.astype(_BF)
  weights = (er8,
             bf(gv_w1[:D, :]), gv_w1[D:, :], row(gv_b1), bf(gv_w2), row(gv_b2),
             bf(attI_w1[:D, :]), attI_w1[D:, :], row(attI_b1),
             bf(attI_w2), row(attI_b2), attI_w3.reshape(1, D),
             bf(attS_w1[:D, :]), attS_w1[D:, :], row(attS_b1),
             bf(attS_w2), row(attS_b2), attS_w3.reshape(1, D),
             mlp_w1, row(mlp_b1), mlp_w2, row(mlp_b2))
  wspec = lambda a: pl.BlockSpec(a.shape, lambda i: (0,) * a.ndim)

  nb = b // NSLICE
  outs = []
  for k in range(NSLICE):
    sl = slice(k * nb, (k + 1) * nb)
    qa, un, pi = _sc_gather_all(
        embed_i_w, embed_u_w,
        history_u_lists_batch[sl].reshape(-1),
        soc_pad[sl].reshape(-1),
        nodes_u[sl])
    out_k = pl.pallas_call(
        _tc_body,
        grid=(nb // BU,),
        in_specs=[
            pl.BlockSpec((BU * l, D), lambda i: (i, 0)),
            pl.BlockSpec((BU * l, 8), lambda i: (i, 0)),
            pl.BlockSpec((BU * SPAD, D), lambda i: (i, 0)),
            pl.BlockSpec((BU, D), lambda i: (i, 0)),
        ] + [wspec(w) for w in weights],
        out_specs=pl.BlockSpec((BU, D), lambda i: (i, 0)),
        out_shape=jax.ShapeDtypeStruct((nb, D), jnp.float32),
    )(qa, oh[k * nb * l:(k + 1) * nb * l], un, pi, *weights)
    outs.append(out_k)
  return jnp.concatenate(outs, axis=0) if NSLICE > 1 else outs[0]

# --- scband reference (transcript-rebuilt; emitter-appended) ---
"""Pipeline reference for scband-user-modeling-11304353923458 (READ-ONLY COPY).

The authoritative reference and input builder live on the scoring server;
editing this copy changes nothing except your own understanding.
"""

import jax, jax.numpy as jnp
import numpy as np

B, L, S, D = 1024, 200, 50, 128
NU, NI, NR = 100000, 100000, 6


def setup_inputs(seed: int = 0) -> dict:
    key = jax.random.key(seed)
    ks = jax.random.split(key, 32)
    sc = 0.02
    inp = {}
    inp['nodes_u'] = jax.random.randint(ks[0], (B,), 0, NU, dtype=jnp.int32)
    inp['history_u_lists_batch'] = jax.random.randint(ks[1], (B, L), 0, NI, dtype=jnp.int32)
    inp['social_adj_lists_batch'] = jax.random.randint(ks[2], (B, S), 0, NU, dtype=jnp.int32)
    inp['history_ur_lists_batch'] = jax.random.randint(ks[3], (B, L), 0, NR, dtype=jnp.int32)
    # learned parameters
    inp['embed_u_w'] = jax.random.normal(ks[4], (NU, D), dtype=jnp.float32) * sc
    inp['embed_i_w'] = jax.random.normal(ks[5], (NI, D), dtype=jnp.float32) * sc
    inp['embed_r_w'] = jax.random.normal(ks[6], (NR, D), dtype=jnp.float32) * sc
    # gv MLP: 2D -> D -> D
    inp['gv_w1'] = jax.random.normal(ks[7], (2 * D, D), dtype=jnp.float32) * sc
    inp['gv_b1'] = jnp.zeros((D,), dtype=jnp.float32)
    inp['gv_w2'] = jax.random.normal(ks[8], (D, D), dtype=jnp.float32) * sc
    inp['gv_b2'] = jnp.zeros((D,), dtype=jnp.float32)
    # att_I: input 2D -> D -> D -> 1
    inp['attI_w1'] = jax.random.normal(ks[9], (2 * D, D), dtype=jnp.float32) * sc
    inp['attI_b1'] = jnp.zeros((D,), dtype=jnp.float32)
    inp['attI_w2'] = jax.random.normal(ks[10], (D, D), dtype=jnp.float32) * sc
    inp['attI_b2'] = jnp.zeros((D,), dtype=jnp.float32)
    inp['attI_w3'] = jax.random.normal(ks[11], (D, 1), dtype=jnp.float32) * sc
    inp['attI_b3'] = jnp.zeros((1,), dtype=jnp.float32)
    # att_S: input 2D -> D -> D -> 1
    inp['attS_w1'] = jax.random.normal(ks[12], (2 * D, D), dtype=jnp.float32) * sc
    inp['attS_b1'] = jnp.zeros((D,), dtype=jnp.float32)
    inp['attS_w2'] = jax.random.normal(ks[13], (D, D), dtype=jnp.float32) * sc
    inp['attS_b2'] = jnp.zeros((D,), dtype=jnp.float32)
    inp['attS_w3'] = jax.random.normal(ks[14], (D, 1), dtype=jnp.float32) * sc
    inp['attS_b3'] = jnp.zeros((1,), dtype=jnp.float32)
    # final mlp: 2D -> D -> D
    inp['mlp_w1'] = jax.random.normal(ks[15], (2 * D, D), dtype=jnp.float32) * sc
    inp['mlp_b1'] = jnp.zeros((D,), dtype=jnp.float32)
    inp['mlp_w2'] = jax.random.normal(ks[16], (D, D), dtype=jnp.float32) * sc
    inp['mlp_b2'] = jnp.zeros((D,), dtype=jnp.float32)
    return inp


def reference(nodes_u, history_u_lists_batch, social_adj_lists_batch, history_ur_lists_batch,
              embed_u_w, embed_i_w, embed_r_w,
              gv_w1, gv_b1, gv_w2, gv_b2,
              attI_w1, attI_b1, attI_w2, attI_b2, attI_w3, attI_b3,
              attS_w1, attS_b1, attS_w2, attS_b2, attS_w3, attS_b3,
              mlp_w1, mlp_b1, mlp_w2, mlp_b2):
    # gathers (embedding lookups)
    qa = jnp.take(embed_i_w, history_u_lists_batch, axis=0)   # [B, L, D]
    er = jnp.take(embed_r_w, history_ur_lists_batch, axis=0)  # [B, L, D]
    pi = jnp.take(embed_u_w, nodes_u, axis=0)                 # [B, D]
    # gv MLP (item aspect modeling), eval mode -> dropout is identity
    x = jnp.concatenate([qa, er], axis=-1)                    # [B, L, 2D]
    h = jax.nn.relu(x @ gv_w1 + gv_b1)
    xia = jax.nn.relu(h @ gv_w2 + gv_b2)                      # [B, L, D]
    # item attention (per-user softmax over history, matches softmax(dim=0) per user)
    pi_rep = jnp.broadcast_to(pi[:, None, :], xia.shape)      # [B, L, D]
    cI = jnp.concatenate([xia, pi_rep], axis=-1)              # [B, L, 2D]
    a = jax.nn.relu(cI @ attI_w1 + attI_b1)
    a = jax.nn.relu(a @ attI_w2 + attI_b2)
    a = a @ attI_w3 + attI_b3                                 # [B, L, 1]
    alpha = jax.nn.softmax(a, axis=1)
    hi_I = jnp.sum(alpha * xia, axis=1)                       # [B, D]  (== xia^T @ alpha per user)
    # social attention
    un = jnp.take(embed_u_w, social_adj_lists_batch, axis=0)  # [B, S, D]
    pi_rep_s = jnp.broadcast_to(pi[:, None, :], un.shape)     # [B, S, D]
    cS = jnp.concatenate([un, pi_rep_s], axis=-1)             # [B, S, 2D]
    b = jax.nn.relu(cS @ attS_w1 + attS_b1)
    b = jax.nn.relu(b @ attS_w2 + attS_b2)
    b = b @ attS_w3 + attS_b3                                 # [B, S, 1]
    beta = jax.nn.softmax(b, axis=1)
    hi_S = jnp.sum(beta * un, axis=1)                         # [B, D]
    # fuse
    c1 = jnp.concatenate([hi_I, hi_S], axis=1)                # [B, 2D]
    h2 = jax.nn.relu(c1 @ mlp_w1 + mlp_b1)
    hi = jax.nn.relu(h2 @ mlp_w2 + mlp_b2)                    # [B, D]
    return hi

if __name__ == "__main__":
    import jax
    _d = setup_inputs()
    print(jax.jit(kernel)(*tuple(_d.values())))

</pallas_src>

<mosaic_0001>
#map = affine_map<(d0, d1) -> (0, 0)>
#map1 = affine_map<(d0, d1) -> (0, 0, 0)>
module attributes {stable_mosaic.version = 14 : i64} {
  func.func @k(%arg0: i32, %arg1: i32, %arg2: memref<100000x128xf32, #tpu.memory_space<hbm>>, %arg3: memref<100000x128xf32, #tpu.memory_space<hbm>>, %arg4: memref<32x100x64xi32, #tpu.memory_space<hbm>>, %arg5: memref<32x28x64xi32, #tpu.memory_space<hbm>>, %arg6: memref<16x1x64xi32, #tpu.memory_space<hbm>>, %arg7: memref<204800x128xf32, #tpu.memory_space<hbm>>, %arg8: memref<57344x128xf32, #tpu.memory_space<hbm>>, %arg9: memref<1024x128xf32, #tpu.memory_space<hbm>>, %arg10: memref<100x64xi32, #tpu.memory_space<vmem>>, %arg11: memref<5x64x128xf32, #tpu.memory_space<vmem>>, %arg12: memref<5x!tpu.dma_semaphore, #tpu.memory_space<semaphore_mem>>, %arg13: memref<5x!tpu.dma_semaphore, #tpu.memory_space<semaphore_mem>>) attributes {dimension_semantics = [#tpu.dimension_semantics<core_parallel>, #tpu.dimension_semantics<subcore_parallel>], iteration_bounds = array<i64: 2, 16>, scalar_prefetch = 0 : i64, scratch_operands = 4 : i64, tpu.core_type = #tpu.core_type<sc_vector_subcore>, window_params = [{transform_indices = #map}, {transform_indices = #map}, {transform_indices = #map1}, {transform_indices = #map1}, {transform_indices = #map1}, {transform_indices = #map}, {transform_indices = #map}, {transform_indices = #map}]} {
    %mul3A = arith.constant 16 : i32
    %mul3A_0 = arith.muli %arg0, %mul3A : i32
    %add3A = arith.addi %mul3A_0, %arg1 : i32
    %lt3A = arith.constant 32 : i32
    %lt3A_1 = arith.cmpi slt, %add3A, %lt3A : i32
    %convert_element_type3A = arith.extui %lt3A_1 : i1 to i32
    %cond3A = arith.constant 0 : i32
    %cond3A_2 = arith.cmpi ne, %convert_element_type3A, %cond3A : i32
    scf.if %cond3A_2 {
      "tpu.region"() ({
        %run_scoped3A = tpu.sem_alloc : memref<!tpu.dma_semaphore, #tpu.memory_space<semaphore_mem>>
        %dma_start3A_349 = arith.constant 0 : i32
        %dma_start3A_350 = arith.constant 0 : i32
        %dma_start3A_351 = tpu.memref_slice %arg10[%dma_start3A_349, %dma_start3A_350] : memref<100x64xi32, #tpu.memory_space<vmem>> -> memref<100x64xi32, #tpu.memory_space<vmem>>
        %dma_start3A_352 = arith.constant 0 : i32
        %dma_start3A_353 = arith.constant 0 : i32
        %dma_start3A_354 = tpu.memref_slice %arg4[%add3A, %dma_start3A_352, %dma_start3A_353] : memref<32x100x64xi32, #tpu.memory_space<hbm>> -> memref<1x100x64xi32, #tpu.memory_space<hbm>>
        %dma_start3A_355 = tpu.memref_squeeze %dma_start3A_354 : memref<1x100x64xi32, #tpu.memory_space<hbm>> -> memref<100x64xi32, #tpu.memory_space<hbm>>
        %dma_start3A_356 = arith.constant 0 : i32
        %dma_start3A_357 = arith.constant 0 : i32
        %dma_start3A_358 = tpu.memref_slice %arg10[%dma_start3A_356, %dma_start3A_357] : memref<100x64xi32, #tpu.memory_space<vmem>> -> memref<100x64xi32, #tpu.memory_space<vmem>>
        %dma_start3A_359 = arith.constant 0 : i32
        %dma_start3A_360 = arith.constant 0 : i32
        %dma_start3A_361 = tpu.memref_slice %arg4[%add3A, %dma_start3A_359, %dma_start3A_360] : memref<32x100x64xi32, #tpu.memory_space<hbm>> -> memref<1x100x64xi32, #tpu.memory_space<hbm>>
        %dma_start3A_362 = tpu.memref_squeeze %dma_start3A_361 : memref<1x100x64xi32, #tpu.memory_space<hbm>> -> memref<100x64xi32, #tpu.memory_space<hbm>>
        tpu.enqueue_dma source(%dma_start3A_362 : memref<100x64xi32, #tpu.memory_space<hbm>>) target(%dma_start3A_358 : memref<100x64xi32, #tpu.memory_space<vmem>>) target_semaphore(%run_scoped3A : memref<!tpu.dma_semaphore, #tpu.memory_space<semaphore_mem>>)
        %dma_wait3A_363 = arith.constant 0 : i32
        %dma_wait3A_364 = arith.constant 0 : i32
        %dma_wait3A_365 = tpu.memref_slice %arg10[%dma_wait3A_363, %dma_wait3A_364] : memref<100x64xi32, #tpu.memory_space<vmem>> -> memref<100x64xi32, #tpu.memory_space<vmem>>
        %dma_wait3A_366 = arith.constant 0 : i32
        %dma_wait3A_367 = arith.constant 0 : i32
        %dma_wait3A_368 = tpu.memref_slice %arg4[%add3A, %dma_wait3A_366, %dma_wait3A_367] : memref<32x100x64xi32, #tpu.memory_space<hbm>> -> memref<1x100x64xi32, #tpu.memory_space<hbm>>
        %dma_wait3A_369 = tpu.memref_squeeze %dma_wait3A_368 : memref<1x100x64xi32, #tpu.memory_space<hbm>> -> memref<100x64xi32, #tpu.memory_space<hbm>>
        %dma_wait3A_370 = arith.constant 0 : i32
        %dma_wait3A_371 = arith.constant 0 : i32
        %dma_wait3A_372 = tpu.memref_slice %arg10[%dma_wait3A_370, %dma_wait3A_371] : memref<100x64xi32, #tpu.memory_space<vmem>> -> memref<100x64xi32, #tpu.memory_space<vmem>>
        %dma_wait3A_373 = arith.constant 0 : i32
        %dma_wait3A_374 = arith.constant 0 : i32
        %dma_wait3A_375 = tpu.memref_slice %arg4[%add3A, %dma_wait3A_373, %dma_wait3A_374] : memref<32x100x64xi32, #tpu.memory_space<hbm>> -> memref<1x100x64xi32, #tpu.memory_space<hbm>>
        %dma_wait3A_376 = tpu.memref_squeeze %dma_wait3A_375 : memref<1x100x64xi32, #tpu.memory_space<hbm>> -> memref<100x64xi32, #tpu.memory_space<hbm>>
        tpu.wait_dma2 semaphore(%run_scoped3A : memref<!tpu.dma_semaphore, #tpu.memory_space<semaphore_mem>>) src(%dma_wait3A_376 : memref<100x64xi32, #tpu.memory_space<hbm>>) dst(%dma_wait3A_372 : memref<100x64xi32, #tpu.memory_space<vmem>>)
        tpu.yield
      }) : () -> ()
      %mul3A_13 = arith.constant 100 : i32
      %mul3A_14 = arith.muli %add3A, %mul3A_13 : i32
      %mul3A_15 = arith.constant 64 : i32
      %mul3A_16 = arith.muli %mul3A_14, %mul3A_15 : i32
      %dma_start3A = arith.constant 0 : i32
      %dma_start3A_17 = arith.constant 0 : i32
      %dma_start3A_18 = arith.constant 0 : i32
      %dma_start3A_19 = arith.constant 0 : i32
      %dma_start3A_20 = arith.constant 0 : i32
      %dma_start3A_21 = tpu.memref_slice %arg11[%dma_start3A_17, %dma_start3A_19, %dma_start3A_20] : memref<5x64x128xf32, #tpu.memory_space<vmem>> -> memref<1x64x128xf32, #tpu.memory_space<vmem>>
      %dma_start3A_22 = tpu.memref_squeeze %dma_start3A_21 : memref<1x64x128xf32, #tpu.memory_space<vmem>> -> memref<64x128xf32, #tpu.memory_space<vmem>>
      %dma_start3A_23 = arith.constant 0 : i32
      %dma_start3A_24 = tpu.memref_slice %arg10[%dma_start3A, %dma_start3A_23] : memref<100x64xi32, #tpu.memory_space<vmem>> -> memref<1x64xi32, #tpu.memory_space<vmem>>
      %dma_start3A_25 = tpu.memref_squeeze %dma_start3A_24 : memref<1x64xi32, #tpu.memory_space<vmem>> -> memref<64xi32, #tpu.memory_space<vmem>>
      %dma_start3A_26 = arith.constant 0 : i32
      %dma_start3A_27 = arith.constant 0 : i32
      %dma_start3A_28 = tpu.memref_slice %arg2[%dma_start3A_26, %dma_start3A_27] : memref<100000x128xf32, #tpu.memory_space<hbm>> -> memref<100000x128xf32, #tpu.memory_space<hbm>>
      %dma_start3A_29 = tpu.memref_slice %arg12[%dma_start3A_18] : memref<5x!tpu.dma_semaphore, #tpu.memory_space<semaphore_mem>> -> memref<1x!tpu.dma_semaphore, #tpu.memory_space<semaphore_mem>>
      %dma_start3A_30 = tpu.memref_squeeze %dma_start3A_29 : memref<1x!tpu.dma_semaphore, #tpu.memory_space<semaphore_mem>> -> memref<!tpu.dma_semaphore, #tpu.memory_space<semaphore_mem>>
      tpu.enqueue_indirect_dma source(%dma_start3A_28 : memref<100000x128xf32, #tpu.memory_space<hbm>>) target(%dma_start3A_22 : memref<64x128xf32, #tpu.memory_space<vmem>>) offsets(%dma_start3A_25 : memref<64xi32, #tpu.memory_space<vmem>>) semaphore(%dma_start3A_30 : memref<!tpu.dma_semaphore, #tpu.memory_space<semaphore_mem>>)
      %dma_start3A_31 = arith.constant 1 : i32
      %dma_start3A_32 = arith.constant 1 : i32
      %dma_start3A_33 = arith.constant 1 : i32
      %dma_start3A_34 = arith.constant 0 : i32
      %dma_start3A_35 = arith.constant 0 : i32
      %dma_start3A_36 = tpu.memref_slice %arg11[%dma_start3A_32, %dma_start3A_34, %dma_start3A_35] : memref<5x64x128xf32, #tpu.memory_space<vmem>> -> memref<1x64x128xf32, #tpu.memory_space<vmem>>
      %dma_start3A_37 = tpu.memref_squeeze %dma_start3A_36 : memref<1x64x128xf32, #tpu.memory_space<vmem>> -> memref<64x128xf32, #tpu.memory_space<vmem>>
      %dma_start3A_38 = arith.constant 0 : i32
      %dma_start3A_39 = tpu.memref_slice %arg10[%dma_start3A_31, %dma_start3A_38] : memref<100x64xi32, #tpu.memory_space<vmem>> -> memref<1x64xi32, #tpu.memory_space<vmem>>
      %dma_start3A_40 = tpu.memref_squeeze %dma_start3A_39 : memref<1x64xi32, #tpu.memory_space<vmem>> -> memref<64xi32, #tpu.memory_space<vmem>>
      %dma_start3A_41 = arith.constant 0 : i32
      %dma_start3A_42 = arith.constant 0 : i32
      %dma_start3A_43 = tpu.memref_slice %arg2[%dma_start3A_41, %dma_start3A_42] : memref<100000x128xf32, #tpu.memory_space<hbm>> -> memref<100000x128xf32, #tpu.memory_space<hbm>>
      %dma_start3A_44 = tpu.memref_slice %arg12[%dma_start3A_33] : memref<5x!tpu.dma_semaphore, #tpu.memory_space<semaphore_mem>> -> memref<1x!tpu.dma_semaphore, #tpu.memory_space<semaphore_mem>>
      %dma_start3A_45 = tpu.memref_squeeze %dma_start3A_44 : memref<1x!tpu.dma_semaphore, #tpu.memory_space<semaphore_mem>> -> memref<!tpu.dma_semaphore, #tpu.memory_space<semaphore_mem>>
      tpu.enqueue_indirect_dma source(%dma_start3A_43 : memref<100000x128xf32, #tpu.memory_space<hbm>>) target(%dma_start3A_37 : memref<64x128xf32, #tpu.memory_space<vmem>>) offsets(%dma_start3A_40 : memref<64xi32, #tpu.memory_space<vmem>>) semaphore(%dma_start3A_45 : memref<!tpu.dma_semaphore, #tpu.memory_space<semaphore_mem>>)
      %dma_start3A_46 = arith.constant 2 : i32
      %dma_start3A_47 = arith.constant 2 : i32
      %dma_start3A_48 = arith.constant 2 : i32
      %dma_start3A_49 = arith.constant 0 : i32
      %dma_start3A_50 = arith.constant 0 : i32
      %dma_start3A_51 = tpu.memref_slice %arg11[%dma_start3A_47, %dma_start3A_49, %dma_start3A_50] : memref<5x64x128xf32, #tpu.memory_space<vmem>> -> memref<1x64x128xf32, #tpu.memory_space<vmem>>
      %dma_start3A_52 = tpu.memref_squeeze %dma_start3A_51 : memref<1x64x128xf32, #tpu.memory_space<vmem>> -> memref<64x128xf32, #tpu.memory_space<vmem>>
      %dma_start3A_53 = arith.constant 0 : i32
      %dma_start3A_54 = tpu.memref_slice %arg10[%dma_start3A_46, %dma_start3A_53] : memref<100x64xi32, #tpu.memory_space<vmem>> -> memref<1x64xi32, #tpu.memory_space<vmem>>
      %dma_start3A_55 = tpu.memref_squeeze %dma_start3A_54 : memref<1x64xi32, #tpu.memory_space<vmem>> -> memref<64xi32, #tpu.memory_space<vmem>>
      %dma_start3A_56 = arith.constant 0 : i32
      %dma_start3A_57 = arith.constant 0 : i32
      %dma_start3A_58 = tpu.memref_slice %arg2[%dma_start3A_56, %dma_start3A_57] : memref<100000x128xf32, #tpu.memory_space<hbm>> -> memref<100000x128xf32, #tpu.memory_space<hbm>>
      %dma_start3A_59 = tpu.memref_slice %arg12[%dma_start3A_48] : memref<5x!tpu.dma_semaphore, #tpu.memory_space<semaphore_mem>> -> memref<1x!tpu.dma_semaphore, #tpu.memory_space<semaphore_mem>>
      %dma_start3A_60 = tpu.memref_squeeze %dma_start3A_59 : memref<1x!tpu.dma_semaphore, #tpu.memory_space<semaphore_mem>> -> memref<!tpu.dma_semaphore, #tpu.memory_space<semaphore_mem>>
      tpu.enqueue_indirect_dma source(%dma_start3A_58 : memref<100000x128xf32, #tpu.memory_space<hbm>>) target(%dma_start3A_52 : memref<64x128xf32, #tpu.memory_space<vmem>>) offsets(%dma_start3A_55 : memref<64xi32, #tpu.memory_space<vmem>>) semaphore(%dma_start3A_60 : memref<!tpu.dma_semaphore, #tpu.memory_space<semaphore_mem>>)
      %dma_start3A_61 = arith.constant 3 : i32
      %dma_start3A_62 = arith.constant 3 : i32
      %dma_start3A_63 = arith.constant 3 : i32
      %dma_start3A_64 = arith.constant 0 : i32
      %dma_start3A_65 = arith.constant 0 : i32
      %dma_start3A_66 = tpu.memref_slice %arg11[%dma_start3A_62, %dma_start3A_64, %dma_start3A_65] : memref<5x64x128xf32, #tpu.memory_space<vmem>> -> memref<1x64x128xf32, #tpu.memory_space<vmem>>
      %dma_start3A_67 = tpu.memref_squeeze %dma_start3A_66 : memref<1x64x128xf32, #tpu.memory_space<vmem>> -> memref<64x128xf32, #tpu.memory_space<vmem>>
      %dma_start3A_68 = arith.constant 0 : i32
      %dma_start3A_69 = tpu.memref_slice %arg10[%dma_start3A_61, %dma_start3A_68] : memref<100x64xi32, #tpu.memory_space<vmem>> -> memref<1x64xi32, #tpu.memory_space<vmem>>
      %dma_start3A_70 = tpu.memref_squeeze %dma_start3A_69 : memref<1x64xi32, #tpu.memory_space<vmem>> -> memref<64xi32, #tpu.memory_space<vmem>>
      %dma_start3A_71 = arith.constant 0 : i32
      %dma_start3A_72 = arith.constant 0 : i32
      %dma_start3A_73 = tpu.memref_slice %arg2[%dma_start3A_71, %dma_start3A_72] : memref<100000x128xf32, #tpu.memory_space<hbm>> -> memref<100000x128xf32, #tpu.memory_space<hbm>>
      %dma_start3A_74 = tpu.memref_slice %arg12[%dma_start3A_63] : memref<5x!tpu.dma_semaphore, #tpu.memory_space<semaphore_mem>> -> memref<1x!tpu.dma_semaphore, #tpu.memory_space<semaphore_mem>>
      %dma_start3A_75 = tpu.memref_squeeze %dma_start3A_74 : memref<1x!tpu.dma_semaphore, #tpu.memory_space<semaphore_mem>> -> memref<!tpu.dma_semaphore, #tpu.memory_space<semaphore_mem>>
      tpu.enqueue_indirect_dma source(%dma_start3A_73 : memref<100000x128xf32, #tpu.memory_space<hbm>>) target(%dma_start3A_67 : memref<64x128xf32, #tpu.memory_space<vmem>>) offsets(%dma_start3A_70 : memref<64xi32, #tpu.memory_space<vmem>>) semaphore(%dma_start3A_75 : memref<!tpu.dma_semaphore, #tpu.memory_space<semaphore_mem>>)
      %dma_start3A_76 = arith.constant 4 : i32
      %dma_start3A_77 = arith.constant 4 : i32
      %dma_start3A_78 = arith.constant 4 : i32
      %dma_start3A_79 = arith.constant 0 : i32
      %dma_start3A_80 = arith.constant 0 : i32
      %dma_start3A_81 = tpu.memref_slice %arg11[%dma_start3A_77, %dma_start3A_79, %dma_start3A_80] : memref<5x64x128xf32, #tpu.memory_space<vmem>> -> memref<1x64x128xf32, #tpu.memory_space<vmem>>
      %dma_start3A_82 = tpu.memref_squeeze %dma_start3A_81 : memref<1x64x128xf32, #tpu.memory_space<vmem>> -> memref<64x128xf32, #tpu.memory_space<vmem>>
      %dma_start3A_83 = arith.constant 0 : i32
      %dma_start3A_84 = tpu.memref_slice %arg10[%dma_start3A_76, %dma_start3A_83] : memref<100x64xi32, #tpu.memory_space<vmem>> -> memref<1x64xi32, #tpu.memory_space<vmem>>
      %dma_start3A_85 = tpu.memref_squeeze %dma_start3A_84 : memref<1x64xi32, #tpu.memory_space<vmem>> -> memref<64xi32, #tpu.memory_space<vmem>>
      %dma_start3A_86 = arith.constant 0 : i32
      %dma_start3A_87 = arith.constant 0 : i32
      %dma_start3A_88 = tpu.memref_slice %arg2[%dma_start3A_86, %dma_start3A_87] : memref<100000x128xf32, #tpu.memory_space<hbm>> -> memref<100000x128xf32, #tpu.memory_space<hbm>>
      %dma_start3A_89 = tpu.memref_slice %arg12[%dma_start3A_78] : memref<5x!tpu.dma_semaphore, #tpu.memory_space<semaphore_mem>> -> memref<1x!tpu.dma_semaphore, #tpu.memory_space<semaphore_mem>>
      %dma_start3A_90 = tpu.memref_squeeze %dma_start3A_89 : memref<1x!tpu.dma_semaphore, #tpu.memory_space<semaphore_mem>> -> memref<!tpu.dma_semaphore, #tpu.memory_space<semaphore_mem>>
      tpu.enqueue_indirect_dma source(%dma_start3A_88 : memref<100000x128xf32, #tpu.memory_space<hbm>>) target(%dma_start3A_82 : memref<64x128xf32, #tpu.memory_space<vmem>>) offsets(%dma_start3A_85 : memref<64xi32, #tpu.memory_space<vmem>>) semaphore(%dma_start3A_90 : memref<!tpu.dma_semaphore, #tpu.memory_space<semaphore_mem>>)
      %scan3A = arith.constant 0 : i32
      %scan3A_91 = arith.constant 19 : i32
      %scan3A_92 = arith.addi %scan3A, %scan3A_91 : i32
      %scan3A_93 = arith.constant 1 : i32
      scf.for %scan3A_349 = %scan3A to %scan3A_92 step %scan3A_93  : i32 {
        %mul3A_350 = arith.constant 1 : i32
        %mul3A_351 = arith.muli %scan3A_349, %mul3A_350 : i32
        %add3A_352 = arith.constant 0 : i32
        %add3A_353 = arith.addi %add3A_352, %mul3A_351 : i32
        %mul3A_354 = arith.constant 5 : i32
        %mul3A_355 = arith.muli %add3A_353, %mul3A_354 : i32
        %add3A_356 = arith.constant 0 : i32
        %add3A_357 = arith.addi %mul3A_355, %add3A_356 : i32
        %dma_wait3A_358 = arith.constant 0 : i32
        %dma_wait3A_359 = arith.constant 0 : i32
        %dma_wait3A_360 = arith.constant 0 : i32
        %dma_wait3A_361 = arith.constant 0 : i32
        %dma_wait3A_362 = tpu.memref_slice %arg11[%dma_wait3A_358, %dma_wait3A_360, %dma_wait3A_361] : memref<5x64x128xf32, #tpu.memory_space<vmem>> -> memref<1x64x128xf32, #tpu.memory_space<vmem>>
        %dma_wait3A_363 = tpu.memref_squeeze %dma_wait3A_362 : memref<1x64x128xf32, #tpu.memory_space<vmem>> -> memref<64x128xf32, #tpu.memory_space<vmem>>
        %dma_wait3A_364 = arith.constant 0 : i32
        %dma_wait3A_365 = tpu.memref_slice %arg10[%add3A_357, %dma_wait3A_364] : memref<100x64xi32, #tpu.memory_space<vmem>> -> memref<1x64xi32, #tpu.memory_space<vmem>>
        %dma_wait3A_366 = tpu.memref_squeeze %dma_wait3A_365 : memref<1x64xi32, #tpu.memory_space<vmem>> -> memref<64xi32, #tpu.memory_space<vmem>>
        %dma_wait3A_367 = arith.constant 0 : i32
        %dma_wait3A_368 = arith.constant 0 : i32
        %dma_wait3A_369 = tpu.memref_slice %arg2[%dma_wait3A_367, %dma_wait3A_368] : memref<100000x128xf32, #tpu.memory_space<hbm>> -> memref<100000x128xf32, #tpu.memory_space<hbm>>
        %dma_wait3A_370 = tpu.memref_slice %arg12[%dma_wait3A_359] : memref<5x!tpu.dma_semaphore, #tpu.memory_space<semaphore_mem>> -> memref<1x!tpu.dma_semaphore, #tpu.memory_space<semaphore_mem>>
        %dma_wait3A_371 = tpu.memref_squeeze %dma_wait3A_370 : memref<1x!tpu.dma_semaphore, #tpu.memory_space<semaphore_mem>> -> memref<!tpu.dma_semaphore, #tpu.memory_space<semaphore_mem>>
        tpu.wait_indirect_dma semaphore(%dma_wait3A_371 : memref<!tpu.dma_semaphore, #tpu.memory_space<semaphore_mem>>) src(%dma_wait3A_369 : memref<100000x128xf32, #tpu.memory_space<hbm>>) dst(%dma_wait3A_363 : memref<64x128xf32, #tpu.memory_space<vmem>>)
        %mul3A_372 = arith.constant 64 : i32
        %mul3A_373 = arith.muli %add3A_357, %mul3A_372 : i32
        %add3A_374 = arith.addi %mul3A_16, %mul3A_373 : i32
        %dma_start3A_375 = arith.constant 0 : i32
        %dma_start3A_376 = arith.constant 0 : i32
        %dma_start3A_377 = arith.constant 0 : i32
        %dma_start3A_378 = arith.constant 0 : i32
        %dma_start3A_379 = tpu.memref_slice %arg11[%dma_start3A_375, %dma_start3A_377, %dma_start3A_378] : memref<5x64x128xf32, #tpu.memory_space<vmem>> -> memref<1x64x128xf32, #tpu.memory_space<vmem>>
        %dma_start3A_380 = tpu.memref_squeeze %dma_start3A_379 : memref<1x64x128xf32, #tpu.memory_space<vmem>> -> memref<64x128xf32, #tpu.memory_space<vmem>>
        %dma_start3A_381 = arith.constant 0 : i32
        %dma_start3A_382 = tpu.memref_slice %arg7[%add3A_374, %dma_start3A_381] : memref<204800x128xf32, #tpu.memory_space<hbm>> -> memref<64x128xf32, #tpu.memory_space<hbm>>
        %dma_start3A_383 = tpu.memref_slice %arg13[%dma_start3A_376] : memref<5x!tpu.dma_semaphore, #tpu.memory_space<semaphore_mem>> -> memref<1x!tpu.dma_semaphore, #tpu.memory_space<semaphore_mem>>
        %dma_start3A_384 = tpu.memref_squeeze %dma_start3A_383 : memref<1x!tpu.dma_semaphore, #tpu.memory_space<semaphore_mem>> -> memref<!tpu.dma_semaphore, #tpu.memory_space<semaphore_mem>>
        %dma_start3A_385 = arith.constant 0 : i32
        %dma_start3A_386 = tpu.memref_slice %arg7[%add3A_374, %dma_start3A_385] : memref<204800x128xf32, #tpu.memory_space<hbm>> -> memref<64x128xf32, #tpu.memory_space<hbm>>
        %dma_start3A_387 = arith.constant 0 : i32
        %dma_start3A_388 = arith.constant 0 : i32
        %dma_start3A_389 = tpu.memref_slice %arg11[%dma_start3A_375, %dma_start3A_387, %dma_start3A_388] : memref<5x64x128xf32, #tpu.memory_space<vmem>> -> memref<1x64x128xf32, #tpu.memory_space<vmem>>
        %dma_start3A_390 = tpu.memref_squeeze %dma_start3A_389 : memref<1x64x128xf32, #tpu.memory_space<vmem>> -> memref<64x128xf32, #tpu.memory_space<vmem>>
        tpu.enqueue_dma source(%dma_start3A_390 : memref<64x128xf32, #tpu.memory_space<vmem>>) target(%dma_start3A_386 : memref<64x128xf32, #tpu.memory_space<hbm>>) target_semaphore(%dma_start3A_384 : memref<!tpu.dma_semaphore, #tpu.memory_space<semaphore_mem>>)
        %mul3A_391 = arith.constant 64 : i32
        %mul3A_392 = arith.muli %add3A_357, %mul3A_391 : i32
        %add3A_393 = arith.addi %mul3A_16, %mul3A_392 : i32
        %dma_wait3A_394 = arith.constant 0 : i32
        %dma_wait3A_395 = arith.constant 0 : i32
        %dma_wait3A_396 = arith.constant 0 : i32
        %dma_wait3A_397 = arith.constant 0 : i32
        %dma_wait3A_398 = tpu.memref_slice %arg11[%dma_wait3A_394, %dma_wait3A_396, %dma_wait3A_397] : memref<5x64x128xf32, #tpu.memory_space<vmem>> -> memref<1x64x128xf32, #tpu.memory_space<vmem>>
        %dma_wait3A_399 = tpu.memref_squeeze %dma_wait3A_398 : memref<1x64x128xf32, #tpu.memory_space<vmem>> -> memref<64x128xf32, #tpu.memory_space<vmem>>
        %dma_wait3A_400 = arith.constant 0 : i32
        %dma_wait3A_401 = tpu.memref_slice %arg7[%add3A_393, %dma_wait3A_400] : memref<204800x128xf32, #tpu.memory_space<hbm>> -> memref<64x128xf32, #tpu.memory_space<hbm>>
        %dma_wait3A_402 = tpu.memref_slice %arg13[%dma_wait3A_395] : memref<5x!tpu.dma_semaphore, #tpu.memory_space<semaphore_mem>> -> memref<1x!tpu.dma_semaphore, #tpu.memory_space<semaphore_mem>>
        %dma_wait3A_403 = tpu.memref_squeeze %dma_wait3A_402 : memref<1x!tpu.dma_semaphore, #tpu.memory_space<semaphore_mem>> -> memref<!tpu.dma_semaphore, #tpu.memory_space<semaphore_mem>>
        %dma_wait3A_404 = arith.constant 0 : i32
        %dma_wait3A_405 = tpu.memref_slice %arg7[%add3A_393, %dma_wait3A_404] : memref<204800x128xf32, #tpu.memory_space<hbm>> -> memref<64x128xf32, #tpu.memory_space<hbm>>
        %dma_wait3A_406 = arith.constant 0 : i32
        %dma_wait3A_407 = arith.constant 0 : i32
        %dma_wait3A_408 = tpu.memref_slice %arg11[%dma_wait3A_394, %dma_wait3A_406, %dma_wait3A_407] : memref<5x64x128xf32, #tpu.memory_space<vmem>> -> memref<1x64x128xf32, #tpu.memory_space<vmem>>
        %dma_wait3A_409 = tpu.memref_squeeze %dma_wait3A_408 : memref<1x64x128xf32, #tpu.memory_space<vmem>> -> memref<64x128xf32, #tpu.memory_space<vmem>>
        tpu.wait_dma2 semaphore(%dma_wait3A_403 : memref<!tpu.dma_semaphore, #tpu.memory_space<semaphore_mem>>) src(%dma_wait3A_409 : memref<64x128xf32, #tpu.memory_space<vmem>>) dst(%dma_wait3A_405 : memref<64x128xf32, #tpu.memory_space<hbm>>)
        %add3A_410 = arith.constant 5 : i32
        %add3A_411 = arith.addi %add3A_357, %add3A_410 : i32
        %dma_start3A_412 = arith.constant 0 : i32
        %dma_start3A_413 = arith.constant 0 : i32
        %dma_start3A_414 = arith.constant 0 : i32
        %dma_start3A_415 = arith.constant 0 : i32
        %dma_start3A_416 = tpu.memref_slice %arg11[%dma_start3A_412, %dma_start3A_414, %dma_start3A_415] : memref<5x64x128xf32, #tpu.memory_space<vmem>> -> memref<1x64x128xf32, #tpu.memory_space<vmem>>
        %dma_start3A_417 = tpu.memref_squeeze %dma_start3A_416 : memref<1x64x128xf32, #tpu.memory_space<vmem>> -> memref<64x128xf32, #tpu.memory_space<vmem>>
        %dma_start3A_418 = arith.constant 0 : i32
        %dma_start3A_419 = tpu.memref_slice %arg10[%add3A_411, %dma_start3A_418] : memref<100x64xi32, #tpu.memory_space<vmem>> -> memref<1x64xi32, #tpu.memory_space<vmem>>
        %dma_start3A_420 = tpu.memref_squeeze %dma_start3A_419 : memref<1x64xi32, #tpu.memory_space<vmem>> -> memref<64xi32, #tpu.memory_space<vmem>>
        %dma_start3A_421 = arith.constant 0 : i32
        %dma_start3A_422 = arith.constant 0 : i32
        %dma_start3A_423 = tpu.memref_slice %arg2[%dma_start3A_421, %dma_start3A_422] : memref<100000x128xf32, #tpu.memory_space<hbm>> -> memref<100000x128xf32, #tpu.memory_space<hbm>>
        %dma_start3A_424 = tpu.memref_slice %arg12[%dma_start3A_413] : memref<5x!tpu.dma_semaphore, #tpu.memory_space<semaphore_mem>> -> memref<1x!tpu.dma_semaphore, #tpu.memory_space<semaphore_mem>>
        %dma_start3A_425 = tpu.memref_squeeze %dma_start3A_424 : memref<1x!tpu.dma_semaphore, #tpu.memory_space<semaphore_mem>> -> memref<!tpu.dma_semaphore, #tpu.memory_space<semaphore_mem>>
        tpu.enqueue_indirect_dma source(%dma_start3A_423 : memref<100000x128xf32, #tpu.memory_space<hbm>>) target(%dma_start3A_417 : memref<64x128xf32, #tpu.memory_space<vmem>>) offsets(%dma_start3A_420 : memref<64xi32, #tpu.memory_space<vmem>>) semaphore(%dma_start3A_425 : memref<!tpu.dma_semaphore, #tpu.memory_space<semaphore_mem>>)
        %mul3A_426 = arith.constant 5 : i32
        %mul3A_427 = arith.muli %add3A_353, %mul3A_426 : i32
        %add3A_428 = arith.constant 1 : i32
        %add3A_429 = arith.addi %mul3A_427, %add3A_428 : i32
        %dma_wait3A_430 = arith.constant 1 : i32
        %dma_wait3A_431 = arith.constant 1 : i32
        %dma_wait3A_432 = arith.constant 0 : i32
        %dma_wait3A_433 = arith.constant 0 : i32
        %dma_wait3A_434 = tpu.memref_slice %arg11[%dma_wait3A_430, %dma_wait3A_432, %dma_wait3A_433] : memref<5x64x128xf32, #tpu.memory_space<vmem>> -> memref<1x64x128xf32, #tpu.memory_space<vmem>>
        %dma_wait3A_435 = tpu.memref_squeeze %dma_wait3A_434 : memref<1x64x128xf32, #tpu.memory_space<vmem>> -> memref<64x128xf32, #tpu.memory_space<vmem>>
        %dma_wait3A_436 = arith.constant 0 : i32
        %dma_wait3A_437 = tpu.memref_slice %arg10[%add3A_429, %dma_wait3A_436] : memref<100x64xi32, #tpu.memory_space<vmem>> -> memref<1x64xi32, #tpu.memory_space<vmem>>
        %dma_wait3A_438 = tpu.memref_squeeze %dma_wait3A_437 : memref<1x64xi32, #tpu.memory_space<vmem>> -> memref<64xi32, #tpu.memory_space<vmem>>
        %dma_wait3A_439 = arith.constant 0 : i32
        %dma_wait3A_440 = arith.constant 0 : i32
        %dma_wait3A_441 = tpu.memref_slice %arg2[%dma_wait3A_439, %dma_wait3A_440] : memref<100000x128xf32, #tpu.memory_space<hbm>> -> memref<100000x128xf32, #tpu.memory_space<hbm>>
        %dma_wait3A_442 = tpu.memref_slice %arg12[%dma_wait3A_431] : memref<5x!tpu.dma_semaphore, #tpu.memory_space<semaphore_mem>> -> memref<1x!tpu.dma_semaphore, #tpu.memory_space<semaphore_mem>>
        %dma_wait3A_443 = tpu.memref_squeeze %dma_wait3A_442 : memref<1x!tpu.dma_semaphore, #tpu.memory_space<semaphore_mem>> -> memref<!tpu.dma_semaphore, #tpu.memory_space<semaphore_mem>>
        tpu.wait_indirect_dma semaphore(%dma_wait3A_443 : memref<!tpu.dma_semaphore, #tpu.memory_space<semaphore_mem>>) src(%dma_wait3A_441 : memref<100000x128xf32, #tpu.memory_space<hbm>>) dst(%dma_wait3A_435 : memref<64x128xf32, #tpu.memory_space<vmem>>)
        %mul3A_444 = arith.constant 64 : i32
        %mul3A_445 = arith.muli %add3A_429, %mul3A_444 : i32
        %add3A_446 = arith.addi %mul3A_16, %mul3A_445 : i32
        %dma_start3A_447 = arith.constant 1 : i32
        %dma_start3A_448 = arith.constant 1 : i32
        %dma_start3A_449 = arith.constant 0 : i32
        %dma_start3A_450 = arith.constant 0 : i32
        %dma_start3A_451 = tpu.memref_slice %arg11[%dma_start3A_447, %dma_start3A_449, %dma_start3A_450] : memref<5x64x128xf32, #tpu.memory_space<vmem>> -> memref<1x64x128xf32, #tpu.memory_space<vmem>>
        %dma_start3A_452 = tpu.memref_squeeze %dma_start3A_451 : memref<1x64x128xf32, #tpu.memory_space<vmem>> -> memref<64x128xf32, #tpu.memory_space<vmem>>
        %dma_start3A_453 = arith.constant 0 : i32
        %dma_start3A_454 = tpu.memref_slice %arg7[%add3A_446, %dma_start3A_453] : memref<204800x128xf32, #tpu.memory_space<hbm>> -> memref<64x128xf32, #tpu.memory_space<hbm>>
        %dma_start3A_455 = tpu.memref_slice %arg13[%dma_start3A_448] : memref<5x!tpu.dma_semaphore, #tpu.memory_space<semaphore_mem>> -> memref<1x!tpu.dma_semaphore, #tpu.memory_space<semaphore_mem>>
        %dma_start3A_456 = tpu.memref_squeeze %dma_start3A_455 : memref<1x!tpu.dma_semaphore, #tpu.memory_space<semaphore_mem>> -> memref<!tpu.dma_semaphore, #tpu.memory_space<semaphore_mem>>
        %dma_start3A_457 = arith.constant 0 : i32
        %dma_start3A_458 = tpu.memref_slice %arg7[%add3A_446, %dma_start3A_457] : memref<204800x128xf32, #tpu.memory_space<hbm>> -> memref<64x128xf32, #tpu.memory_space<hbm>>
        %dma_start3A_459 = arith.constant 0 : i32
        %dma_start3A_460 = arith.constant 0 : i32
        %dma_start3A_461 = tpu.memref_slice %arg11[%dma_start3A_447, %dma_start3A_459, %dma_start3A_460] : memref<5x64x128xf32, #tpu.memory_space<vmem>> -> memref<1x64x128xf32, #tpu.memory_space<vmem>>
        %dma_start3A_462 = tpu.memref_squeeze %dma_start3A_461 : memref<1x64x128xf32, #tpu.memory_space<vmem>> -> memref<64x128xf32, #tpu.memory_space<vmem>>
        tpu.enqueue_dma source(%dma_start3A_462 : memref<64x128xf32, #tpu.memory_space<vmem>>) target(%dma_start3A_458 : memref<64x128xf32, #tpu.memory_space<hbm>>) target_semaphore(%dma_start3A_456 : memref<!tpu.dma_semaphore, #tpu.memory_space<semaphore_mem>>)
        %mul3A_463 = arith.constant 64 : i32
        %mul3A_464 = arith.muli %add3A_429, %mul3A_463 : i32
        %add3A_465 = arith.addi %mul3A_16, %mul3A_464 : i32
        %dma_wait3A_466 = arith.constant 1 : i32
        %dma_wait3A_467 = arith.constant 1 : i32
        %dma_wait3A_468 = arith.constant 0 : i32
        %dma_wait3A_469 = arith.constant 0 : i32
        %dma_wait3A_470 = tpu.memref_slice %arg11[%dma_wait3A_466, %dma_wait3A_468, %dma_wait3A_469] : memref<5x64x128xf32, #tpu.memory_space<vmem>> -> memref<1x64x128xf32, #tpu.memory_space<vmem>>
        %dma_wait3A_471 = tpu.memref_squeeze %dma_wait3A_470 : memref<1x64x128xf32, #tpu.memory_space<vmem>> -> memref<64x128xf32, #tpu.memory_space<vmem>>
        %dma_wait3A_472 = arith.constant 0 : i32
        %dma_wait3A_473 = tpu.memref_slice %arg7[%add3A_465, %dma_wait3A_472] : memref<204800x128xf32, #tpu.memory_space<hbm>> -> memref<64x128xf32, #tpu.memory_space<hbm>>
        %dma_wait3A_474 = tpu.memref_slice %arg13[%dma_wait3A_467] : memref<5x!tpu.dma_semaphore, #tpu.memory_space<semaphore_mem>> -> memref<1x!tpu.dma_semaphore, #tpu.memory_space<semaphore_mem>>
        %dma_wait3A_475 = tpu.memref_squeeze %dma_wait3A_474 : memref<1x!tpu.dma_semaphore, #tpu.memory_space<semaphore_mem>> -> memref<!tpu.dma_semaphore, #tpu.memory_space<semaphore_mem>>
        %dma_wait3A_476 = arith.constant 0 : i32
        %dma_wait3A_477 = tpu.memref_slice %arg7[%add3A_465, %dma_wait3A_476] : memref<204800x128xf32, #tpu.memory_space<hbm>> -> memref<64x128xf32, #tpu.memory_space<hbm>>
        %dma_wait3A_478 = arith.constant 0 : i32
        %dma_wait3A_479 = arith.constant 0 : i32
        %dma_wait3A_480 = tpu.memref_slice %arg11[%dma_wait3A_466, %dma_wait3A_478, %dma_wait3A_479] : memref<5x64x128xf32, #tpu.memory_space<vmem>> -> memref<1x64x128xf32, #tpu.memory_space<vmem>>
        %dma_wait3A_481 = tpu.memref_squeeze %dma_wait3A_480 : memref<1x64x128xf32, #tpu.memory_space<vmem>> -> memref<64x128xf32, #tpu.memory_space<vmem>>
        tpu.wait_dma2 semaphore(%dma_wait3A_475 : memref<!tpu.dma_semaphore, #tpu.memory_space<semaphore_mem>>) src(%dma_wait3A_481 : memref<64x128xf32, #tpu.memory_space<vmem>>) dst(%dma_wait3A_477 : memref<64x128xf32, #tpu.memory_space<hbm>>)
        %add3A_482 = arith.constant 5 : i32
        %add3A_483 = arith.addi %add3A_429, %add3A_482 : i32
        %dma_start3A_484 = arith.constant 1 : i32
        %dma_start3A_485 = arith.constant 1 : i32
        %dma_start3A_486 = arith.constant 0 : i32
        %dma_start3A_487 = arith.constant 0 : i32
        %dma_start3A_488 = tpu.memref_slice %arg11[%dma_start3A_484, %dma_start3A_486, %dma_start3A_487] : memref<5x64x128xf32, #tpu.memory_space<vmem>> -> memref<1x64x128xf32, #tpu.memory_space<vmem>>
        %dma_start3A_489 = tpu.memref_squeeze %dma_start3A_488 : memref<1x64x128xf32, #tpu.memory_space<vmem>> -> memref<64x128xf32, #tpu.memory_space<vmem>>
        %dma_start3A_490 = arith.constant 0 : i32
        %dma_start3A_491 = tpu.memref_slice %arg10[%add3A_483, %dma_start3A_490] : memref<100x64xi32, #tpu.memory_space<vmem>> -> memref<1x64xi32, #tpu.memory_space<vmem>>
        %dma_start3A_492 = tpu.memref_squeeze %dma_start3A_491 : memref<1x64xi32, #tpu.memory_space<vmem>> -> memref<64xi32, #tpu.memory_space<vmem>>
        %dma_start3A_493 = arith.constant 0 : i32
        %dma_start3A_494 = arith.constant 0 : i32
        %dma_start3A_495 = tpu.memref_slice %arg2[%dma_start3A_493, %dma_start3A_494] : memref<100000x128xf32, #tpu.memory_space<hbm>> -> memref<100000x128xf32, #tpu.memory_space<hbm>>
        %dma_start3A_496 = tpu.memref_slice %arg12[%dma_start3A_485] : memref<5x!tpu.dma_semaphore, #tpu.memory_space<semaphore_mem>> -> memref<1x!tpu.dma_semaphore, #tpu.memory_space<semaphore_mem>>
        %dma_start3A_497 = tpu.memref_squeeze %dma_start3A_496 : memref<1x!tpu.dma_semaphore, #tpu.memory_space<semaphore_mem>> -> memref<!tpu.dma_semaphore, #tpu.memory_space<semaphore_mem>>
        tpu.enqueue_indirect_dma source(%dma_start3A_495 : memref<100000x128xf32, #tpu.memory_space<hbm>>) target(%dma_start3A_489 : memref<64x128xf32, #tpu.memory_space<vmem>>) offsets(%dma_start3A_492 : memref<64xi32, #tpu.memory_space<vmem>>) semaphore(%dma_start3A_497 : memref<!tpu.dma_semaphore, #tpu.memory_space<semaphore_mem>>)
        %mul3A_498 = arith.constant 5 : i32
        %mul3A_499 = arith.muli %add3A_353, %mul3A_498 : i32
        %add3A_500 = arith.constant 2 : i32
        %add3A_501 = arith.addi %mul3A_499, %add3A_500 : i32
        %dma_wait3A_502 = arith.constant 2 : i32
        %dma_wait3A_503 = arith.constant 2 : i32
        %dma_wait3A_504 = arith.constant 0 : i32
        %dma_wait3A_505 = arith.constant 0 : i32
        %dma_wait3A_506 = tpu.memref_slice %arg11[%dma_wait3A_502, %dma_wait3A_504, %dma_wait3A_505] : memref<5x64x128xf32, #tpu.memory_space<vmem>> -> memref<1x64x128xf32, #tpu.memory_space<vmem>>
        %dma_wait3A_507 = tpu.memref_squeeze %dma_wait3A_506 : memref<1x64x128xf32, #tpu.memory_space<vmem>> -> memref<64x128xf32, #tpu.memory_space<vmem>>
        %dma_wait3A_508 = arith.constant 0 : i32
        %dma_wait3A_509 = tpu.memref_slice %arg10[%add3A_501, %dma_wait3A_508] : memref<100x64xi32, #tpu.memory_space<vmem>> -> memref<1x64xi32, #tpu.memory_space<vmem>>
        %dma_wait3A_510 = tpu.memref_squeeze %dma_wait3A_509 : memref<1x64xi32, #tpu.memory_space<vmem>> -> memref<64xi32, #tpu.memory_space<vmem>>
        %dma_wait3A_511 = arith.constant 0 : i32
        %dma_wait3A_512 = arith.constant 0 : i32
        %dma_wait3A_513 = tpu.memref_slice %arg2[%dma_wait3A_511, %dma_wait3A_512] : memref<100000x128xf32, #tpu.memory_space<hbm>> -> memref<100000x128xf32, #tpu.memory_space<hbm>>
        %dma_wait3A_514 = tpu.memref_slice %arg12[%dma_wait3A_503] : memref<5x!tpu.dma_semaphore, #tpu.memory_space<semaphore_mem>> -> memref<1x!tpu.dma_semaphore, #tpu.memory_space<semaphore_mem>>
        %dma_wait3A_515 = tpu.memref_squeeze %dma_wait3A_514 : memref<1x!tpu.dma_semaphore, #tpu.memory_space<semaphore_mem>> -> memref<!tpu.dma_semaphore, #tpu.memory_space<semaphore_mem>>
        tpu.wait_indirect_dma semaphore(%dma_wait3A_515 : memref<!tpu.dma_semaphore, #tpu.memory_space<semaphore_mem>>) src(%dma_wait3A_513 : memref<100000x128xf32, #tpu.memory_space<hbm>>) dst(%dma_wait3A_507 : memref<64x128xf32, #tpu.memory_space<vmem>>)
        %mul3A_516 = arith.constant 64 : i32
        %mul3A_517 = arith.muli %add3A_501, %mul3A_516 : i32
        %add3A_518 = arith.addi %mul3A_16, %mul3A_517 : i32
        %dma_start3A_519 = arith.constant 2 : i32
        %dma_start3A_520 = arith.constant 2 : i32
        %dma_start3A_521 = arith.constant 0 : i32
        %dma_start3A_522 = arith.constant 0 : i32
        %dma_start3A_523 = tpu.memref_slice %arg11[%dma_start3A_519, %dma_start3A_521, %dma_start3A_522] : memref<5x64x128xf32, #tpu.memory_space<vmem>> -> memref<1x64x128xf32, #tpu.memory_space<vmem>>
        %dma_start3A_524 = tpu.memref_squeeze %dma_start3A_523 : memref<1x64x128xf32, #tpu.memory_space<vmem>> -> memref<64x128xf32, #tpu.memory_space<vmem>>
        %dma_start3A_525 = arith.constant 0 : i32
        %dma_start3A_526 = tpu.memref_slice %arg7[%add3A_518, %dma_start3A_525] : memref<204800x128xf32, #tpu.memory_space<hbm>> -> memref<64x128xf32, #tpu.memory_space<hbm>>
        %dma_start3A_527 = tpu.memref_slice %arg13[%dma_start3A_520] : memref<5x!tpu.dma_semaphore, #tpu.memory_space<semaphore_mem>> -> memref<1x!tpu.dma_semaphore, #tpu.memory_space<semaphore_mem>>
        %dma_start3A_528 = tpu.memref_squeeze %dma_start3A_527 : memref<1x!tpu.dma_semaphore, #tpu.memory_space<semaphore_mem>> -> memref<!tpu.dma_semaphore, #tpu.memory_space<semaphore_mem>>
        %dma_start3A_529 = arith.constant 0 : i32
        %dma_start3A_530 = tpu.memref_slice %arg7[%add3A_518, %dma_start3A_529] : memref<204800x128xf32, #tpu.memory_space<hbm>> -> memref<64x128xf32, #tpu.memory_space<hbm>>
        %dma_start3A_531 = arith.constant 0 : i32
        %dma_start3A_532 = arith.constant 0 : i32
        %dma_start3A_533 = tpu.memref_slice %arg11[%dma_start3A_519, %dma_start3A_531, %dma_start3A_532] : memref<5x64x128xf32, #tpu.memory_space<vmem>> -> memref<1x64x128xf32, #tpu.memory_space<vmem>>
        %dma_start3A_534 = tpu.memref_squeeze %dma_start3A_533 : memref<1x64x128xf32, #tpu.memory_space<vmem>> -> memref<64x128xf32, #tpu.memory_space<vmem>>
        tpu.enqueue_dma source(%dma_start3A_534 : memref<64x128xf32, #tpu.memory_space<vmem>>) target(%dma_start3A_530 : memref<64x128xf32, #tpu.memory_space<hbm>>) target_semaphore(%dma_start3A_528 : memref<!tpu.dma_semaphore, #tpu.memory_space<semaphore_mem>>)
        %mul3A_535 = arith.constant 64 : i32
        %mul3A_536 = arith.muli %add3A_501, %mul3A_535 : i32
        %add3A_537 = arith.addi %mul3A_16, %mul3A_536 : i32
        %dma_wait3A_538 = arith.constant 2 : i32
        %dma_wait3A_539 = arith.constant 2 : i32
        %dma_wait3A_540 = arith.constant 0 : i32
        %dma_wait3A_541 = arith.constant 0 : i32
        %dma_wait3A_542 = tpu.memref_slice %arg11[%dma_wait3A_538, %dma_wait3A_540, %dma_wait3A_541] : memref<5x64x128xf32, #tpu.memory_space<vmem>> -> memref<1x64x128xf32, #tpu.memory_space<vmem>>
        %dma_wait3A_543 = tpu.memref_squeeze %dma_wait3A_542 : memref<1x64x128xf32, #tpu.memory_space<vmem>> -> memref<64x128xf32, #tpu.memory_space<vmem>>
        %dma_wait3A_544 = arith.constant 0 : i32
        %dma_wait3A_545 = tpu.memref_slice %arg7[%add3A_537, %dma_wait3A_544] : memref<204800x128xf32, #tpu.memory_space<hbm>> -> memref<64x128xf32, #tpu.memory_space<hbm>>
        %dma_wait3A_546 = tpu.memref_slice %arg13[%dma_wait3A_539] : memref<5x!tpu.dma_semaphore, #tpu.memory_space<semaphore_mem>> -> memref<1x!tpu.dma_semaphore, #tpu.memory_space<semaphore_mem>>
        %dma_wait3A_547 = tpu.memref_squeeze %dma_wait3A_546 : memref<1x!tpu.dma_semaphore, #tpu.memory_space<semaphore_mem>> -> memref<!tpu.dma_semaphore, #tpu.memory_space<semaphore_mem>>
        %dma_wait3A_548 = arith.constant 0 : i32
        %dma_wait3A_549 = tpu.memref_slice %arg7[%add3A_537, %dma_wait3A_548] : memref<204800x128xf32, #tpu.memory_space<hbm>> -> memref<64x128xf32, #tpu.memory_space<hbm>>
        %dma_wait3A_550 = arith.constant 0 : i32
        %dma_wait3A_551 = arith.constant 0 : i32
        %dma_wait3A_552 = tpu.memref_slice %arg11[%dma_wait3A_538, %dma_wait3A_550, %dma_wait3A_551] : memref<5x64x128xf32, #tpu.memory_space<vmem>> -> memref<1x64x128xf32, #tpu.memory_space<vmem>>
        %dma_wait3A_553 = tpu.memref_squeeze %dma_wait3A_552 : memref<1x64x128xf32, #tpu.memory_space<vmem>> -> memref<64x128xf32, #tpu.memory_space<vmem>>
        tpu.wait_dma2 semaphore(%dma_wait3A_547 : memref<!tpu.dma_semaphore, #tpu.memory_space<semaphore_mem>>) src(%dma_wait3A_553 : memref<64x128xf32, #tpu.memory_space<vmem>>) dst(%dma_wait3A_549 : memref<64x128xf32, #tpu.memory_space<hbm>>)
        %add3A_554 = arith.constant 5 : i32
        %add3A_555 = arith.addi %add3A_501, %add3A_554 : i32
        %dma_start3A_556 = arith.constant 2 : i32
        %dma_start3A_557 = arith.constant 2 : i32
        %dma_start3A_558 = arith.constant 0 : i32
        %dma_start3A_559 = arith.constant 0 : i32
        %dma_start3A_560 = tpu.memref_slice %arg11[%dma_start3A_556, %dma_start3A_558, %dma_start3A_559] : memref<5x64x128xf32, #tpu.memory_space<vmem>> -> memref<1x64x128xf32, #tpu.memory_space<vmem>>
        %dma_start3A_561 = tpu.memref_squeeze %dma_start3A_560 : memref<1x64x128xf32, #tpu.memory_space<vmem>> -> memref<64x128xf32, #tpu.memory_space<vmem>>
        %dma_start3A_562 = arith.constant 0 : i32
        %dma_start3A_563 = tpu.memref_slice %arg10[%add3A_555, %dma_start3A_562] : memref<100x64xi32, #tpu.memory_space<vmem>> -> memref<1x64xi32, #tpu.memory_space<vmem>>
        %dma_start3A_564 = tpu.memref_squeeze %dma_start3A_563 : memref<1x64xi32, #tpu.memory_space<vmem>> -> memref<64xi32, #tpu.memory_space<vmem>>
        %dma_start3A_565 = arith.constant 0 : i32
        %dma_start3A_566 = arith.constant 0 : i32
        %dma_start3A_567 = tpu.memref_slice %arg2[%dma_start3A_565, %dma_start3A_566] : memref<100000x128xf32, #tpu.memory_space<hbm>> -> memref<100000x128xf32, #tpu.memory_space<hbm>>
        %dma_start3A_568 = tpu.memref_slice %arg12[%dma_start3A_557] : memref<5x!tpu.dma_semaphore, #tpu.memory_space<semaphore_mem>> -> memref<1x!tpu.dma_semaphore, #tpu.memory_space<semaphore_mem>>
        %dma_start3A_569 = tpu.memref_squeeze %dma_start3A_568 : memref<1x!tpu.dma_semaphore, #tpu.memory_space<semaphore_mem>> -> memref<!tpu.dma_semaphore, #tpu.memory_space<semaphore_mem>>
        tpu.enqueue_indirect_dma source(%dma_start3A_567 : memref<100000x128xf32, #tpu.memory_space<hbm>>) target(%dma_start3A_561 : memref<64x128xf32, #tpu.memory_space<vmem>>) offsets(%dma_start3A_564 : memref<64xi32, #tpu.memory_space<vmem>>) semaphore(%dma_start3A_569 : memref<!tpu.dma_semaphore, #tpu.memory_space<semaphore_mem>>)
        %mul3A_570 = arith.constant 5 : i32
        %mul3A_571 = arith.muli %add3A_353, %mul3A_570 : i32
        %add3A_572 = arith.constant 3 : i32
        %add3A_573 = arith.addi %mul3A_571, %add3A_572 : i32
        %dma_wait3A_574 = arith.constant 3 : i32
        %dma_wait3A_575 = arith.constant 3 : i32
        %dma_wait3A_576 = arith.constant 0 : i32
        %dma_wait3A_577 = arith.constant 0 : i32
        %dma_wait3A_578 = tpu.memref_slice %arg11[%dma_wait3A_574, %dma_wait3A_576, %dma_wait3A_577] : memref<5x64x128xf32, #tpu.memory_space<vmem>> -> memref<1x64x128xf32, #tpu.memory_space<vmem>>
        %dma_wait3A_579 = tpu.memref_squeeze %dma_wait3A_578 : memref<1x64x128xf32, #tpu.memory_space<vmem>> -> memref<64x128xf32, #tpu.memory_space<vmem>>
        %dma_wait3A_580 = arith.constant 0 : i32
        %dma_wait3A_581 = tpu.memref_slice %arg10[%add3A_573, %dma_wait3A_580] : memref<100x64xi32, #tpu.memory_space<vmem>> -> memref<1x64xi32, #tpu.memory_space<vmem>>
        %dma_wait3A_582 = tpu.memref_squeeze %dma_wait3A_581 : memref<1x64xi32, #tpu.memory_space<vmem>> -> memref<64xi32, #tpu.memory_space<vmem>>
        %dma_wait3A_583 = arith.constant 0 : i32
        %dma_wait3A_584 = arith.constant 0 : i32
        %dma_wait3A_585 = tpu.memref_slice %arg2[%dma_wait3A_583, %dma_wait3A_584] : memref<100000x128xf32, #tpu.memory_space<hbm>> -> memref<100000x128xf32, #tpu.memory_space<hbm>>
        %dma_wait3A_586 = tpu.memref_slice %arg12[%dma_wait3A_575] : memref<5x!tpu.dma_semaphore, #tpu.memory_space<semaphore_mem>> -> memref<1x!tpu.dma_semaphore, #tpu.memory_space<semaphore_mem>>
        %dma_wait3A_587 = tpu.memref_squeeze %dma_wait3A_586 : memref<1x!tpu.dma_semaphore, #tpu.memory_space<semaphore_mem>> -> memref<!tpu.dma_semaphore, #tpu.memory_space<semaphore_mem>>
        tpu.wait_indirect_dma semaphore(%dma_wait3A_587 : memref<!tpu.dma_semaphore, #tpu.memory_space<semaphore_mem>>) src(%dma_wait3A_585 : memref<100000x128xf32, #tpu.memory_space<hbm>>) dst(%dma_wait3A_579 : memref<64x128xf32, #tpu.memory_space<vmem>>)
        %mul3A_588 = arith.constant 64 : i32
        %mul3A_589 = arith.muli %add3A_573, %mul3A_588 : i32
        %add3A_590 = arith.addi %mul3A_16, %mul3A_589 : i32
        %dma_start3A_591 = arith.constant 3 : i32
        %dma_start3A_592 = arith.constant 3 : i32
        %dma_start3A_593 = arith.constant 0 : i32
        %dma_start3A_594 = arith.constant 0 : i32
        %dma_start3A_595 = tpu.memref_slice %arg11[%dma_start3A_591, %dma_start3A_593, %dma_start3A_594] : memref<5x64x128xf32, #tpu.memory_space<vmem>> -> memref<1x64x128xf32, #tpu.memory_space<vmem>>
        %dma_start3A_596 = tpu.memref_squeeze %dma_start3A_595 : memref<1x64x128xf32, #tpu.memory_space<vmem>> -> memref<64x128xf32, #tpu.memory_space<vmem>>
        %dma_start3A_597 = arith.constant 0 : i32
        %dma_start3A_598 = tpu.memref_slice %arg7[%add3A_590, %dma_start3A_597] : memref<204800x128xf32, #tpu.memory_space<hbm>> -> memref<64x128xf32, #tpu.memory_space<hbm>>
        %dma_start3A_599 = tpu.memref_slice %arg13[%dma_start3A_592] : memref<5x!tpu.dma_semaphore, #tpu.memory_space<semaphore_mem>> -> memref<1x!tpu.dma_semaphore, #tpu.memory_space<semaphore_mem>>
        %dma_start3A_600 = tpu.memref_squeeze %dma_start3A_599 : memref<1x!tpu.dma_semaphore, #tpu.memory_space<semaphore_mem>> -> memref<!tpu.dma_semaphore, #tpu.memory_space<semaphore_mem>>
        %dma_start3A_601 = arith.constant 0 : i32
        %dma_start3A_602 = tpu.memref_slice %arg7[%add3A_590, %dma_start3A_601] : memref<204800x128xf32, #tpu.memory_space<hbm>> -> memref<64x128xf32, #tpu.memory_space<hbm>>
        %dma_start3A_603 = arith.constant 0 : i32
        %dma_start3A_604 = arith.constant 0 : i32
        %dma_start3A_605 = tpu.memref_slice %arg11[%dma_start3A_591, %dma_start3A_603, %dma_start3A_604] : memref<5x64x128xf32, #tpu.memory_space<vmem>> -> memref<1x64x128xf32, #tpu.memory_space<vmem>>
        %dma_start3A_606 = tpu.memref_squeeze %dma_start3A_605 : memref<1x64x128xf32, #tpu.memory_space<vmem>> -> memref<64x128xf32, #tpu.memory_space<vmem>>
        tpu.enqueue_dma source(%dma_start3A_606 : memref<64x128xf32, #tpu.memory_space<vmem>>) target(%dma_start3A_602 : memref<64x128xf32, #tpu.memory_space<hbm>>) target_semaphore(%dma_start3A_600 : memref<!tpu.dma_semaphore, #tpu.memory_space<semaphore_mem>>)
        %mul3A_607 = arith.constant 64 : i32
        %mul3A_608 = arith.muli %add3A_573, %mul3A_607 : i32
        %add3A_609 = arith.addi %mul3A_16, %mul3A_608 : i32
        %dma_wait3A_610 = arith.constant 3 : i32
        %dma_wait3A_611 = arith.constant 3 : i32
        %dma_wait3A_612 = arith.constant 0 : i32
        %dma_wait3A_613 = arith.constant 0 : i32
        %dma_wait3A_614 = tpu.memref_slice %arg11[%dma_wait3A_610, %dma_wait3A_612, %dma_wait3A_613] : memref<5x64x128xf32, #tpu.memory_space<vmem>> -> memref<1x64x128xf32, #tpu.memory_space<vmem>>
        %dma_wait3A_615 = tpu.memref_squeeze %dma_wait3A_614 : memref<1x64x128xf32, #tpu.memory_space<vmem>> -> memref<64x128xf32, #tpu.memory_space<vmem>>
        %dma_wait3A_616 = arith.constant 0 : i32
        %dma_wait3A_617 = tpu.memref_slice %arg7[%add3A_609, %dma_wait3A_616] : memref<204800x128xf32, #tpu.memory_space<hbm>> -> memref<64x128xf32, #tpu.memory_space<hbm>>
        %dma_wait3A_618 = tpu.memref_slice %arg13[%dma_wait3A_611] : memref<5x!tpu.dma_semaphore, #tpu.memory_space<semaphore_mem>> -> memref<1x!tpu.dma_semaphore, #tpu.memory_space<semaphore_mem>>
        %dma_wait3A_619 = tpu.memref_squeeze %dma_wait3A_618 : memref<1x!tpu.dma_semaphore, #tpu.memory_space<semaphore_mem>> -> memref<!tpu.dma_semaphore, #tpu.memory_space<semaphore_mem>>
        %dma_wait3A_620 = arith.constant 0 : i32
        %dma_wait3A_621 = tpu.memref_slice %arg7[%add3A_609, %dma_wait3A_620] : memref<204800x128xf32, #tpu.memory_space<hbm>> -> memref<64x128xf32, #tpu.memory_space<hbm>>
        %dma_wait3A_622 = arith.constant 0 : i32
        %dma_wait3A_623 = arith.constant 0 : i32
        %dma_wait3A_624 = tpu.memref_slice %arg11[%dma_wait3A_610, %dma_wait3A_622, %dma_wait3A_623] : memref<5x64x128xf32, #tpu.memory_space<vmem>> -> memref<1x64x128xf32, #tpu.memory_space<vmem>>
        %dma_wait3A_625 = tpu.memref_squeeze %dma_wait3A_624 : memref<1x64x128xf32, #tpu.memory_space<vmem>> -> memref<64x128xf32, #tpu.memory_space<vmem>>
        tpu.wait_dma2 semaphore(%dma_wait3A_619 : memref<!tpu.dma_semaphore, #tpu.memory_space<semaphore_mem>>) src(%dma_wait3A_625 : memref<64x128xf32, #tpu.memory_space<vmem>>) dst(%dma_wait3A_621 : memref<64x128xf32, #tpu.memory_space<hbm>>)
        %add3A_626 = arith.constant 5 : i32
        %add3A_627 = arith.addi %add3A_573, %add3A_626 : i32
        %dma_start3A_628 = arith.constant 3 : i32
        %dma_start3A_629 = arith.constant 3 : i32
        %dma_start3A_630 = arith.constant 0 : i32
        %dma_start3A_631 = arith.constant 0 : i32
        %dma_start3A_632 = tpu.memref_slice %arg11[%dma_start3A_628, %dma_start3A_630, %dma_start3A_631] : memref<5x64x128xf32, #tpu.memory_space<vmem>> -> memref<1x64x128xf32, #tpu.memory_space<vmem>>
        %dma_start3A_633 = tpu.memref_squeeze %dma_start3A_632 : memref<1x64x128xf32, #tpu.memory_space<vmem>> -> memref<64x128xf32, #tpu.memory_space<vmem>>
        %dma_start3A_634 = arith.constant 0 : i32
        %dma_start3A_635 = tpu.memref_slice %arg10[%add3A_627, %dma_start3A_634] : memref<100x64xi32, #tpu.memory_space<vmem>> -> memref<1x64xi32, #tpu.memory_space<vmem>>
        %dma_start3A_636 = tpu.memref_squeeze %dma_start3A_635 : memref<1x64xi32, #tpu.memory_space<vmem>> -> memref<64xi32, #tpu.memory_space<vmem>>
        %dma_start3A_637 = arith.constant 0 : i32
        %dma_start3A_638 = arith.constant 0 : i32
        %dma_start3A_639 = tpu.memref_slice %arg2[%dma_start3A_637, %dma_start3A_638] : memref<100000x128xf32, #tpu.memory_space<hbm>> -> memref<100000x128xf32, #tpu.memory_space<hbm>>
        %dma_start3A_640 = tpu.memref_slice %arg12[%dma_start3A_629] : memref<5x!tpu.dma_semaphore, #tpu.memory_space<semaphore_mem>> -> memref<1x!tpu.dma_semaphore, #tpu.memory_space<semaphore_mem>>
        %dma_start3A_641 = tpu.memref_squeeze %dma_start3A_640 : memref<1x!tpu.dma_semaphore, #tpu.memory_space<semaphore_mem>> -> memref<!tpu.dma_semaphore, #tpu.memory_space<semaphore_mem>>
        tpu.enqueue_indirect_dma source(%dma_start3A_639 : memref<100000x128xf32, #tpu.memory_space<hbm>>) target(%dma_start3A_633 : memref<64x128xf32, #tpu.memory_space<vmem>>) offsets(%dma_start3A_636 : memref<64xi32, #tpu.memory_space<vmem>>) semaphore(%dma_start3A_641 : memref<!tpu.dma_semaphore, #tpu.memory_space<semaphore_mem>>)
        %mul3A_642 = arith.constant 5 : i32
        %mul3A_643 = arith.muli %add3A_353, %mul3A_642 : i32
        %add3A_644 = arith.constant 4 : i32
        %add3A_645 = arith.addi %mul3A_643, %add3A_644 : i32
        %dma_wait3A_646 = arith.constant 4 : i32
        %dma_wait3A_647 = arith.constant 4 : i32
        %dma_wait3A_648 = arith.constant 0 : i32
        %dma_wait3A_649 = arith.constant 0 : i32
        %dma_wait3A_650 = tpu.memref_slice %arg11[%dma_wait3A_646, %dma_wait3A_648, %dma_wait3A_649] : memref<5x64x128xf32, #tpu.memory_space<vmem>> -> memref<1x64x128xf32, #tpu.memory_space<vmem>>
        %dma_wait3A_651 = tpu.memref_squeeze %dma_wait3A_650 : memref<1x64x128xf32, #tpu.memory_space<vmem>> -> memref<64x128xf32, #tpu.memory_space<vmem>>
        %dma_wait3A_652 = arith.constant 0 : i32
        %dma_wait3A_653 = tpu.memref_slice %arg10[%add3A_645, %dma_wait3A_652] : memref<100x64xi32, #tpu.memory_space<vmem>> -> memref<1x64xi32, #tpu.memory_space<vmem>>
        %dma_wait3A_654 = tpu.memref_squeeze %dma_wait3A_653 : memref<1x64xi32, #tpu.memory_space<vmem>> -> memref<64xi32, #tpu.memory_space<vmem>>
        %dma_wait3A_655 = arith.constant 0 : i32
        %dma_wait3A_656 = arith.constant 0 : i32
        %dma_wait3A_657 = tpu.memref_slice %arg2[%dma_wait3A_655, %dma_wait3A_656] : memref<100000x128xf32, #tpu.memory_space<hbm>> -> memref<100000x128xf32, #tpu.memory_space<hbm>>
        %dma_wait3A_658 = tpu.memref_slice %arg12[%dma_wait3A_647] : memref<5x!tpu.dma_semaphore, #tpu.memory_space<semaphore_mem>> -> memref<1x!tpu.dma_semaphore, #tpu.memory_space<semaphore_mem>>
        %dma_wait3A_659 = tpu.memref_squeeze %dma_wait3A_658 : memref<1x!tpu.dma_semaphore, #tpu.memory_space<semaphore_mem>> -> memref<!tpu.dma_semaphore, #tpu.memory_space<semaphore_mem>>
        tpu.wait_indirect_dma semaphore(%dma_wait3A_659 : memref<!tpu.dma_semaphore, #tpu.memory_space<semaphore_mem>>) src(%dma_wait3A_657 : memref<100000x128xf32, #tpu.memory_space<hbm>>) dst(%dma_wait3A_651 : memref<64x128xf32, #tpu.memory_space<vmem>>)
        %mul3A_660 = arith.constant 64 : i32
        %mul3A_661 = arith.muli %add3A_645, %mul3A_660 : i32
        %add3A_662 = arith.addi %mul3A_16, %mul3A_661 : i32
        %dma_start3A_663 = arith.constant 4 : i32
        %dma_start3A_664 = arith.constant 4 : i32
        %dma_start3A_665 = arith.constant 0 : i32
        %dma_start3A_666 = arith.constant 0 : i32
        %dma_start3A_667 = tpu.memref_slice %arg11[%dma_start3A_663, %dma_start3A_665, %dma_start3A_666] : memref<5x64x128xf32, #tpu.memory_space<vmem>> -> memref<1x64x128xf32, #tpu.memory_space<vmem>>
        %dma_start3A_668 = tpu.memref_squeeze %dma_start3A_667 : memref<1x64x128xf32, #tpu.memory_space<vmem>> -> memref<64x128xf32, #tpu.memory_space<vmem>>
        %dma_start3A_669 = arith.constant 0 : i32
        %dma_start3A_670 = tpu.memref_slice %arg7[%add3A_662, %dma_start3A_669] : memref<204800x128xf32, #tpu.memory_space<hbm>> -> memref<64x128xf32, #tpu.memory_space<hbm>>
        %dma_start3A_671 = tpu.memref_slice %arg13[%dma_start3A_664] : memref<5x!tpu.dma_semaphore, #tpu.memory_space<semaphore_mem>> -> memref<1x!tpu.dma_semaphore, #tpu.memory_space<semaphore_mem>>
        %dma_start3A_672 = tpu.memref_squeeze %dma_start3A_671 : memref<1x!tpu.dma_semaphore, #tpu.memory_space<semaphore_mem>> -> memref<!tpu.dma_semaphore, #tpu.memory_space<semaphore_mem>>
        %dma_start3A_673 = arith.constant 0 : i32
        %dma_start3A_674 = tpu.memref_slice %arg7[%add3A_662, %dma_start3A_673] : memref<204800x128xf32, #tpu.memory_space<hbm>> -> memref<64x128xf32, #tpu.memory_space<hbm>>
        %dma_start3A_675 = arith.constant 0 : i32
        %dma_start3A_676 = arith.constant 0 : i32
        %dma_start3A_677 = tpu.memref_slice %arg11[%dma_start3A_663, %dma_start3A_675, %dma_start3A_676] : memref<5x64x128xf32, #tpu.memory_space<vmem>> -> memref<1x64x128xf32, #tpu.memory_space<vmem>>
        %dma_start3A_678 = tpu.memref_squeeze %dma_start3A_677 : memref<1x64x128xf32, #tpu.memory_space<vmem>> -> memref<64x128xf32, #tpu.memory_space<vmem>>
        tpu.enqueue_dma source(%dma_start3A_678 : memref<64x128xf32, #tpu.memory_space<vmem>>) target(%dma_start3A_674 : memref<64x128xf32, #tpu.memory_space<hbm>>) target_semaphore(%dma_start3A_672 : memref<!tpu.dma_semaphore, #tpu.memory_space<semaphore_mem>>)
        %mul3A_679 = arith.constant 64 : i32
        %mul3A_680 = arith.muli %add3A_645, %mul3A_679 : i32
        %add3A_681 = arith.addi %mul3A_16, %mul3A_680 : i32
        %dma_wait3A_682 = arith.constant 4 : i32
        %dma_wait3A_683 = arith.constant 4 : i32
        %dma_wait3A_684 = arith.constant 0 : i32
        %dma_wait3A_685 = arith.constant 0 : i32
        %dma_wait3A_686 = tpu.memref_slice %arg11[%dma_wait3A_682, %dma_wait3A_684, %dma_wait3A_685] : memref<5x64x128xf32, #tpu.memory_space<vmem>> -> memref<1x64x128xf32, #tpu.memory_space<vmem>>
        %dma_wait3A_687 = tpu.memref_squeeze %dma_wait3A_686 : memref<1x64x128xf32, #tpu.memory_space<vmem>> -> memref<64x128xf32, #tpu.memory_space<vmem>>
        %dma_wait3A_688 = arith.constant 0 : i32
        %dma_wait3A_689 = tpu.memref_slice %arg7[%add3A_681, %dma_wait3A_688] : memref<204800x128xf32, #tpu.memory_space<hbm>> -> memref<64x128xf32, #tpu.memory_space<hbm>>
        %dma_wait3A_690 = tpu.memref_slice %arg13[%dma_wait3A_683] : memref<5x!tpu.dma_semaphore, #tpu.memory_space<semaphore_mem>> -> memref<1x!tpu.dma_semaphore, #tpu.memory_space<semaphore_mem>>
        %dma_wait3A_691 = tpu.memref_squeeze %dma_wait3A_690 : memref<1x!tpu.dma_semaphore, #tpu.memory_space<semaphore_mem>> -> memref<!tpu.dma_semaphore, #tpu.memory_space<semaphore_mem>>
        %dma_wait3A_692 = arith.constant 0 : i32
        %dma_wait3A_693 = tpu.memref_slice %arg7[%add3A_681, %dma_wait3A_692] : memref<204800x128xf32, #tpu.memory_space<hbm>> -> memref<64x128xf32, #tpu.memory_space<hbm>>
        %dma_wait3A_694 = arith.constant 0 : i32
        %dma_wait3A_695 = arith.constant 0 : i32
        %dma_wait3A_696 = tpu.memref_slice %arg11[%dma_wait3A_682, %dma_wait3A_694, %dma_wait3A_695] : memref<5x64x128xf32, #tpu.memory_space<vmem>> -> memref<1x64x128xf32, #tpu.memory_space<vmem>>
        %dma_wait3A_697 = tpu.memref_squeeze %dma_wait3A_696 : memref<1x64x128xf32, #tpu.memory_space<vmem>> -> memref<64x128xf32, #tpu.memory_space<vmem>>
        tpu.wait_dma2 semaphore(%dma_wait3A_691 : memref<!tpu.dma_semaphore, #tpu.memory_space<semaphore_mem>>) src(%dma_wait3A_697 : memref<64x128xf32, #tpu.memory_space<vmem>>) dst(%dma_wait3A_693 : memref<64x128xf32, #tpu.memory_space<hbm>>)
        %add3A_698 = arith.constant 5 : i32
        %add3A_699 = arith.addi %add3A_645, %add3A_698 : i32
        %dma_start3A_700 = arith.constant 4 : i32
        %dma_start3A_701 = arith.constant 4 : i32
        %dma_start3A_702 = arith.constant 0 : i32
        %dma_start3A_703 = arith.constant 0 : i32
        %dma_start3A_704 = tpu.memref_slice %arg11[%dma_start3A_700, %dma_start3A_702, %dma_start3A_703] : memref<5x64x128xf32, #tpu.memory_space<vmem>> -> memref<1x64x128xf32, #tpu.memory_space<vmem>>
        %dma_start3A_705 = tpu.memref_squeeze %dma_start3A_704 : memref<1x64x128xf32, #tpu.memory_space<vmem>> -> memref<64x128xf32, #tpu.memory_space<vmem>>
        %dma_start3A_706 = arith.constant 0 : i32
        %dma_start3A_707 = tpu.memref_slice %arg10[%add3A_699, %dma_start3A_706] : memref<100x64xi32, #tpu.memory_space<vmem>> -> memref<1x64xi32, #tpu.memory_space<vmem>>
        %dma_start3A_708 = tpu.memref_squeeze %dma_start3A_707 : memref<1x64xi32, #tpu.memory_space<vmem>> -> memref<64xi32, #tpu.memory_space<vmem>>
        %dma_start3A_709 = arith.constant 0 : i32
        %dma_start3A_710 = arith.constant 0 : i32
        %dma_start3A_711 = tpu.memref_slice %arg2[%dma_start3A_709, %dma_start3A_710] : memref<100000x128xf32, #tpu.memory_space<hbm>> -> memref<100000x128xf32, #tpu.memory_space<hbm>>
        %dma_start3A_712 = tpu.memref_slice %arg12[%dma_start3A_701] : memref<5x!tpu.dma_semaphore, #tpu.memory_space<semaphore_mem>> -> memref<1x!tpu.dma_semaphore, #tpu.memory_space<semaphore_mem>>
        %dma_start3A_713 = tpu.memref_squeeze %dma_start3A_712 : memref<1x!tpu.dma_semaphore, #tpu.memory_space<semaphore_mem>> -> memref<!tpu.dma_semaphore, #tpu.memory_space<semaphore_mem>>
        tpu.enqueue_indirect_dma source(%dma_start3A_711 : memref<100000x128xf32, #tpu.memory_space<hbm>>) target(%dma_start3A_705 : memref<64x128xf32, #tpu.memory_space<vmem>>) offsets(%dma_start3A_708 : memref<64xi32, #tpu.memory_space<vmem>>) semaphore(%dma_start3A_713 : memref<!tpu.dma_semaphore, #tpu.memory_space<semaphore_mem>>)
      }
      %scan3A_94 = arith.constant 19 : i32
      %dma_wait3A = arith.constant 95 : i32
      %dma_wait3A_95 = arith.constant 0 : i32
      %dma_wait3A_96 = arith.constant 0 : i32
      %dma_wait3A_97 = arith.constant 0 : i32
      %dma_wait3A_98 = arith.constant 0 : i32
      %dma_wait3A_99 = tpu.memref_slice %arg11[%dma_wait3A_95, %dma_wait3A_97, %dma_wait3A_98] : memref<5x64x128xf32, #tpu.memory_space<vmem>> -> memref<1x64x128xf32, #tpu.memory_space<vmem>>
      %dma_wait3A_100 = tpu.memref_squeeze %dma_wait3A_99 : memref<1x64x128xf32, #tpu.memory_space<vmem>> -> memref<64x128xf32, #tpu.memory_space<vmem>>
      %dma_wait3A_101 = arith.constant 0 : i32
      %dma_wait3A_102 = tpu.memref_slice %arg10[%dma_wait3A, %dma_wait3A_101] : memref<100x64xi32, #tpu.memory_space<vmem>> -> memref<1x64xi32, #tpu.memory_space<vmem>>
      %dma_wait3A_103 = tpu.memref_squeeze %dma_wait3A_102 : memref<1x64xi32, #tpu.memory_space<vmem>> -> memref<64xi32, #tpu.memory_space<vmem>>
      %dma_wait3A_104 = arith.constant 0 : i32
      %dma_wait3A_105 = arith.constant 0 : i32
      %dma_wait3A_106 = tpu.memref_slice %arg2[%dma_wait3A_104, %dma_wait3A_105] : memref<100000x128xf32, #tpu.memory_space<hbm>> -> memref<100000x128xf32, #tpu.memory_space<hbm>>
      %dma_wait3A_107 = tpu.memref_slice %arg12[%dma_wait3A_96] : memref<5x!tpu.dma_semaphore, #tpu.memory_space<semaphore_mem>> -> memref<1x!tpu.dma_semaphore, #tpu.memory_space<semaphore_mem>>
      %dma_wait3A_108 = tpu.memref_squeeze %dma_wait3A_107 : memref<1x!tpu.dma_semaphore, #tpu.memory_space<semaphore_mem>> -> memref<!tpu.dma_semaphore, #tpu.memory_space<semaphore_mem>>
      tpu.wait_indirect_dma semaphore(%dma_wait3A_108 : memref<!tpu.dma_semaphore, #tpu.memory_space<semaphore_mem>>) src(%dma_wait3A_106 : memref<100000x128xf32, #tpu.memory_space<hbm>>) dst(%dma_wait3A_100 : memref<64x128xf32, #tpu.memory_space<vmem>>)
      %add3A_109 = arith.constant 6080 : i32
      %add3A_110 = arith.addi %mul3A_16, %add3A_109 : i32
      %dma_start3A_111 = arith.constant 0 : i32
      %dma_start3A_112 = arith.constant 0 : i32
      %dma_start3A_113 = arith.constant 0 : i32
      %dma_start3A_114 = arith.constant 0 : i32
      %dma_start3A_115 = tpu.memref_slice %arg11[%dma_start3A_111, %dma_start3A_113, %dma_start3A_114] : memref<5x64x128xf32, #tpu.memory_space<vmem>> -> memref<1x64x128xf32, #tpu.memory_space<vmem>>
      %dma_start3A_116 = tpu.memref_squeeze %dma_start3A_115 : memref<1x64x128xf32, #tpu.memory_space<vmem>> -> memref<64x128xf32, #tpu.memory_space<vmem>>
      %dma_start3A_117 = arith.constant 0 : i32
      %dma_start3A_118 = tpu.memref_slice %arg7[%add3A_110, %dma_start3A_117] : memref<204800x128xf32, #tpu.memory_space<hbm>> -> memref<64x128xf32, #tpu.memory_space<hbm>>
      %dma_start3A_119 = tpu.memref_slice %arg13[%dma_start3A_112] : memref<5x!tpu.dma_semaphore, #tpu.memory_space<semaphore_mem>> -> memref<1x!tpu.dma_semaphore, #tpu.memory_space<semaphore_mem>>
      %dma_start3A_120 = tpu.memref_squeeze %dma_start3A_119 : memref<1x!tpu.dma_semaphore, #tpu.memory_space<semaphore_mem>> -> memref<!tpu.dma_semaphore, #tpu.memory_space<semaphore_mem>>
      %dma_start3A_121 = arith.constant 0 : i32
      %dma_start3A_122 = tpu.memref_slice %arg7[%add3A_110, %dma_start3A_121] : memref<204800x128xf32, #tpu.memory_space<hbm>> -> memref<64x128xf32, #tpu.memory_space<hbm>>
      %dma_start3A_123 = arith.constant 0 : i32
      %dma_start3A_124 = arith.constant 0 : i32
      %dma_start3A_125 = tpu.memref_slice %arg11[%dma_start3A_111, %dma_start3A_123, %dma_start3A_124] : memref<5x64x128xf32, #tpu.memory_space<vmem>> -> memref<1x64x128xf32, #tpu.memory_space<vmem>>
      %dma_start3A_126 = tpu.memref_squeeze %dma_start3A_125 : memref<1x64x128xf32, #tpu.memory_space<vmem>> -> memref<64x128xf32, #tpu.memory_space<vmem>>
      tpu.enqueue_dma source(%dma_start3A_126 : memref<64x128xf32, #tpu.memory_space<vmem>>) target(%dma_start3A_122 : memref<64x128xf32, #tpu.memory_space<hbm>>) target_semaphore(%dma_start3A_120 : memref<!tpu.dma_semaphore, #tpu.memory_space<semaphore_mem>>)
      %dma_wait3A_127 = arith.constant 96 : i32
      %dma_wait3A_128 = arith.constant 1 : i32
      %dma_wait3A_129 = arith.constant 1 : i32
      %dma_wait3A_130 = arith.constant 0 : i32
      %dma_wait3A_131 = arith.constant 0 : i32
      %dma_wait3A_132 = tpu.memref_slice %arg11[%dma_wait3A_128, %dma_wait3A_130, %dma_wait3A_131] : memref<5x64x128xf32, #tpu.memory_space<vmem>> -> memref<1x64x128xf32, #tpu.memory_space<vmem>>
      %dma_wait3A_133 = tpu.memref_squeeze %dma_wait3A_132 : memref<1x64x128xf32, #tpu.memory_space<vmem>> -> memref<64x128xf32, #tpu.memory_space<vmem>>
      %dma_wait3A_134 = arith.constant 0 : i32
      %dma_wait3A_135 = tpu.memref_slice %arg10[%dma_wait3A_127, %dma_wait3A_134] : memref<100x64xi32, #tpu.memory_space<vmem>> -> memref<1x64xi32, #tpu.memory_space<vmem>>
      %dma_wait3A_136 = tpu.memref_squeeze %dma_wait3A_135 : memref<1x64xi32, #tpu.memory_space<vmem>> -> memref<64xi32, #tpu.memory_space<vmem>>
      %dma_wait3A_137 = arith.constant 0 : i32
      %dma_wait3A_138 = arith.constant 0 : i32
      %dma_wait3A_139 = tpu.memref_slice %arg2[%dma_wait3A_137, %dma_wait3A_138] : memref<100000x128xf32, #tpu.memory_space<hbm>> -> memref<100000x128xf32, #tpu.memory_space<hbm>>
      %dma_wait3A_140 = tpu.memref_slice %arg12[%dma_wait3A_129] : memref<5x!tpu.dma_semaphore, #tpu.memory_space<semaphore_mem>> -> memref<1x!tpu.dma_semaphore, #tpu.memory_space<semaphore_mem>>
      %dma_wait3A_141 = tpu.memref_squeeze %dma_wait3A_140 : memref<1x!tpu.dma_semaphore, #tpu.memory_space<semaphore_mem>> -> memref<!tpu.dma_semaphore, #tpu.memory_space<semaphore_mem>>
      tpu.wait_indirect_dma semaphore(%dma_wait3A_141 : memref<!tpu.dma_semaphore, #tpu.memory_space<semaphore_mem>>) src(%dma_wait3A_139 : memref<100000x128xf32, #tpu.memory_space<hbm>>) dst(%dma_wait3A_133 : memref<64x128xf32, #tpu.memory_space<vmem>>)
      %add3A_142 = arith.constant 6144 : i32
      %add3A_143 = arith.addi %mul3A_16, %add3A_142 : i32
      %dma_start3A_144 = arith.constant 1 : i32
      %dma_start3A_145 = arith.constant 1 : i32
      %dma_start3A_146 = arith.constant 0 : i32
      %dma_start3A_147 = arith.constant 0 : i32
      %dma_start3A_148 = tpu.memref_slice %arg11[%dma_start3A_144, %dma_start3A_146, %dma_start3A_147] : memref<5x64x128xf32, #tpu.memory_space<vmem>> -> memref<1x64x128xf32, #tpu.memory_space<vmem>>
      %dma_start3A_149 = tpu.memref_squeeze %dma_start3A_148 : memref<1x64x128xf32, #tpu.memory_space<vmem>> -> memref<64x128xf32, #tpu.memory_space<vmem>>
      %dma_start3A_150 = arith.constant 0 : i32
      %dma_start3A_151 = tpu.memref_slice %arg7[%add3A_143, %dma_start3A_150] : memref<204800x128xf32, #tpu.memory_space<hbm>> -> memref<64x128xf32, #tpu.memory_space<hbm>>
      %dma_start3A_152 = tpu.memref_slice %arg13[%dma_start3A_145] : memref<5x!tpu.dma_semaphore, #tpu.memory_space<semaphore_mem>> -> memref<1x!tpu.dma_semaphore, #tpu.memory_space<semaphore_mem>>
      %dma_start3A_153 = tpu.memref_squeeze %dma_start3A_152 : memref<1x!tpu.dma_semaphore, #tpu.memory_space<semaphore_mem>> -> memref<!tpu.dma_semaphore, #tpu.memory_space<semaphore_mem>>
      %dma_start3A_154 = arith.constant 0 : i32
      %dma_start3A_155 = tpu.memref_slice %arg7[%add3A_143, %dma_start3A_154] : memref<204800x128xf32, #tpu.memory_space<hbm>> -> memref<64x128xf32, #tpu.memory_space<hbm>>
      %dma_start3A_156 = arith.constant 0 : i32
      %dma_start3A_157 = arith.constant 0 : i32
      %dma_start3A_158 = tpu.memref_slice %arg11[%dma_start3A_144, %dma_start3A_156, %dma_start3A_157] : memref<5x64x128xf32, #tpu.memory_space<vmem>> -> memref<1x64x128xf32, #tpu.memory_space<vmem>>
      %dma_start3A_159 = tpu.memref_squeeze %dma_start3A_158 : memref<1x64x128xf32, #tpu.memory_space<vmem>> -> memref<64x128xf32, #tpu.memory_space<vmem>>
      tpu.enqueue_dma source(%dma_start3A_159 : memref<64x128xf32, #tpu.memory_space<vmem>>) target(%dma_start3A_155 : memref<64x128xf32, #tpu.memory_space<hbm>>) target_semaphore(%dma_start3A_153 : memref<!tpu.dma_semaphore, #tpu.memory_space<semaphore_mem>>)
      %dma_wait3A_160 = arith.constant 97 : i32
      %dma_wait3A_161 = arith.constant 2 : i32
      %dma_wait3A_162 = arith.constant 2 : i32
      %dma_wait3A_163 = arith.constant 0 : i32
      %dma_wait3A_164 = arith.constant 0 : i32
      %dma_wait3A_165 = tpu.memref_slice %arg11[%dma_wait3A_161, %dma_wait3A_163, %dma_wait3A_164] : memref<5x64x128xf32, #tpu.memory_space<vmem>> -> memref<1x64x128xf32, #tpu.memory_space<vmem>>
      %dma_wait3A_166 = tpu.memref_squeeze %dma_wait3A_165 : memref<1x64x128xf32, #tpu.memory_space<vmem>> -> memref<64x128xf32, #tpu.memory_space<vmem>>
      %dma_wait3A_167 = arith.constant 0 : i32
      %dma_wait3A_168 = tpu.memref_slice %arg10[%dma_wait3A_160, %dma_wait3A_167] : memref<100x64xi32, #tpu.memory_space<vmem>> -> memref<1x64xi32, #tpu.memory_space<vmem>>
      %dma_wait3A_169 = tpu.memref_squeeze %dma_wait3A_168 : memref<1x64xi32, #tpu.memory_space<vmem>> -> memref<64xi32, #tpu.memory_space<vmem>>
      %dma_wait3A_170 = arith.constant 0 : i32
      %dma_wait3A_171 = arith.constant 0 : i32
      %dma_wait3A_172 = tpu.memref_slice %arg2[%dma_wait3A_170, %dma_wait3A_171] : memref<100000x128xf32, #tpu.memory_space<hbm>> -> memref<100000x128xf32, #tpu.memory_space<hbm>>
      %dma_wait3A_173 = tpu.memref_slice %arg12[%dma_wait3A_162] : memref<5x!tpu.dma_semaphore, #tpu.memory_space<semaphore_mem>> -> memref<1x!tpu.dma_semaphore, #tpu.memory_space<semaphore_mem>>
      %dma_wait3A_174 = tpu.memref_squeeze %dma_wait3A_173 : memref<1x!tpu.dma_semaphore, #tpu.memory_space<semaphore_mem>> -> memref<!tpu.dma_semaphore, #tpu.memory_space<semaphore_mem>>
      tpu.wait_indirect_dma semaphore(%dma_wait3A_174 : memref<!tpu.dma_semaphore, #tpu.memory_space<semaphore_mem>>) src(%dma_wait3A_172 : memref<100000x128xf32, #tpu.memory_space<hbm>>) dst(%dma_wait3A_166 : memref<64x128xf32, #tpu.memory_space<vmem>>)
      %add3A_175 = arith.constant 6208 : i32
      %add3A_176 = arith.addi %mul3A_16, %add3A_175 : i32
      %dma_start3A_177 = arith.constant 2 : i32
      %dma_start3A_178 = arith.constant 2 : i32
      %dma_start3A_179 = arith.constant 0 : i32
      %dma_start3A_180 = arith.constant 0 : i32
      %dma_start3A_181 = tpu.memref_slice %arg11[%dma_start3A_177, %dma_start3A_179, %dma_start3A_180] : memref<5x64x128xf32, #tpu.memory_space<vmem>> -> memref<1x64x128xf32, #tpu.memory_space<vmem>>
      %dma_start3A_182 = tpu.memref_squeeze %dma_start3A_181 : memref<1x64x128xf32, #tpu.memory_space<vmem>> -> memref<64x128xf32, #tpu.memory_space<vmem>>
      %dma_start3A_183 = arith.constant 0 : i32
      %dma_start3A_184 = tpu.memref_slice %arg7[%add3A_176, %dma_start3A_183] : memref<204800x128xf32, #tpu.memory_space<hbm>> -> memref<64x128xf32, #tpu.memory_space<hbm>>
      %dma_start3A_185 = tpu.memref_slice %arg13[%dma_start3A_178] : memref<5x!tpu.dma_semaphore, #tpu.memory_space<semaphore_mem>> -> memref<1x!tpu.dma_semaphore, #tpu.memory_space<semaphore_mem>>
      %dma_start3A_186 = tpu.memref_squeeze %dma_start3A_185 : memref<1x!tpu.dma_semaphore, #tpu.memory_space<semaphore_mem>> -> memref<!tpu.dma_semaphore, #tpu.memory_space<semaphore_mem>>
      %dma_start3A_187 = arith.constant 0 : i32
      %dma_start3A_188 = tpu.memref_slice %arg7[%add3A_176, %dma_start3A_187] : memref<204800x128xf32, #tpu.memory_space<hbm>> -> memref<64x128xf32, #tpu.memory_space<hbm>>
      %dma_start3A_189 = arith.constant 0 : i32
      %dma_start3A_190 = arith.constant 0 : i32
      %dma_start3A_191 = tpu.memref_slice %arg11[%dma_start3A_177, %dma_start3A_189, %dma_start3A_190] : memref<5x64x128xf32, #tpu.memory_space<vmem>> -> memref<1x64x128xf32, #tpu.memory_space<vmem>>
      %dma_start3A_192 = tpu.memref_squeeze %dma_start3A_191 : memref<1x64x128xf32, #tpu.memory_space<vmem>> -> memref<64x128xf32, #tpu.memory_space<vmem>>
      tpu.enqueue_dma source(%dma_start3A_192 : memref<64x128xf32, #tpu.memory_space<vmem>>) target(%dma_start3A_188 : memref<64x128xf32, #tpu.memory_space<hbm>>) target_semaphore(%dma_start3A_186 : memref<!tpu.dma_semaphore, #tpu.memory_space<semaphore_mem>>)
      %dma_wait3A_193 = arith.constant 98 : i32
      %dma_wait3A_194 = arith.constant 3 : i32
      %dma_wait3A_195 = arith.constant 3 : i32
      %dma_wait3A_196 = arith.constant 0 : i32
      %dma_wait3A_197 = arith.constant 0 : i32
      %dma_wait3A_198 = tpu.memref_slice %arg11[%dma_wait3A_194, %dma_wait3A_196, %dma_wait3A_197] : memref<5x64x128xf32, #tpu.memory_space<vmem>> -> memref<1x64x128xf32, #tpu.memory_space<vmem>>
      %dma_wait3A_199 = tpu.memref_squeeze %dma_wait3A_198 : memref<1x64x128xf32, #tpu.memory_space<vmem>> -> memref<64x128xf32, #tpu.memory_space<vmem>>
      %dma_wait3A_200 = arith.constant 0 : i32
      %dma_wait3A_201 = tpu.memref_slice %arg10[%dma_wait3A_193, %dma_wait3A_200] : memref<100x64xi32, #tpu.memory_space<vmem>> -> memref<1x64xi32, #tpu.memory_space<vmem>>
      %dma_wait3A_202 = tpu.memref_squeeze %dma_wait3A_201 : memref<1x64xi32, #tpu.memory_space<vmem>> -> memref<64xi32, #tpu.memory_space<vmem>>
      %dma_wait3A_203 = arith.constant 0 : i32
      %dma_wait3A_204 = arith.constant 0 : i32
      %dma_wait3A_205 = tpu.memref_slice %arg2[%dma_wait3A_203, %dma_wait3A_204] : memref<100000x128xf32, #tpu.memory_space<hbm>> -> memref<100000x128xf32, #tpu.memory_space<hbm>>
      %dma_wait3A_206 = tpu.memref_slice %arg12[%dma_wait3A_195] : memref<5x!tpu.dma_semaphore, #tpu.memory_space<semaphore_mem>> -> memref<1x!tpu.dma_semaphore, #tpu.memory_space<semaphore_mem>>
      %dma_wait3A_207 = tpu.memref_squeeze %dma_wait3A_206 : memref<1x!tpu.dma_semaphore, #tpu.memory_space<semaphore_mem>> -> memref<!tpu.dma_semaphore, #tpu.memory_space<semaphore_mem>>
      tpu.wait_indirect_dma semaphore(%dma_wait3A_207 : memref<!tpu.dma_semaphore, #tpu.memory_space<semaphore_mem>>) src(%dma_wait3A_205 : memref<100000x128xf32, #tpu.memory_space<hbm>>) dst(%dma_wait3A_199 : memref<64x128xf32, #tpu.memory_space<vmem>>)
      %add3A_208 = arith.constant 6272 : i32
      %add3A_209 = arith.addi %mul3A_16, %add3A_208 : i32
      %dma_start3A_210 = arith.constant 3 : i32
      %dma_start3A_211 = arith.constant 3 : i32
      %dma_start3A_212 = arith.constant 0 : i32
      %dma_start3A_213 = arith.constant 0 : i32
      %dma_start3A_214 = tpu.memref_slice %arg11[%dma_start3A_210, %dma_start3A_212, %dma_start3A_213] : memref<5x64x128xf32, #tpu.memory_space<vmem>> -> memref<1x64x128xf32, #tpu.memory_space<vmem>>
      %dma_start3A_215 = tpu.memref_squeeze %dma_start3A_214 : memref<1x64x128xf32, #tpu.memory_space<vmem>> -> memref<64x128xf32, #tpu.memory_space<vmem>>
      %dma_start3A_216 = arith.constant 0 : i32
      %dma_start3A_217 = tpu.memref_slice %arg7[%add3A_209, %dma_start3A_216] : memref<204800x128xf32, #tpu.memory_space<hbm>> -> memref<64x128xf32, #tpu.memory_space<hbm>>
      %dma_start3A_218 = tpu.memref_slice %arg13[%dma_start3A_211] : memref<5x!tpu.dma_semaphore, #tpu.memory_space<semaphore_mem>> -> memref<1x!tpu.dma_semaphore, #tpu.memory_space<semaphore_mem>>
      %dma_start3A_219 = tpu.memref_squeeze %dma_start3A_218 : memref<1x!tpu.dma_semaphore, #tpu.memory_space<semaphore_mem>> -> memref<!tpu.dma_semaphore, #tpu.memory_space<semaphore_mem>>
      %dma_start3A_220 = arith.constant 0 : i32
      %dma_start3A_221 = tpu.memref_slice %arg7[%add3A_209, %dma_start3A_220] : memref<204800x128xf32, #tpu.memory_space<hbm>> -> memref<64x128xf32, #tpu.memory_space<hbm>>
      %dma_start3A_222 = arith.constant 0 : i32
      %dma_start3A_223 = arith.constant 0 : i32
      %dma_start3A_224 = tpu.memref_slice %arg11[%dma_start3A_210, %dma_start3A_222, %dma_start3A_223] : memref<5x64x128xf32, #tpu.memory_space<vmem>> -> memref<1x64x128xf32, #tpu.memory_space<vmem>>
      %dma_start3A_225 = tpu.memref_squeeze %dma_start3A_224 : memref<1x64x128xf32, #tpu.memory_space<vmem>> -> memref<64x128xf32, #tpu.memory_space<vmem>>
      tpu.enqueue_dma source(%dma_start3A_225 : memref<64x128xf32, #tpu.memory_space<vmem>>) target(%dma_start3A_221 : memref<64x128xf32, #tpu.memory_space<hbm>>) target_semaphore(%dma_start3A_219 : memref<!tpu.dma_semaphore, #tpu.memory_space<semaphore_mem>>)
      %dma_wait3A_226 = arith.constant 99 : i32
      %dma_wait3A_227 = arith.constant 4 : i32
      %dma_wait3A_228 = arith.constant 4 : i32
      %dma_wait3A_229 = arith.constant 0 : i32
      %dma_wait3A_230 = arith.constant 0 : i32
      %dma_wait3A_231 = tpu.memref_slice %arg11[%dma_wait3A_227, %dma_wait3A_229, %dma_wait3A_230] : memref<5x64x128xf32, #tpu.memory_space<vmem>> -> memref<1x64x128xf32, #tpu.memory_space<vmem>>
      %dma_wait3A_232 = tpu.memref_squeeze %dma_wait3A_231 : memref<1x64x128xf32, #tpu.memory_space<vmem>> -> memref<64x128xf32, #tpu.memory_space<vmem>>
      %dma_wait3A_233 = arith.constant 0 : i32
      %dma_wait3A_234 = tpu.memref_slice %arg10[%dma_wait3A_226, %dma_wait3A_233] : memref<100x64xi32, #tpu.memory_space<vmem>> -> memref<1x64xi32, #tpu.memory_space<vmem>>
      %dma_wait3A_235 = tpu.memref_squeeze %dma_wait3A_234 : memref<1x64xi32, #tpu.memory_space<vmem>> -> memref<64xi32, #tpu.memory_space<vmem>>
      %dma_wait3A_236 = arith.constant 0 : i32
      %dma_wait3A_237 = arith.constant 0 : i32
      %dma_wait3A_238 = tpu.memref_slice %arg2[%dma_wait3A_236, %dma_wait3A_237] : memref<100000x128xf32, #tpu.memory_space<hbm>> -> memref<100000x128xf32, #tpu.memory_space<hbm>>
      %dma_wait3A_239 = tpu.memref_slice %arg12[%dma_wait3A_228] : memref<5x!tpu.dma_semaphore, #tpu.memory_space<semaphore_mem>> -> memref<1x!tpu.dma_semaphore, #tpu.memory_space<semaphore_mem>>
      %dma_wait3A_240 = tpu.memref_squeeze %dma_wait3A_239 : memref<1x!tpu.dma_semaphore, #tpu.memory_space<semaphore_mem>> -> memref<!tpu.dma_semaphore, #tpu.memory_space<semaphore_mem>>
      tpu.wait_indirect_dma semaphore(%dma_wait3A_240 : memref<!tpu.dma_semaphore, #tpu.memory_space<semaphore_mem>>) src(%dma_wait3A_238 : memref<100000x128xf32, #tpu.memory_space<hbm>>) dst(%dma_wait3A_232 : memref<64x128xf32, #tpu.memory_space<vmem>>)
      %add3A_241 = arith.constant 6336 : i32
      %add3A_242 = arith.addi %mul3A_16, %add3A_241 : i32
      %dma_start3A_243 = arith.constant 4 : i32
      %dma_start3A_244 = arith.constant 4 : i32
      %dma_start3A_245 = arith.constant 0 : i32
      %dma_start3A_246 = arith.constant 0 : i32
      %dma_start3A_247 = tpu.memref_slice %arg11[%dma_start3A_243, %dma_start3A_245, %dma_start3A_246] : memref<5x64x128xf32, #tpu.memory_space<vmem>> -> memref<1x64x128xf32, #tpu.memory_space<vmem>>
      %dma_start3A_248 = tpu.memref_squeeze %dma_start3A_247 : memref<1x64x128xf32, #tpu.memory_space<vmem>> -> memref<64x128xf32, #tpu.memory_space<vmem>>
      %dma_start3A_249 = arith.constant 0 : i32
      %dma_start3A_250 = tpu.memref_slice %arg7[%add3A_242, %dma_start3A_249] : memref<204800x128xf32, #tpu.memory_space<hbm>> -> memref<64x128xf32, #tpu.memory_space<hbm>>
      %dma_start3A_251 = tpu.memref_slice %arg13[%dma_start3A_244] : memref<5x!tpu.dma_semaphore, #tpu.memory_space<semaphore_mem>> -> memref<1x!tpu.dma_semaphore, #tpu.memory_space<semaphore_mem>>
      %dma_start3A_252 = tpu.memref_squeeze %dma_start3A_251 : memref<1x!tpu.dma_semaphore, #tpu.memory_space<semaphore_mem>> -> memref<!tpu.dma_semaphore, #tpu.memory_space<semaphore_mem>>
      %dma_start3A_253 = arith.constant 0 : i32
      %dma_start3A_254 = tpu.memref_slice %arg7[%add3A_242, %dma_start3A_253] : memref<204800x128xf32, #tpu.memory_space<hbm>> -> memref<64x128xf32, #tpu.memory_space<hbm>>
      %dma_start3A_255 = arith.constant 0 : i32
      %dma_start3A_256 = arith.constant 0 : i32
      %dma_start3A_257 = tpu.memref_slice %arg11[%dma_start3A_243, %dma_start3A_255, %dma_start3A_256] : memref<5x64x128xf32, #tpu.memory_space<vmem>> -> memref<1x64x128xf32, #tpu.memory_space<vmem>>
      %dma_start3A_258 = tpu.memref_squeeze %dma_start3A_257 : memref<1x64x128xf32, #tpu.memory_space<vmem>> -> memref<64x128xf32, #tpu.memory_space<vmem>>
      tpu.enqueue_dma source(%dma_start3A_258 : memref<64x128xf32, #tpu.memory_space<vmem>>) target(%dma_start3A_254 : memref<64x128xf32, #tpu.memory_space<hbm>>) target_semaphore(%dma_start3A_252 : memref<!tpu.dma_semaphore, #tpu.memory_space<semaphore_mem>>)
      %add3A_259 = arith.constant 6080 : i32
      %add3A_260 = arith.addi %mul3A_16, %add3A_259 : i32
      %dma_wait3A_261 = arith.constant 0 : i32
      %dma_wait3A_262 = arith.constant 0 : i32
      %dma_wait3A_263 = arith.constant 0 : i32
      %dma_wait3A_264 = arith.constant 0 : i32
      %dma_wait3A_265 = tpu.memref_slice %arg11[%dma_wait3A_261, %dma_wait3A_263, %dma_wait3A_264] : memref<5x64x128xf32, #tpu.memory_space<vmem>> -> memref<1x64x128xf32, #tpu.memory_space<vmem>>
      %dma_wait3A_266 = tpu.memref_squeeze %dma_wait3A_265 : memref<1x64x128xf32, #tpu.memory_space<vmem>> -> memref<64x128xf32, #tpu.memory_space<vmem>>
      %dma_wait3A_267 = arith.constant 0 : i32
      %dma_wait3A_268 = tpu.memref_slice %arg7[%add3A_260, %dma_wait3A_267] : memref<204800x128xf32, #tpu.memory_space<hbm>> -> memref<64x128xf32, #tpu.memory_space<hbm>>
      %dma_wait3A_269 = tpu.memref_slice %arg13[%dma_wait3A_262] : memref<5x!tpu.dma_semaphore, #tpu.memory_space<semaphore_mem>> -> memref<1x!tpu.dma_semaphore, #tpu.memory_space<semaphore_mem>>
      %dma_wait3A_270 = tpu.memref_squeeze %dma_wait3A_269 : memref<1x!tpu.dma_semaphore, #tpu.memory_space<semaphore_mem>> -> memref<!tpu.dma_semaphore, #tpu.memory_space<semaphore_mem>>
      %dma_wait3A_271 = arith.constant 0 : i32
      %dma_wait3A_272 = tpu.memref_slice %arg7[%add3A_260, %dma_wait3A_271] : memref<204800x128xf32, #tpu.memory_space<hbm>> -> memref<64x128xf32, #tpu.memory_space<hbm>>
      %dma_wait3A_273 = arith.constant 0 : i32
      %dma_wait3A_274 = arith.constant 0 : i32
      %dma_wait3A_275 = tpu.memref_slice %arg11[%dma_wait3A_261, %dma_wait3A_273, %dma_wait3A_274] : memref<5x64x128xf32, #tpu.memory_space<vmem>> -> memref<1x64x128xf32, #tpu.memory_space<vmem>>
      %dma_wait3A_276 = tpu.memref_squeeze %dma_wait3A_275 : memref<1x64x128xf32, #tpu.memory_space<vmem>> -> memref<64x128xf32, #tpu.memory_space<vmem>>
      tpu.wait_dma2 semaphore(%dma_wait3A_270 : memref<!tpu.dma_semaphore, #tpu.memory_space<semaphore_mem>>) src(%dma_wait3A_276 : memref<64x128xf32, #tpu.memory_space<vmem>>) dst(%dma_wait3A_272 : memref<64x128xf32, #tpu.memory_space<hbm>>)
      %add3A_277 = arith.constant 6144 : i32
      %add3A_278 = arith.addi %mul3A_16, %add3A_277 : i32
      %dma_wait3A_279 = arith.constant 1 : i32
      %dma_wait3A_280 = arith.constant 1 : i32
      %dma_wait3A_281 = arith.constant 0 : i32
      %dma_wait3A_282 = arith.constant 0 : i32
      %dma_wait3A_283 = tpu.memref_slice %arg11[%dma_wait3A_279, %dma_wait3A_281, %dma_wait3A_282] : memref<5x64x128xf32, #tpu.memory_space<vmem>> -> memref<1x64x128xf32, #tpu.memory_space<vmem>>
      %dma_wait3A_284 = tpu.memref_squeeze %dma_wait3A_283 : memref<1x64x128xf32, #tpu.memory_space<vmem>> -> memref<64x128xf32, #tpu.memory_space<vmem>>
      %dma_wait3A_285 = arith.constant 0 : i32
      %dma_wait3A_286 = tpu.memref_slice %arg7[%add3A_278, %dma_wait3A_285] : memref<204800x128xf32, #tpu.memory_space<hbm>> -> memref<64x128xf32, #tpu.memory_space<hbm>>
      %dma_wait3A_287 = tpu.memref_slice %arg13[%dma_wait3A_280] : memref<5x!tpu.dma_semaphore, #tpu.memory_space<semaphore_mem>> -> memref<1x!tpu.dma_semaphore, #tpu.memory_space<semaphore_mem>>
      %dma_wait3A_288 = tpu.memref_squeeze %dma_wait3A_287 : memref<1x!tpu.dma_semaphore, #tpu.memory_space<semaphore_mem>> -> memref<!tpu.dma_semaphore, #tpu.memory_space<semaphore_mem>>
      %dma_wait3A_289 = arith.constant 0 : i32
      %dma_wait3A_290 = tpu.memref_slice %arg7[%add3A_278, %dma_wait3A_289] : memref<204800x128xf32, #tpu.memory_space<hbm>> -> memref<64x128xf32, #tpu.memory_space<hbm>>
      %dma_wait3A_291 = arith.constant 0 : i32
      %dma_wait3A_292 = arith.constant 0 : i32
      %dma_wait3A_293 = tpu.memref_slice %arg11[%dma_wait3A_279, %dma_wait3A_291, %dma_wait3A_292] : memref<5x64x128xf32, #tpu.memory_space<vmem>> -> memref<1x64x128xf32, #tpu.memory_space<vmem>>
      %dma_wait3A_294 = tpu.memref_squeeze %dma_wait3A_293 : memref<1x64x128xf32, #tpu.memory_space<vmem>> -> memref<64x128xf32, #tpu.memory_space<vmem>>
      tpu.wait_dma2 semaphore(%dma_wait3A_288 : memref<!tpu.dma_semaphore, #tpu.memory_space<semaphore_mem>>) src(%dma_wait3A_294 : memref<64x128xf32, #tpu.memory_space<vmem>>) dst(%dma_wait3A_290 : memref<64x128xf32, #tpu.memory_space<hbm>>)
      %add3A_295 = arith.constant 6208 : i32
      %add3A_296 = arith.addi %mul3A_16, %add3A_295 : i32
      %dma_wait3A_297 = arith.constant 2 : i32
      %dma_wait3A_298 = arith.constant 2 : i32
      %dma_wait3A_299 = arith.constant 0 : i32
      %dma_wait3A_300 = arith.constant 0 : i32
      %dma_wait3A_301 = tpu.memref_slice %arg11[%dma_wait3A_297, %dma_wait3A_299, %dma_wait3A_300] : memref<5x64x128xf32, #tpu.memory_space<vmem>> -> memref<1x64x128xf32, #tpu.memory_space<vmem>>
      %dma_wait3A_302 = tpu.memref_squeeze %dma_wait3A_301 : memref<1x64x128xf32, #tpu.memory_space<vmem>> -> memref<64x128xf32, #tpu.memory_space<vmem>>
      %dma_wait3A_303 = arith.constant 0 : i32
      %dma_wait3A_304 = tpu.memref_slice %arg7[%add3A_296, %dma_wait3A_303] : memref<204800x128xf32, #tpu.memory_space<hbm>> -> memref<64x128xf32, #tpu.memory_space<hbm>>
      %dma_wait3A_305 = tpu.memref_slice %arg13[%dma_wait3A_298] : memref<5x!tpu.dma_semaphore, #tpu.memory_space<semaphore_mem>> -> memref<1x!tpu.dma_semaphore, #tpu.memory_space<semaphore_mem>>
      %dma_wait3A_306 = tpu.memref_squeeze %dma_wait3A_305 : memref<1x!tpu.dma_semaphore, #tpu.memory_space<semaphore_mem>> -> memref<!tpu.dma_semaphore, #tpu.memory_space<semaphore_mem>>
      %dma_wait3A_307 = arith.constant 0 : i32
      %dma_wait3A_308 = tpu.memref_slice %arg7[%add3A_296, %dma_wait3A_307] : memref<204800x128xf32, #tpu.memory_space<hbm>> -> memref<64x128xf32, #tpu.memory_space<hbm>>
      %dma_wait3A_309 = arith.constant 0 : i32
      %dma_wait3A_310 = arith.constant 0 : i32
      %dma_wait3A_311 = tpu.memref_slice %arg11[%dma_wait3A_297, %dma_wait3A_309, %dma_wait3A_310] : memref<5x64x128xf32, #tpu.memory_space<vmem>> -> memref<1x64x128xf32, #tpu.memory_space<vmem>>
      %dma_wait3A_312 = tpu.memref_squeeze %dma_wait3A_311 : memref<1x64x128xf32, #tpu.memory_space<vmem>> -> memref<64x128xf32, #tpu.memory_space<vmem>>
      tpu.wait_dma2 semaphore(%dma_wait3A_306 : memref<!tpu.dma_semaphore, #tpu.memory_space<semaphore_mem>>) src(%dma_wait3A_312 : memref<64x128xf32, #tpu.memory_space<vmem>>) dst(%dma_wait3A_308 : memref<64x128xf32, #tpu.memory_space<hbm>>)
      %add3A_313 = arith.constant 6272 : i32
      %add3A_314 = arith.addi %mul3A_16, %add3A_313 : i32
      %dma_wait3A_315 = arith.constant 3 : i32
      %dma_wait3A_316 = arith.constant 3 : i32
      %dma_wait3A_317 = arith.constant 0 : i32
      %dma_wait3A_318 = arith.constant 0 : i32
      %dma_wait3A_319 = tpu.memref_slice %arg11[%dma_wait3A_315, %dma_wait3A_317, %dma_wait3A_318] : memref<5x64x128xf32, #tpu.memory_space<vmem>> -> memref<1x64x128xf32, #tpu.memory_space<vmem>>
      %dma_wait3A_320 = tpu.memref_squeeze %dma_wait3A_319 : memref<1x64x128xf32, #tpu.memory_space<vmem>> -> memref<64x128xf32, #tpu.memory_space<vmem>>
      %dma_wait3A_321 = arith.constant 0 : i32
      %dma_wait3A_322 = tpu.memref_slice %arg7[%add3A_314, %dma_wait3A_321] : memref<204800x128xf32, #tpu.memory_space<hbm>> -> memref<64x128xf32, #tpu.memory_space<hbm>>
      %dma_wait3A_323 = tpu.memref_slice %arg13[%dma_wait3A_316] : memref<5x!tpu.dma_semaphore, #tpu.memory_space<semaphore_mem>> -> memref<1x!tpu.dma_semaphore, #tpu.memory_space<semaphore_mem>>
      %dma_wait3A_324 = tpu.memref_squeeze %dma_wait3A_323 : memref<1x!tpu.dma_semaphore, #tpu.memory_space<semaphore_mem>> -> memref<!tpu.dma_semaphore, #tpu.memory_space<semaphore_mem>>
      %dma_wait3A_325 = arith.constant 0 : i32
      %dma_wait3A_326 = tpu.memref_slice %arg7[%add3A_314, %dma_wait3A_325] : memref<204800x128xf32, #tpu.memory_space<hbm>> -> memref<64x128xf32, #tpu.memory_space<hbm>>
      %dma_wait3A_327 = arith.constant 0 : i32
      %dma_wait3A_328 = arith.constant 0 : i32
      %dma_wait3A_329 = tpu.memref_slice %arg11[%dma_wait3A_315, %dma_wait3A_327, %dma_wait3A_328] : memref<5x64x128xf32, #tpu.memory_space<vmem>> -> memref<1x64x128xf32, #tpu.memory_space<vmem>>
      %dma_wait3A_330 = tpu.memref_squeeze %dma_wait3A_329 : memref<1x64x128xf32, #tpu.memory_space<vmem>> -> memref<64x128xf32, #tpu.memory_space<vmem>>
      tpu.wait_dma2 semaphore(%dma_wait3A_324 : memref<!tpu.dma_semaphore, #tpu.memory_space<semaphore_mem>>) src(%dma_wait3A_330 : memref<64x128xf32, #tpu.memory_space<vmem>>) dst(%dma_wait3A_326 : memref<64x128xf32, #tpu.memory_space<hbm>>)
      %add3A_331 = arith.constant 6336 : i32
      %add3A_332 = arith.addi %mul3A_16, %add3A_331 : i32
      %dma_wait3A_333 = arith.constant 4 : i32
      %dma_wait3A_334 = arith.constant 4 : i32
      %dma_wait3A_335 = arith.constant 0 : i32
      %dma_wait3A_336 = arith.constant 0 : i32
      %dma_wait3A_337 = tpu.memref_slice %arg11[%dma_wait3A_333, %dma_wait3A_335, %dma_wait3A_336] : memref<5x64x128xf32, #tpu.memory_space<vmem>> -> memref<1x64x128xf32, #tpu.memory_space<vmem>>
      %dma_wait3A_338 = tpu.memref_squeeze %dma_wait3A_337 : memref<1x64x128xf32, #tpu.memory_space<vmem>> -> memref<64x128xf32, #tpu.memory_space<vmem>>
      %dma_wait3A_339 = arith.constant 0 : i32
      %dma_wait3A_340 = tpu.memref_slice %arg7[%add3A_332, %dma_wait3A_339] : memref<204800x128xf32, #tpu.memory_space<hbm>> -> memref<64x128xf32, #tpu.memory_space<hbm>>
      %dma_wait3A_341 = tpu.memref_slice %arg13[%dma_wait3A_334] : memref<5x!tpu.dma_semaphore, #tpu.memory_space<semaphore_mem>> -> memref<1x!tpu.dma_semaphore, #tpu.memory_space<semaphore_mem>>
      %dma_wait3A_342 = tpu.memref_squeeze %dma_wait3A_341 : memref<1x!tpu.dma_semaphore, #tpu.memory_space<semaphore_mem>> -> memref<!tpu.dma_semaphore, #tpu.memory_space<semaphore_mem>>
      %dma_wait3A_343 = arith.constant 0 : i32
      %dma_wait3A_344 = tpu.memref_slice %arg7[%add3A_332, %dma_wait3A_343] : memref<204800x128xf32, #tpu.memory_space<hbm>> -> memref<64x128xf32, #tpu.memory_space<hbm>>
      %dma_wait3A_345 = arith.constant 0 : i32
      %dma_wait3A_346 = arith.constant 0 : i32
      %dma_wait3A_347 = tpu.memref_slice %arg11[%dma_wait3A_333, %dma_wait3A_345, %dma_wait3A_346] : memref<5x64x128xf32, #tpu.memory_space<vmem>> -> memref<1x64x128xf32, #tpu.memory_space<vmem>>
      %dma_wait3A_348 = tpu.memref_squeeze %dma_wait3A_347 : memref<1x64x128xf32, #tpu.memory_space<vmem>> -> memref<64x128xf32, #tpu.memory_space<vmem>>
      tpu.wait_dma2 semaphore(%dma_wait3A_342 : memref<!tpu.dma_semaphore, #tpu.memory_space<semaphore_mem>>) src(%dma_wait3A_348 : memref<64x128xf32, #tpu.memory_space<vmem>>) dst(%dma_wait3A_344 : memref<64x128xf32, #tpu.memory_space<hbm>>)
    } else {
    }
    %lt3A_3 = arith.constant 32 : i32
    %lt3A_4 = arith.cmpi slt, %add3A, %lt3A_3 : i32
    %convert_element_type3A_5 = arith.extui %lt3A_4 : i1 to i32
    %cond3A_6 = arith.constant 0 : i32
    %cond3A_7 = arith.cmpi ne, %convert_element_type3A_5, %cond3A_6 : i32
    scf.if %cond3A_7 {
      "tpu.region"() ({
        %run_scoped3A = tpu.sem_alloc : memref<!tpu.dma_semaphore, #tpu.memory_space<semaphore_mem>>
        %dma_start3A_151 = arith.constant 0 : i32
        %dma_start3A_152 = arith.constant 0 : i32
        %dma_start3A_153 = tpu.memref_slice %arg10[%dma_start3A_151, %dma_start3A_152] : memref<100x64xi32, #tpu.memory_space<vmem>> -> memref<28x64xi32, #tpu.memory_space<vmem>>
        %dma_start3A_154 = arith.constant 0 : i32
        %dma_start3A_155 = arith.constant 0 : i32
        %dma_start3A_156 = tpu.memref_slice %arg5[%add3A, %dma_start3A_154, %dma_start3A_155] : memref<32x28x64xi32, #tpu.memory_space<hbm>> -> memref<1x28x64xi32, #tpu.memory_space<hbm>>
        %dma_start3A_157 = tpu.memref_squeeze %dma_start3A_156 : memref<1x28x64xi32, #tpu.memory_space<hbm>> -> memref<28x64xi32, #tpu.memory_space<hbm>>
        %dma_start3A_158 = arith.constant 0 : i32
        %dma_start3A_159 = arith.constant 0 : i32
        %dma_start3A_160 = tpu.memref_slice %arg10[%dma_start3A_158, %dma_start3A_159] : memref<100x64xi32, #tpu.memory_space<vmem>> -> memref<28x64xi32, #tpu.memory_space<vmem>>
        %dma_start3A_161 = arith.constant 0 : i32
        %dma_start3A_162 = arith.constant 0 : i32
        %dma_start3A_163 = tpu.memref_slice %arg5[%add3A, %dma_start3A_161, %dma_start3A_162] : memref<32x28x64xi32, #tpu.memory_space<hbm>> -> memref<1x28x64xi32, #tpu.memory_space<hbm>>
        %dma_start3A_164 = tpu.memref_squeeze %dma_start3A_163 : memref<1x28x64xi32, #tpu.memory_space<hbm>> -> memref<28x64xi32, #tpu.memory_space<hbm>>
        tpu.enqueue_dma source(%dma_start3A_164 : memref<28x64xi32, #tpu.memory_space<hbm>>) target(%dma_start3A_160 : memref<28x64xi32, #tpu.memory_space<vmem>>) target_semaphore(%run_scoped3A : memref<!tpu.dma_semaphore, #tpu.memory_space<semaphore_mem>>)
        %dma_wait3A_165 = arith.constant 0 : i32
        %dma_wait3A_166 = arith.constant 0 : i32
        %dma_wait3A_167 = tpu.memref_slice %arg10[%dma_wait3A_165, %dma_wait3A_166] : memref<100x64xi32, #tpu.memory_space<vmem>> -> memref<28x64xi32, #tpu.memory_space<vmem>>
        %dma_wait3A_168 = arith.constant 0 : i32
        %dma_wait3A_169 = arith.constant 0 : i32
        %dma_wait3A_170 = tpu.memref_slice %arg5[%add3A, %dma_wait3A_168, %dma_wait3A_169] : memref<32x28x64xi32, #tpu.memory_space<hbm>> -> memref<1x28x64xi32, #tpu.memory_space<hbm>>
        %dma_wait3A_171 = tpu.memref_squeeze %dma_wait3A_170 : memref<1x28x64xi32, #tpu.memory_space<hbm>> -> memref<28x64xi32, #tpu.memory_space<hbm>>
        %dma_wait3A_172 = arith.constant 0 : i32
        %dma_wait3A_173 = arith.constant 0 : i32
        %dma_wait3A_174 = tpu.memref_slice %arg10[%dma_wait3A_172, %dma_wait3A_173] : memref<100x64xi32, #tpu.memory_space<vmem>> -> memref<28x64xi32, #tpu.memory_space<vmem>>
        %dma_wait3A_175 = arith.constant 0 : i32
        %dma_wait3A_176 = arith.constant 0 : i32
        %dma_wait3A_177 = tpu.memref_slice %arg5[%add3A, %dma_wait3A_175, %dma_wait3A_176] : memref<32x28x64xi32, #tpu.memory_space<hbm>> -> memref<1x28x64xi32, #tpu.memory_space<hbm>>
        %dma_wait3A_178 = tpu.memref_squeeze %dma_wait3A_177 : memref<1x28x64xi32, #tpu.memory_space<hbm>> -> memref<28x64xi32, #tpu.memory_space<hbm>>
        tpu.wait_dma2 semaphore(%run_scoped3A : memref<!tpu.dma_semaphore, #tpu.memory_space<semaphore_mem>>) src(%dma_wait3A_178 : memref<28x64xi32, #tpu.memory_space<hbm>>) dst(%dma_wait3A_174 : memref<28x64xi32, #tpu.memory_space<vmem>>)
        tpu.yield
      }) : () -> ()
      %mul3A_13 = arith.constant 28 : i32
      %mul3A_14 = arith.muli %add3A, %mul3A_13 : i32
      %mul3A_15 = arith.constant 64 : i32
      %mul3A_16 = arith.muli %mul3A_14, %mul3A_15 : i32
      %dma_start3A = arith.constant 0 : i32
      %dma_start3A_17 = arith.constant 0 : i32
      %dma_start3A_18 = arith.constant 0 : i32
      %dma_start3A_19 = arith.constant 0 : i32
      %dma_start3A_20 = arith.constant 0 : i32
      %dma_start3A_21 = tpu.memref_slice %arg11[%dma_start3A_17, %dma_start3A_19, %dma_start3A_20] : memref<5x64x128xf32, #tpu.memory_space<vmem>> -> memref<1x64x128xf32, #tpu.memory_space<vmem>>
      %dma_start3A_22 = tpu.memref_squeeze %dma_start3A_21 : memref<1x64x128xf32, #tpu.memory_space<vmem>> -> memref<64x128xf32, #tpu.memory_space<vmem>>
      %dma_start3A_23 = arith.constant 0 : i32
      %dma_start3A_24 = tpu.memref_slice %arg10[%dma_start3A, %dma_start3A_23] : memref<100x64xi32, #tpu.memory_space<vmem>> -> memref<1x64xi32, #tpu.memory_space<vmem>>
      %dma_start3A_25 = tpu.memref_squeeze %dma_start3A_24 : memref<1x64xi32, #tpu.memory_space<vmem>> -> memref<64xi32, #tpu.memory_space<vmem>>
      %dma_start3A_26 = arith.constant 0 : i32
      %dma_start3A_27 = arith.constant 0 : i32
      %dma_start3A_28 = tpu.memref_slice %arg3[%dma_start3A_26, %dma_start3A_27] : memref<100000x128xf32, #tpu.memory_space<hbm>> -> memref<100000x128xf32, #tpu.memory_space<hbm>>
      %dma_start3A_29 = tpu.memref_slice %arg12[%dma_start3A_18] : memref<5x!tpu.dma_semaphore, #tpu.memory_space<semaphore_mem>> -> memref<1x!tpu.dma_semaphore, #tpu.memory_space<semaphore_mem>>
      %dma_start3A_30 = tpu.memref_squeeze %dma_start3A_29 : memref<1x!tpu.dma_semaphore, #tpu.memory_space<semaphore_mem>> -> memref<!tpu.dma_semaphore, #tpu.memory_space<semaphore_mem>>
      tpu.enqueue_indirect_dma source(%dma_start3A_28 : memref<100000x128xf32, #tpu.memory_space<hbm>>) target(%dma_start3A_22 : memref<64x128xf32, #tpu.memory_space<vmem>>) offsets(%dma_start3A_25 : memref<64xi32, #tpu.memory_space<vmem>>) semaphore(%dma_start3A_30 : memref<!tpu.dma_semaphore, #tpu.memory_space<semaphore_mem>>)
      %dma_start3A_31 = arith.constant 1 : i32
      %dma_start3A_32 = arith.constant 1 : i32
      %dma_start3A_33 = arith.constant 1 : i32
      %dma_start3A_34 = arith.constant 0 : i32
      %dma_start3A_35 = arith.constant 0 : i32
      %dma_start3A_36 = tpu.memref_slice %arg11[%dma_start3A_32, %dma_start3A_34, %dma_start3A_35] : memref<5x64x128xf32, #tpu.memory_space<vmem>> -> memref<1x64x128xf32, #tpu.memory_space<vmem>>
      %dma_start3A_37 = tpu.memref_squeeze %dma_start3A_36 : memref<1x64x128xf32, #tpu.memory_space<vmem>> -> memref<64x128xf32, #tpu.memory_space<vmem>>
      %dma_start3A_38 = arith.constant 0 : i32
      %dma_start3A_39 = tpu.memref_slice %arg10[%dma_start3A_31, %dma_start3A_38] : memref<100x64xi32, #tpu.memory_space<vmem>> -> memref<1x64xi32, #tpu.memory_space<vmem>>
      %dma_start3A_40 = tpu.memref_squeeze %dma_start3A_39 : memref<1x64xi32, #tpu.memory_space<vmem>> -> memref<64xi32, #tpu.memory_space<vmem>>
      %dma_start3A_41 = arith.constant 0 : i32
      %dma_start3A_42 = arith.constant 0 : i32
      %dma_start3A_43 = tpu.memref_slice %arg3[%dma_start3A_41, %dma_start3A_42] : memref<100000x128xf32, #tpu.memory_space<hbm>> -> memref<100000x128xf32, #tpu.memory_space<hbm>>
      %dma_start3A_44 = tpu.memref_slice %arg12[%dma_start3A_33] : memref<5x!tpu.dma_semaphore, #tpu.memory_space<semaphore_mem>> -> memref<1x!tpu.dma_semaphore, #tpu.memory_space<semaphore_mem>>
      %dma_start3A_45 = tpu.memref_squeeze %dma_start3A_44 : memref<1x!tpu.dma_semaphore, #tpu.memory_space<semaphore_mem>> -> memref<!tpu.dma_semaphore, #tpu.memory_space<semaphore_mem>>
      tpu.enqueue_indirect_dma source(%dma_start3A_43 : memref<100000x128xf32, #tpu.memory_space<hbm>>) target(%dma_start3A_37 : memref<64x128xf32, #tpu.memory_space<vmem>>) offsets(%dma_start3A_40 : memref<64xi32, #tpu.memory_space<vmem>>) semaphore(%dma_start3A_45 : memref<!tpu.dma_semaphore, #tpu.memory_space<semaphore_mem>>)
      %scan3A = arith.constant 0 : i32
      %scan3A_46 = arith.constant 13 : i32
      %scan3A_47 = arith.addi %scan3A, %scan3A_46 : i32
      %scan3A_48 = arith.constant 1 : i32
      scf.for %scan3A_151 = %scan3A to %scan3A_47 step %scan3A_48  : i32 {
        %mul3A_152 = arith.constant 1 : i32
        %mul3A_153 = arith.muli %scan3A_151, %mul3A_152 : i32
        %add3A_154 = arith.constant 0 : i32
        %add3A_155 = arith.addi %add3A_154, %mul3A_153 : i32
        %mul3A_156 = arith.constant 2 : i32
        %mul3A_157 = arith.muli %add3A_155, %mul3A_156 : i32
        %add3A_158 = arith.constant 0 : i32
        %add3A_159 = arith.addi %mul3A_157, %add3A_158 : i32
        %dma_wait3A_160 = arith.constant 0 : i32
        %dma_wait3A_161 = arith.constant 0 : i32
        %dma_wait3A_162 = arith.constant 0 : i32
        %dma_wait3A_163 = arith.constant 0 : i32
        %dma_wait3A_164 = tpu.memref_slice %arg11[%dma_wait3A_160, %dma_wait3A_162, %dma_wait3A_163] : memref<5x64x128xf32, #tpu.memory_space<vmem>> -> memref<1x64x128xf32, #tpu.memory_space<vmem>>
        %dma_wait3A_165 = tpu.memref_squeeze %dma_wait3A_164 : memref<1x64x128xf32, #tpu.memory_space<vmem>> -> memref<64x128xf32, #tpu.memory_space<vmem>>
        %dma_wait3A_166 = arith.constant 0 : i32
        %dma_wait3A_167 = tpu.memref_slice %arg10[%add3A_159, %dma_wait3A_166] : memref<100x64xi32, #tpu.memory_space<vmem>> -> memref<1x64xi32, #tpu.memory_space<vmem>>
        %dma_wait3A_168 = tpu.memref_squeeze %dma_wait3A_167 : memref<1x64xi32, #tpu.memory_space<vmem>> -> memref<64xi32, #tpu.memory_space<vmem>>
        %dma_wait3A_169 = arith.constant 0 : i32
        %dma_wait3A_170 = arith.constant 0 : i32
        %dma_wait3A_171 = tpu.memref_slice %arg3[%dma_wait3A_169, %dma_wait3A_170] : memref<100000x128xf32, #tpu.memory_space<hbm>> -> memref<100000x128xf32, #tpu.memory_space<hbm>>
        %dma_wait3A_172 = tpu.memref_slice %arg12[%dma_wait3A_161] : memref<5x!tpu.dma_semaphore, #tpu.memory_space<semaphore_mem>> -> memref<1x!tpu.dma_semaphore, #tpu.memory_space<semaphore_mem>>
        %dma_wait3A_173 = tpu.memref_squeeze %dma_wait3A_172 : memref<1x!tpu.dma_semaphore, #tpu.memory_space<semaphore_mem>> -> memref<!tpu.dma_semaphore, #tpu.memory_space<semaphore_mem>>
        tpu.wait_indirect_dma semaphore(%dma_wait3A_173 : memref<!tpu.dma_semaphore, #tpu.memory_space<semaphore_mem>>) src(%dma_wait3A_171 : memref<100000x128xf32, #tpu.memory_space<hbm>>) dst(%dma_wait3A_165 : memref<64x128xf32, #tpu.memory_space<vmem>>)
        %mul3A_174 = arith.constant 64 : i32
        %mul3A_175 = arith.muli %add3A_159, %mul3A_174 : i32
        %add3A_176 = arith.addi %mul3A_16, %mul3A_175 : i32
        %dma_start3A_177 = arith.constant 0 : i32
        %dma_start3A_178 = arith.constant 0 : i32
        %dma_start3A_179 = arith.constant 0 : i32
        %dma_start3A_180 = arith.constant 0 : i32
        %dma_start3A_181 = tpu.memref_slice %arg11[%dma_start3A_177, %dma_start3A_179, %dma_start3A_180] : memref<5x64x128xf32, #tpu.memory_space<vmem>> -> memref<1x64x128xf32, #tpu.memory_space<vmem>>
        %dma_start3A_182 = tpu.memref_squeeze %dma_start3A_181 : memref<1x64x128xf32, #tpu.memory_space<vmem>> -> memref<64x128xf32, #tpu.memory_space<vmem>>
        %dma_start3A_183 = arith.constant 0 : i32
        %dma_start3A_184 = tpu.memref_slice %arg8[%add3A_176, %dma_start3A_183] : memref<57344x128xf32, #tpu.memory_space<hbm>> -> memref<64x128xf32, #tpu.memory_space<hbm>>
        %dma_start3A_185 = tpu.memref_slice %arg13[%dma_start3A_178] : memref<5x!tpu.dma_semaphore, #tpu.memory_space<semaphore_mem>> -> memref<1x!tpu.dma_semaphore, #tpu.memory_space<semaphore_mem>>
        %dma_start3A_186 = tpu.memref_squeeze %dma_start3A_185 : memref<1x!tpu.dma_semaphore, #tpu.memory_space<semaphore_mem>> -> memref<!tpu.dma_semaphore, #tpu.memory_space<semaphore_mem>>
        %dma_start3A_187 = arith.constant 0 : i32
        %dma_start3A_188 = tpu.memref_slice %arg8[%add3A_176, %dma_start3A_187] : memref<57344x128xf32, #tpu.memory_space<hbm>> -> memref<64x128xf32, #tpu.memory_space<hbm>>
        %dma_start3A_189 = arith.constant 0 : i32
        %dma_start3A_190 = arith.constant 0 : i32
        %dma_start3A_191 = tpu.memref_slice %arg11[%dma_start3A_177, %dma_start3A_189, %dma_start3A_190] : memref<5x64x128xf32, #tpu.memory_space<vmem>> -> memref<1x64x128xf32, #tpu.memory_space<vmem>>
        %dma_start3A_192 = tpu.memref_squeeze %dma_start3A_191 : memref<1x64x128xf32, #tpu.memory_space<vmem>> -> memref<64x128xf32, #tpu.memory_space<vmem>>
        tpu.enqueue_dma source(%dma_start3A_192 : memref<64x128xf32, #tpu.memory_space<vmem>>) target(%dma_start3A_188 : memref<64x128xf32, #tpu.memory_space<hbm>>) target_semaphore(%dma_start3A_186 : memref<!tpu.dma_semaphore, #tpu.memory_space<semaphore_mem>>)
        %mul3A_193 = arith.constant 64 : i32
        %mul3A_194 = arith.muli %add3A_159, %mul3A_193 : i32
        %add3A_195 = arith.addi %mul3A_16, %mul3A_194 : i32
        %dma_wait3A_196 = arith.constant 0 : i32
        %dma_wait3A_197 = arith.constant 0 : i32
        %dma_wait3A_198 = arith.constant 0 : i32
        %dma_wait3A_199 = arith.constant 0 : i32
        %dma_wait3A_200 = tpu.memref_slice %arg11[%dma_wait3A_196, %dma_wait3A_198, %dma_wait3A_199] : memref<5x64x128xf32, #tpu.memory_space<vmem>> -> memref<1x64x128xf32, #tpu.memory_space<vmem>>
        %dma_wait3A_201 = tpu.memref_squeeze %dma_wait3A_200 : memref<1x64x128xf32, #tpu.memory_space<vmem>> -> memref<64x128xf32, #tpu.memory_space<vmem>>
        %dma_wait3A_202 = arith.constant 0 : i32
        %dma_wait3A_203 = tpu.memref_slice %arg8[%add3A_195, %dma_wait3A_202] : memref<57344x128xf32, #tpu.memory_space<hbm>> -> memref<64x128xf32, #tpu.memory_space<hbm>>
        %dma_wait3A_204 = tpu.memref_slice %arg13[%dma_wait3A_197] : memref<5x!tpu.dma_semaphore, #tpu.memory_space<semaphore_mem>> -> memref<1x!tpu.dma_semaphore, #tpu.memory_space<semaphore_mem>>
        %dma_wait3A_205 = tpu.memref_squeeze %dma_wait3A_204 : memref<1x!tpu.dma_semaphore, #tpu.memory_space<semaphore_mem>> -> memref<!tpu.dma_semaphore, #tpu.memory_space<semaphore_mem>>
        %dma_wait3A_206 = arith.constant 0 : i32
        %dma_wait3A_207 = tpu.memref_slice %arg8[%add3A_195, %dma_wait3A_206] : memref<57344x128xf32, #tpu.memory_space<hbm>> -> memref<64x128xf32, #tpu.memory_space<hbm>>
        %dma_wait3A_208 = arith.constant 0 : i32
        %dma_wait3A_209 = arith.constant 0 : i32
        %dma_wait3A_210 = tpu.memref_slice %arg11[%dma_wait3A_196, %dma_wait3A_208, %dma_wait3A_209] : memref<5x64x128xf32, #tpu.memory_space<vmem>> -> memref<1x64x128xf32, #tpu.memory_space<vmem>>
        %dma_wait3A_211 = tpu.memref_squeeze %dma_wait3A_210 : memref<1x64x128xf32, #tpu.memory_space<vmem>> -> memref<64x128xf32, #tpu.memory_space<vmem>>
        tpu.wait_dma2 semaphore(%dma_wait3A_205 : memref<!tpu.dma_semaphore, #tpu.memory_space<semaphore_mem>>) src(%dma_wait3A_211 : memref<64x128xf32, #tpu.memory_space<vmem>>) dst(%dma_wait3A_207 : memref<64x128xf32, #tpu.memory_space<hbm>>)
        %add3A_212 = arith.constant 2 : i32
        %add3A_213 = arith.addi %add3A_159, %add3A_212 : i32
        %dma_start3A_214 = arith.constant 0 : i32
        %dma_start3A_215 = arith.constant 0 : i32
        %dma_start3A_216 = arith.constant 0 : i32
        %dma_start3A_217 = arith.constant 0 : i32
        %dma_start3A_218 = tpu.memref_slice %arg11[%dma_start3A_214, %dma_start3A_216, %dma_start3A_217] : memref<5x64x128xf32, #tpu.memory_space<vmem>> -> memref<1x64x128xf32, #tpu.memory_space<vmem>>
        %dma_start3A_219 = tpu.memref_squeeze %dma_start3A_218 : memref<1x64x128xf32, #tpu.memory_space<vmem>> -> memref<64x128xf32, #tpu.memory_space<vmem>>
        %dma_start3A_220 = arith.constant 0 : i32
        %dma_start3A_221 = tpu.memref_slice %arg10[%add3A_213, %dma_start3A_220] : memref<100x64xi32, #tpu.memory_space<vmem>> -> memref<1x64xi32, #tpu.memory_space<vmem>>
        %dma_start3A_222 = tpu.memref_squeeze %dma_start3A_221 : memref<1x64xi32, #tpu.memory_space<vmem>> -> memref<64xi32, #tpu.memory_space<vmem>>
        %dma_start3A_223 = arith.constant 0 : i32
        %dma_start3A_224 = arith.constant 0 : i32
        %dma_start3A_225 = tpu.memref_slice %arg3[%dma_start3A_223, %dma_start3A_224] : memref<100000x128xf32, #tpu.memory_space<hbm>> -> memref<100000x128xf32, #tpu.memory_space<hbm>>
        %dma_start3A_226 = tpu.memref_slice %arg12[%dma_start3A_215] : memref<5x!tpu.dma_semaphore, #tpu.memory_space<semaphore_mem>> -> memref<1x!tpu.dma_semaphore, #tpu.memory_space<semaphore_mem>>
        %dma_start3A_227 = tpu.memref_squeeze %dma_start3A_226 : memref<1x!tpu.dma_semaphore, #tpu.memory_space<semaphore_mem>> -> memref<!tpu.dma_semaphore, #tpu.memory_space<semaphore_mem>>
        tpu.enqueue_indirect_dma source(%dma_start3A_225 : memref<100000x128xf32, #tpu.memory_space<hbm>>) target(%dma_start3A_219 : memref<64x128xf32, #tpu.memory_space<vmem>>) offsets(%dma_start3A_222 : memref<64xi32, #tpu.memory_space<vmem>>) semaphore(%dma_start3A_227 : memref<!tpu.dma_semaphore, #tpu.memory_space<semaphore_mem>>)
        %mul3A_228 = arith.constant 2 : i32
        %mul3A_229 = arith.muli %add3A_155, %mul3A_228 : i32
        %add3A_230 = arith.constant 1 : i32
        %add3A_231 = arith.addi %mul3A_229, %add3A_230 : i32
        %dma_wait3A_232 = arith.constant 1 : i32
        %dma_wait3A_233 = arith.constant 1 : i32
        %dma_wait3A_234 = arith.constant 0 : i32
        %dma_wait3A_235 = arith.constant 0 : i32
        %dma_wait3A_236 = tpu.memref_slice %arg11[%dma_wait3A_232, %dma_wait3A_234, %dma_wait3A_235] : memref<5x64x128xf32, #tpu.memory_space<vmem>> -> memref<1x64x128xf32, #tpu.memory_space<vmem>>
        %dma_wait3A_237 = tpu.memref_squeeze %dma_wait3A_236 : memref<1x64x128xf32, #tpu.memory_space<vmem>> -> memref<64x128xf32, #tpu.memory_space<vmem>>
        %dma_wait3A_238 = arith.constant 0 : i32
        %dma_wait3A_239 = tpu.memref_slice %arg10[%add3A_231, %dma_wait3A_238] : memref<100x64xi32, #tpu.memory_space<vmem>> -> memref<1x64xi32, #tpu.memory_space<vmem>>
        %dma_wait3A_240 = tpu.memref_squeeze %dma_wait3A_239 : memref<1x64xi32, #tpu.memory_space<vmem>> -> memref<64xi32, #tpu.memory_space<vmem>>
        %dma_wait3A_241 = arith.constant 0 : i32
        %dma_wait3A_242 = arith.constant 0 : i32
        %dma_wait3A_243 = tpu.memref_slice %arg3[%dma_wait3A_241, %dma_wait3A_242] : memref<100000x128xf32, #tpu.memory_space<hbm>> -> memref<100000x128xf32, #tpu.memory_space<hbm>>
        %dma_wait3A_244 = tpu.memref_slice %arg12[%dma_wait3A_233] : memref<5x!tpu.dma_semaphore, #tpu.memory_space<semaphore_mem>> -> memref<1x!tpu.dma_semaphore, #tpu.memory_space<semaphore_mem>>
        %dma_wait3A_245 = tpu.memref_squeeze %dma_wait3A_244 : memref<1x!tpu.dma_semaphore, #tpu.memory_space<semaphore_mem>> -> memref<!tpu.dma_semaphore, #tpu.memory_space<semaphore_mem>>
        tpu.wait_indirect_dma semaphore(%dma_wait3A_245 : memref<!tpu.dma_semaphore, #tpu.memory_space<semaphore_mem>>) src(%dma_wait3A_243 : memref<100000x128xf32, #tpu.memory_space<hbm>>) dst(%dma_wait3A_237 : memref<64x128xf32, #tpu.memory_space<vmem>>)
        %mul3A_246 = arith.constant 64 : i32
        %mul3A_247 = arith.muli %add3A_231, %mul3A_246 : i32
        %add3A_248 = arith.addi %mul3A_16, %mul3A_247 : i32
        %dma_start3A_249 = arith.constant 1 : i32
        %dma_start3A_250 = arith.constant 1 : i32
        %dma_start3A_251 = arith.constant 0 : i32
        %dma_start3A_252 = arith.constant 0 : i32
        %dma_start3A_253 = tpu.memref_slice %arg11[%dma_start3A_249, %dma_start3A_251, %dma_start3A_252] : memref<5x64x128xf32, #tpu.memory_space<vmem>> -> memref<1x64x128xf32, #tpu.memory_space<vmem>>
        %dma_start3A_254 = tpu.memref_squeeze %dma_start3A_253 : memref<1x64x128xf32, #tpu.memory_space<vmem>> -> memref<64x128xf32, #tpu.memory_space<vmem>>
        %dma_start3A_255 = arith.constant 0 : i32
        %dma_start3A_256 = tpu.memref_slice %arg8[%add3A_248, %dma_start3A_255] : memref<57344x128xf32, #tpu.memory_space<hbm>> -> memref<64x128xf32, #tpu.memory_space<hbm>>
        %dma_start3A_257 = tpu.memref_slice %arg13[%dma_start3A_250] : memref<5x!tpu.dma_semaphore, #tpu.memory_space<semaphore_mem>> -> memref<1x!tpu.dma_semaphore, #tpu.memory_space<semaphore_mem>>
        %dma_start3A_258 = tpu.memref_squeeze %dma_start3A_257 : memref<1x!tpu.dma_semaphore, #tpu.memory_space<semaphore_mem>> -> memref<!tpu.dma_semaphore, #tpu.memory_space<semaphore_mem>>
        %dma_start3A_259 = arith.constant 0 : i32
        %dma_start3A_260 = tpu.memref_slice %arg8[%add3A_248, %dma_start3A_259] : memref<57344x128xf32, #tpu.memory_space<hbm>> -> memref<64x128xf32, #tpu.memory_space<hbm>>
        %dma_start3A_261 = arith.constant 0 : i32
        %dma_start3A_262 = arith.constant 0 : i32
        %dma_start3A_263 = tpu.memref_slice %arg11[%dma_start3A_249, %dma_start3A_261, %dma_start3A_262] : memref<5x64x128xf32, #tpu.memory_space<vmem>> -> memref<1x64x128xf32, #tpu.memory_space<vmem>>
        %dma_start3A_264 = tpu.memref_squeeze %dma_start3A_263 : memref<1x64x128xf32, #tpu.memory_space<vmem>> -> memref<64x128xf32, #tpu.memory_space<vmem>>
        tpu.enqueue_dma source(%dma_start3A_264 : memref<64x128xf32, #tpu.memory_space<vmem>>) target(%dma_start3A_260 : memref<64x128xf32, #tpu.memory_space<hbm>>) target_semaphore(%dma_start3A_258 : memref<!tpu.dma_semaphore, #tpu.memory_space<semaphore_mem>>)
        %mul3A_265 = arith.constant 64 : i32
        %mul3A_266 = arith.muli %add3A_231, %mul3A_265 : i32
        %add3A_267 = arith.addi %mul3A_16, %mul3A_266 : i32
        %dma_wait3A_268 = arith.constant 1 : i32
        %dma_wait3A_269 = arith.constant 1 : i32
        %dma_wait3A_270 = arith.constant 0 : i32
        %dma_wait3A_271 = arith.constant 0 : i32
        %dma_wait3A_272 = tpu.memref_slice %arg11[%dma_wait3A_268, %dma_wait3A_270, %dma_wait3A_271] : memref<5x64x128xf32, #tpu.memory_space<vmem>> -> memref<1x64x128xf32, #tpu.memory_space<vmem>>
        %dma_wait3A_273 = tpu.memref_squeeze %dma_wait3A_272 : memref<1x64x128xf32, #tpu.memory_space<vmem>> -> memref<64x128xf32, #tpu.memory_space<vmem>>
        %dma_wait3A_274 = arith.constant 0 : i32
        %dma_wait3A_275 = tpu.memref_slice %arg8[%add3A_267, %dma_wait3A_274] : memref<57344x128xf32, #tpu.memory_space<hbm>> -> memref<64x128xf32, #tpu.memory_space<hbm>>
        %dma_wait3A_276 = tpu.memref_slice %arg13[%dma_wait3A_269] : memref<5x!tpu.dma_semaphore, #tpu.memory_space<semaphore_mem>> -> memref<1x!tpu.dma_semaphore, #tpu.memory_space<semaphore_mem>>
        %dma_wait3A_277 = tpu.memref_squeeze %dma_wait3A_276 : memref<1x!tpu.dma_semaphore, #tpu.memory_space<semaphore_mem>> -> memref<!tpu.dma_semaphore, #tpu.memory_space<semaphore_mem>>
        %dma_wait3A_278 = arith.constant 0 : i32
        %dma_wait3A_279 = tpu.memref_slice %arg8[%add3A_267, %dma_wait3A_278] : memref<57344x128xf32, #tpu.memory_space<hbm>> -> memref<64x128xf32, #tpu.memory_space<hbm>>
        %dma_wait3A_280 = arith.constant 0 : i32
        %dma_wait3A_281 = arith.constant 0 : i32
        %dma_wait3A_282 = tpu.memref_slice %arg11[%dma_wait3A_268, %dma_wait3A_280, %dma_wait3A_281] : memref<5x64x128xf32, #tpu.memory_space<vmem>> -> memref<1x64x128xf32, #tpu.memory_space<vmem>>
        %dma_wait3A_283 = tpu.memref_squeeze %dma_wait3A_282 : memref<1x64x128xf32, #tpu.memory_space<vmem>> -> memref<64x128xf32, #tpu.memory_space<vmem>>
        tpu.wait_dma2 semaphore(%dma_wait3A_277 : memref<!tpu.dma_semaphore, #tpu.memory_space<semaphore_mem>>) src(%dma_wait3A_283 : memref<64x128xf32, #tpu.memory_space<vmem>>) dst(%dma_wait3A_279 : memref<64x128xf32, #tpu.memory_space<hbm>>)
        %add3A_284 = arith.constant 2 : i32
        %add3A_285 = arith.addi %add3A_231, %add3A_284 : i32
        %dma_start3A_286 = arith.constant 1 : i32
        %dma_start3A_287 = arith.constant 1 : i32
        %dma_start3A_288 = arith.constant 0 : i32
        %dma_start3A_289 = arith.constant 0 : i32
        %dma_start3A_290 = tpu.memref_slice %arg11[%dma_start3A_286, %dma_start3A_288, %dma_start3A_289] : memref<5x64x128xf32, #tpu.memory_space<vmem>> -> memref<1x64x128xf32, #tpu.memory_space<vmem>>
        %dma_start3A_291 = tpu.memref_squeeze %dma_start3A_290 : memref<1x64x128xf32, #tpu.memory_space<vmem>> -> memref<64x128xf32, #tpu.memory_space<vmem>>
        %dma_start3A_292 = arith.constant 0 : i32
        %dma_start3A_293 = tpu.memref_slice %arg10[%add3A_285, %dma_start3A_292] : memref<100x64xi32, #tpu.memory_space<vmem>> -> memref<1x64xi32, #tpu.memory_space<vmem>>
        %dma_start3A_294 = tpu.memref_squeeze %dma_start3A_293 : memref<1x64xi32, #tpu.memory_space<vmem>> -> memref<64xi32, #tpu.memory_space<vmem>>
        %dma_start3A_295 = arith.constant 0 : i32
        %dma_start3A_296 = arith.constant 0 : i32
        %dma_start3A_297 = tpu.memref_slice %arg3[%dma_start3A_295, %dma_start3A_296] : memref<100000x128xf32, #tpu.memory_space<hbm>> -> memref<100000x128xf32, #tpu.memory_space<hbm>>
        %dma_start3A_298 = tpu.memref_slice %arg12[%dma_start3A_287] : memref<5x!tpu.dma_semaphore, #tpu.memory_space<semaphore_mem>> -> memref<1x!tpu.dma_semaphore, #tpu.memory_space<semaphore_mem>>
        %dma_start3A_299 = tpu.memref_squeeze %dma_start3A_298 : memref<1x!tpu.dma_semaphore, #tpu.memory_space<semaphore_mem>> -> memref<!tpu.dma_semaphore, #tpu.memory_space<semaphore_mem>>
        tpu.enqueue_indirect_dma source(%dma_start3A_297 : memref<100000x128xf32, #tpu.memory_space<hbm>>) target(%dma_start3A_291 : memref<64x128xf32, #tpu.memory_space<vmem>>) offsets(%dma_start3A_294 : memref<64xi32, #tpu.memory_space<vmem>>) semaphore(%dma_start3A_299 : memref<!tpu.dma_semaphore, #tpu.memory_space<semaphore_mem>>)
      }
      %scan3A_49 = arith.constant 13 : i32
      %dma_wait3A = arith.constant 26 : i32
      %dma_wait3A_50 = arith.constant 0 : i32
      %dma_wait3A_51 = arith.constant 0 : i32
      %dma_wait3A_52 = arith.constant 0 : i32
      %dma_wait3A_53 = arith.constant 0 : i32
      %dma_wait3A_54 = tpu.memref_slice %arg11[%dma_wait3A_50, %dma_wait3A_52, %dma_wait3A_53] : memref<5x64x128xf32, #tpu.memory_space<vmem>> -> memref<1x64x128xf32, #tpu.memory_space<vmem>>
      %dma_wait3A_55 = tpu.memref_squeeze %dma_wait3A_54 : memref<1x64x128xf32, #tpu.memory_space<vmem>> -> memref<64x128xf32, #tpu.memory_space<vmem>>
      %dma_wait3A_56 = arith.constant 0 : i32
      %dma_wait3A_57 = tpu.memref_slice %arg10[%dma_wait3A, %dma_wait3A_56] : memref<100x64xi32, #tpu.memory_space<vmem>> -> memref<1x64xi32, #tpu.memory_space<vmem>>
      %dma_wait3A_58 = tpu.memref_squeeze %dma_wait3A_57 : memref<1x64xi32, #tpu.memory_space<vmem>> -> memref<64xi32, #tpu.memory_space<vmem>>
      %dma_wait3A_59 = arith.constant 0 : i32
      %dma_wait3A_60 = arith.constant 0 : i32
      %dma_wait3A_61 = tpu.memref_slice %arg3[%dma_wait3A_59, %dma_wait3A_60] : memref<100000x128xf32, #tpu.memory_space<hbm>> -> memref<100000x128xf32, #tpu.memory_space<hbm>>
      %dma_wait3A_62 = tpu.memref_slice %arg12[%dma_wait3A_51] : memref<5x!tpu.dma_semaphore, #tpu.memory_space<semaphore_mem>> -> memref<1x!tpu.dma_semaphore, #tpu.memory_space<semaphore_mem>>
      %dma_wait3A_63 = tpu.memref_squeeze %dma_wait3A_62 : memref<1x!tpu.dma_semaphore, #tpu.memory_space<semaphore_mem>> -> memref<!tpu.dma_semaphore, #tpu.memory_space<semaphore_mem>>
      tpu.wait_indirect_dma semaphore(%dma_wait3A_63 : memref<!tpu.dma_semaphore, #tpu.memory_space<semaphore_mem>>) src(%dma_wait3A_61 : memref<100000x128xf32, #tpu.memory_space<hbm>>) dst(%dma_wait3A_55 : memref<64x128xf32, #tpu.memory_space<vmem>>)
      %add3A_64 = arith.constant 1664 : i32
      %add3A_65 = arith.addi %mul3A_16, %add3A_64 : i32
      %dma_start3A_66 = arith.constant 0 : i32
      %dma_start3A_67 = arith.constant 0 : i32
      %dma_start3A_68 = arith.constant 0 : i32
      %dma_start3A_69 = arith.constant 0 : i32
      %dma_start3A_70 = tpu.memref_slice %arg11[%dma_start3A_66, %dma_start3A_68, %dma_start3A_69] : memref<5x64x128xf32, #tpu.memory_space<vmem>> -> memref<1x64x128xf32, #tpu.memory_space<vmem>>
      %dma_start3A_71 = tpu.memref_squeeze %dma_start3A_70 : memref<1x64x128xf32, #tpu.memory_space<vmem>> -> memref<64x128xf32, #tpu.memory_space<vmem>>
      %dma_start3A_72 = arith.constant 0 : i32
      %dma_start3A_73 = tpu.memref_slice %arg8[%add3A_65, %dma_start3A_72] : memref<57344x128xf32, #tpu.memory_space<hbm>> -> memref<64x128xf32, #tpu.memory_space<hbm>>
      %dma_start3A_74 = tpu.memref_slice %arg13[%dma_start3A_67] : memref<5x!tpu.dma_semaphore, #tpu.memory_space<semaphore_mem>> -> memref<1x!tpu.dma_semaphore, #tpu.memory_space<semaphore_mem>>
      %dma_start3A_75 = tpu.memref_squeeze %dma_start3A_74 : memref<1x!tpu.dma_semaphore, #tpu.memory_space<semaphore_mem>> -> memref<!tpu.dma_semaphore, #tpu.memory_space<semaphore_mem>>
      %dma_start3A_76 = arith.constant 0 : i32
      %dma_start3A_77 = tpu.memref_slice %arg8[%add3A_65, %dma_start3A_76] : memref<57344x128xf32, #tpu.memory_space<hbm>> -> memref<64x128xf32, #tpu.memory_space<hbm>>
      %dma_start3A_78 = arith.constant 0 : i32
      %dma_start3A_79 = arith.constant 0 : i32
      %dma_start3A_80 = tpu.memref_slice %arg11[%dma_start3A_66, %dma_start3A_78, %dma_start3A_79] : memref<5x64x128xf32, #tpu.memory_space<vmem>> -> memref<1x64x128xf32, #tpu.memory_space<vmem>>
      %dma_start3A_81 = tpu.memref_squeeze %dma_start3A_80 : memref<1x64x128xf32, #tpu.memory_space<vmem>> -> memref<64x128xf32, #tpu.memory_space<vmem>>
      tpu.enqueue_dma source(%dma_start3A_81 : memref<64x128xf32, #tpu.memory_space<vmem>>) target(%dma_start3A_77 : memref<64x128xf32, #tpu.memory_space<hbm>>) target_semaphore(%dma_start3A_75 : memref<!tpu.dma_semaphore, #tpu.memory_space<semaphore_mem>>)
      %dma_wait3A_82 = arith.constant 27 : i32
      %dma_wait3A_83 = arith.constant 1 : i32
      %dma_wait3A_84 = arith.constant 1 : i32
      %dma_wait3A_85 = arith.constant 0 : i32
      %dma_wait3A_86 = arith.constant 0 : i32
      %dma_wait3A_87 = tpu.memref_slice %arg11[%dma_wait3A_83, %dma_wait3A_85, %dma_wait3A_86] : memref<5x64x128xf32, #tpu.memory_space<vmem>> -> memref<1x64x128xf32, #tpu.memory_space<vmem>>
      %dma_wait3A_88 = tpu.memref_squeeze %dma_wait3A_87 : memref<1x64x128xf32, #tpu.memory_space<vmem>> -> memref<64x128xf32, #tpu.memory_space<vmem>>
      %dma_wait3A_89 = arith.constant 0 : i32
      %dma_wait3A_90 = tpu.memref_slice %arg10[%dma_wait3A_82, %dma_wait3A_89] : memref<100x64xi32, #tpu.memory_space<vmem>> -> memref<1x64xi32, #tpu.memory_space<vmem>>
      %dma_wait3A_91 = tpu.memref_squeeze %dma_wait3A_90 : memref<1x64xi32, #tpu.memory_space<vmem>> -> memref<64xi32, #tpu.memory_space<vmem>>
      %dma_wait3A_92 = arith.constant 0 : i32
      %dma_wait3A_93 = arith.constant 0 : i32
      %dma_wait3A_94 = tpu.memref_slice %arg3[%dma_wait3A_92, %dma_wait3A_93] : memref<100000x128xf32, #tpu.memory_space<hbm>> -> memref<100000x128xf32, #tpu.memory_space<hbm>>
      %dma_wait3A_95 = tpu.memref_slice %arg12[%dma_wait3A_84] : memref<5x!tpu.dma_semaphore, #tpu.memory_space<semaphore_mem>> -> memref<1x!tpu.dma_semaphore, #tpu.memory_space<semaphore_mem>>
      %dma_wait3A_96 = tpu.memref_squeeze %dma_wait3A_95 : memref<1x!tpu.dma_semaphore, #tpu.memory_space<semaphore_mem>> -> memref<!tpu.dma_semaphore, #tpu.memory_space<semaphore_mem>>
      tpu.wait_indirect_dma semaphore(%dma_wait3A_96 : memref<!tpu.dma_semaphore, #tpu.memory_space<semaphore_mem>>) src(%dma_wait3A_94 : memref<100000x128xf32, #tpu.memory_space<hbm>>) dst(%dma_wait3A_88 : memref<64x128xf32, #tpu.memory_space<vmem>>)
      %add3A_97 = arith.constant 1728 : i32
      %add3A_98 = arith.addi %mul3A_16, %add3A_97 : i32
      %dma_start3A_99 = arith.constant 1 : i32
      %dma_start3A_100 = arith.constant 1 : i32
      %dma_start3A_101 = arith.constant 0 : i32
      %dma_start3A_102 = arith.constant 0 : i32
      %dma_start3A_103 = tpu.memref_slice %arg11[%dma_start3A_99, %dma_start3A_101, %dma_start3A_102] : memref<5x64x128xf32, #tpu.memory_space<vmem>> -> memref<1x64x128xf32, #tpu.memory_space<vmem>>
      %dma_start3A_104 = tpu.memref_squeeze %dma_start3A_103 : memref<1x64x128xf32, #tpu.memory_space<vmem>> -> memref<64x128xf32, #tpu.memory_space<vmem>>
      %dma_start3A_105 = arith.constant 0 : i32
      %dma_start3A_106 = tpu.memref_slice %arg8[%add3A_98, %dma_start3A_105] : memref<57344x128xf32, #tpu.memory_space<hbm>> -> memref<64x128xf32, #tpu.memory_space<hbm>>
      %dma_start3A_107 = tpu.memref_slice %arg13[%dma_start3A_100] : memref<5x!tpu.dma_semaphore, #tpu.memory_space<semaphore_mem>> -> memref<1x!tpu.dma_semaphore, #tpu.memory_space<semaphore_mem>>
      %dma_start3A_108 = tpu.memref_squeeze %dma_start3A_107 : memref<1x!tpu.dma_semaphore, #tpu.memory_space<semaphore_mem>> -> memref<!tpu.dma_semaphore, #tpu.memory_space<semaphore_mem>>
      %dma_start3A_109 = arith.constant 0 : i32
      %dma_start3A_110 = tpu.memref_slice %arg8[%add3A_98, %dma_start3A_109] : memref<57344x128xf32, #tpu.memory_space<hbm>> -> memref<64x128xf32, #tpu.memory_space<hbm>>
      %dma_start3A_111 = arith.constant 0 : i32
      %dma_start3A_112 = arith.constant 0 : i32
      %dma_start3A_113 = tpu.memref_slice %arg11[%dma_start3A_99, %dma_start3A_111, %dma_start3A_112] : memref<5x64x128xf32, #tpu.memory_space<vmem>> -> memref<1x64x128xf32, #tpu.memory_space<vmem>>
      %dma_start3A_114 = tpu.memref_squeeze %dma_start3A_113 : memref<1x64x128xf32, #tpu.memory_space<vmem>> -> memref<64x128xf32, #tpu.memory_space<vmem>>
      tpu.enqueue_dma source(%dma_start3A_114 : memref<64x128xf32, #tpu.memory_space<vmem>>) target(%dma_start3A_110 : memref<64x128xf32, #tpu.memory_space<hbm>>) target_semaphore(%dma_start3A_108 : memref<!tpu.dma_semaphore, #tpu.memory_space<semaphore_mem>>)
      %add3A_115 = arith.constant 1664 : i32
      %add3A_116 = arith.addi %mul3A_16, %add3A_115 : i32
      %dma_wait3A_117 = arith.constant 0 : i32
      %dma_wait3A_118 = arith.constant 0 : i32
      %dma_wait3A_119 = arith.constant 0 : i32
      %dma_wait3A_120 = arith.constant 0 : i32
      %dma_wait3A_121 = tpu.memref_slice %arg11[%dma_wait3A_117, %dma_wait3A_119, %dma_wait3A_120] : memref<5x64x128xf32, #tpu.memory_space<vmem>> -> memref<1x64x128xf32, #tpu.memory_space<vmem>>
      %dma_wait3A_122 = tpu.memref_squeeze %dma_wait3A_121 : memref<1x64x128xf32, #tpu.memory_space<vmem>> -> memref<64x128xf32, #tpu.memory_space<vmem>>
      %dma_wait3A_123 = arith.constant 0 : i32
      %dma_wait3A_124 = tpu.memref_slice %arg8[%add3A_116, %dma_wait3A_123] : memref<57344x128xf32, #tpu.memory_space<hbm>> -> memref<64x128xf32, #tpu.memory_space<hbm>>
      %dma_wait3A_125 = tpu.memref_slice %arg13[%dma_wait3A_118] : memref<5x!tpu.dma_semaphore, #tpu.memory_space<semaphore_mem>> -> memref<1x!tpu.dma_semaphore, #tpu.memory_space<semaphore_mem>>
      %dma_wait3A_126 = tpu.memref_squeeze %dma_wait3A_125 : memref<1x!tpu.dma_semaphore, #tpu.memory_space<semaphore_mem>> -> memref<!tpu.dma_semaphore, #tpu.memory_space<semaphore_mem>>
      %dma_wait3A_127 = arith.constant 0 : i32
      %dma_wait3A_128 = tpu.memref_slice %arg8[%add3A_116, %dma_wait3A_127] : memref<57344x128xf32, #tpu.memory_space<hbm>> -> memref<64x128xf32, #tpu.memory_space<hbm>>
      %dma_wait3A_129 = arith.constant 0 : i32
      %dma_wait3A_130 = arith.constant 0 : i32
      %dma_wait3A_131 = tpu.memref_slice %arg11[%dma_wait3A_117, %dma_wait3A_129, %dma_wait3A_130] : memref<5x64x128xf32, #tpu.memory_space<vmem>> -> memref<1x64x128xf32, #tpu.memory_space<vmem>>
      %dma_wait3A_132 = tpu.memref_squeeze %dma_wait3A_131 : memref<1x64x128xf32, #tpu.memory_space<vmem>> -> memref<64x128xf32, #tpu.memory_space<vmem>>
      tpu.wait_dma2 semaphore(%dma_wait3A_126 : memref<!tpu.dma_semaphore, #tpu.memory_space<semaphore_mem>>) src(%dma_wait3A_132 : memref<64x128xf32, #tpu.memory_space<vmem>>) dst(%dma_wait3A_128 : memref<64x128xf32, #tpu.memory_space<hbm>>)
      %add3A_133 = arith.constant 1728 : i32
      %add3A_134 = arith.addi %mul3A_16, %add3A_133 : i32
      %dma_wait3A_135 = arith.constant 1 : i32
      %dma_wait3A_136 = arith.constant 1 : i32
      %dma_wait3A_137 = arith.constant 0 : i32
      %dma_wait3A_138 = arith.constant 0 : i32
      %dma_wait3A_139 = tpu.memref_slice %arg11[%dma_wait3A_135, %dma_wait3A_137, %dma_wait3A_138] : memref<5x64x128xf32, #tpu.memory_space<vmem>> -> memref<1x64x128xf32, #tpu.memory_space<vmem>>
      %dma_wait3A_140 = tpu.memref_squeeze %dma_wait3A_139 : memref<1x64x128xf32, #tpu.memory_space<vmem>> -> memref<64x128xf32, #tpu.memory_space<vmem>>
      %dma_wait3A_141 = arith.constant 0 : i32
      %dma_wait3A_142 = tpu.memref_slice %arg8[%add3A_134, %dma_wait3A_141] : memref<57344x128xf32, #tpu.memory_space<hbm>> -> memref<64x128xf32, #tpu.memory_space<hbm>>
      %dma_wait3A_143 = tpu.memref_slice %arg13[%dma_wait3A_136] : memref<5x!tpu.dma_semaphore, #tpu.memory_space<semaphore_mem>> -> memref<1x!tpu.dma_semaphore, #tpu.memory_space<semaphore_mem>>
      %dma_wait3A_144 = tpu.memref_squeeze %dma_wait3A_143 : memref<1x!tpu.dma_semaphore, #tpu.memory_space<semaphore_mem>> -> memref<!tpu.dma_semaphore, #tpu.memory_space<semaphore_mem>>
      %dma_wait3A_145 = arith.constant 0 : i32
      %dma_wait3A_146 = tpu.memref_slice %arg8[%add3A_134, %dma_wait3A_145] : memref<57344x128xf32, #tpu.memory_space<hbm>> -> memref<64x128xf32, #tpu.memory_space<hbm>>
      %dma_wait3A_147 = arith.constant 0 : i32
      %dma_wait3A_148 = arith.constant 0 : i32
      %dma_wait3A_149 = tpu.memref_slice %arg11[%dma_wait3A_135, %dma_wait3A_147, %dma_wait3A_148] : memref<5x64x128xf32, #tpu.memory_space<vmem>> -> memref<1x64x128xf32, #tpu.memory_space<vmem>>
      %dma_wait3A_150 = tpu.memref_squeeze %dma_wait3A_149 : memref<1x64x128xf32, #tpu.memory_space<vmem>> -> memref<64x128xf32, #tpu.memory_space<vmem>>
      tpu.wait_dma2 semaphore(%dma_wait3A_144 : memref<!tpu.dma_semaphore, #tpu.memory_space<semaphore_mem>>) src(%dma_wait3A_150 : memref<64x128xf32, #tpu.memory_space<vmem>>) dst(%dma_wait3A_146 : memref<64x128xf32, #tpu.memory_space<hbm>>)
    } else {
    }
    %lt3A_8 = arith.constant 16 : i32
    %lt3A_9 = arith.cmpi slt, %add3A, %lt3A_8 : i32
    %convert_element_type3A_10 = arith.extui %lt3A_9 : i1 to i32
    %cond3A_11 = arith.constant 0 : i32
    %cond3A_12 = arith.cmpi ne, %convert_element_type3A_10, %cond3A_11 : i32
    scf.if %cond3A_12 {
      "tpu.region"() ({
        %run_scoped3A = tpu.sem_alloc : memref<!tpu.dma_semaphore, #tpu.memory_space<semaphore_mem>>
        %dma_start3A_84 = arith.constant 0 : i32
        %dma_start3A_85 = arith.constant 0 : i32
        %dma_start3A_86 = tpu.memref_slice %arg10[%dma_start3A_84, %dma_start3A_85] : memref<100x64xi32, #tpu.memory_space<vmem>> -> memref<1x64xi32, #tpu.memory_space<vmem>>
        %dma_start3A_87 = arith.constant 0 : i32
        %dma_start3A_88 = arith.constant 0 : i32
        %dma_start3A_89 = tpu.memref_slice %arg6[%add3A, %dma_start3A_87, %dma_start3A_88] : memref<16x1x64xi32, #tpu.memory_space<hbm>> -> memref<1x1x64xi32, #tpu.memory_space<hbm>>
        %dma_start3A_90 = tpu.memref_squeeze %dma_start3A_89 : memref<1x1x64xi32, #tpu.memory_space<hbm>> -> memref<1x64xi32, #tpu.memory_space<hbm>>
        %dma_start3A_91 = arith.constant 0 : i32
        %dma_start3A_92 = arith.constant 0 : i32
        %dma_start3A_93 = tpu.memref_slice %arg10[%dma_start3A_91, %dma_start3A_92] : memref<100x64xi32, #tpu.memory_space<vmem>> -> memref<1x64xi32, #tpu.memory_space<vmem>>
        %dma_start3A_94 = arith.constant 0 : i32
        %dma_start3A_95 = arith.constant 0 : i32
        %dma_start3A_96 = tpu.memref_slice %arg6[%add3A, %dma_start3A_94, %dma_start3A_95] : memref<16x1x64xi32, #tpu.memory_space<hbm>> -> memref<1x1x64xi32, #tpu.memory_space<hbm>>
        %dma_start3A_97 = tpu.memref_squeeze %dma_start3A_96 : memref<1x1x64xi32, #tpu.memory_space<hbm>> -> memref<1x64xi32, #tpu.memory_space<hbm>>
        tpu.enqueue_dma source(%dma_start3A_97 : memref<1x64xi32, #tpu.memory_space<hbm>>) target(%dma_start3A_93 : memref<1x64xi32, #tpu.memory_space<vmem>>) target_semaphore(%run_scoped3A : memref<!tpu.dma_semaphore, #tpu.memory_space<semaphore_mem>>)
        %dma_wait3A_98 = arith.constant 0 : i32
        %dma_wait3A_99 = arith.constant 0 : i32
        %dma_wait3A_100 = tpu.memref_slice %arg10[%dma_wait3A_98, %dma_wait3A_99] : memref<100x64xi32, #tpu.memory_space<vmem>> -> memref<1x64xi32, #tpu.memory_space<vmem>>
        %dma_wait3A_101 = arith.constant 0 : i32
        %dma_wait3A_102 = arith.constant 0 : i32
        %dma_wait3A_103 = tpu.memref_slice %arg6[%add3A, %dma_wait3A_101, %dma_wait3A_102] : memref<16x1x64xi32, #tpu.memory_space<hbm>> -> memref<1x1x64xi32, #tpu.memory_space<hbm>>
        %dma_wait3A_104 = tpu.memref_squeeze %dma_wait3A_103 : memref<1x1x64xi32, #tpu.memory_space<hbm>> -> memref<1x64xi32, #tpu.memory_space<hbm>>
        %dma_wait3A_105 = arith.constant 0 : i32
        %dma_wait3A_106 = arith.constant 0 : i32
        %dma_wait3A_107 = tpu.memref_slice %arg10[%dma_wait3A_105, %dma_wait3A_106] : memref<100x64xi32, #tpu.memory_space<vmem>> -> memref<1x64xi32, #tpu.memory_space<vmem>>
        %dma_wait3A_108 = arith.constant 0 : i32
        %dma_wait3A_109 = arith.constant 0 : i32
        %dma_wait3A_110 = tpu.memref_slice %arg6[%add3A, %dma_wait3A_108, %dma_wait3A_109] : memref<16x1x64xi32, #tpu.memory_space<hbm>> -> memref<1x1x64xi32, #tpu.memory_space<hbm>>
        %dma_wait3A_111 = tpu.memref_squeeze %dma_wait3A_110 : memref<1x1x64xi32, #tpu.memory_space<hbm>> -> memref<1x64xi32, #tpu.memory_space<hbm>>
        tpu.wait_dma2 semaphore(%run_scoped3A : memref<!tpu.dma_semaphore, #tpu.memory_space<semaphore_mem>>) src(%dma_wait3A_111 : memref<1x64xi32, #tpu.memory_space<hbm>>) dst(%dma_wait3A_107 : memref<1x64xi32, #tpu.memory_space<vmem>>)
        tpu.yield
      }) : () -> ()
      %mul3A_13 = arith.constant 1 : i32
      %mul3A_14 = arith.muli %add3A, %mul3A_13 : i32
      %mul3A_15 = arith.constant 64 : i32
      %mul3A_16 = arith.muli %mul3A_14, %mul3A_15 : i32
      %dma_start3A = arith.constant 0 : i32
      %dma_start3A_17 = arith.constant 0 : i32
      %dma_start3A_18 = arith.constant 0 : i32
      %dma_start3A_19 = arith.constant 0 : i32
      %dma_start3A_20 = arith.constant 0 : i32
      %dma_start3A_21 = tpu.memref_slice %arg11[%dma_start3A_17, %dma_start3A_19, %dma_start3A_20] : memref<5x64x128xf32, #tpu.memory_space<vmem>> -> memref<1x64x128xf32, #tpu.memory_space<vmem>>
      %dma_start3A_22 = tpu.memref_squeeze %dma_start3A_21 : memref<1x64x128xf32, #tpu.memory_space<vmem>> -> memref<64x128xf32, #tpu.memory_space<vmem>>
      %dma_start3A_23 = arith.constant 0 : i32
      %dma_start3A_24 = tpu.memref_slice %arg10[%dma_start3A, %dma_start3A_23] : memref<100x64xi32, #tpu.memory_space<vmem>> -> memref<1x64xi32, #tpu.memory_space<vmem>>
      %dma_start3A_25 = tpu.memref_squeeze %dma_start3A_24 : memref<1x64xi32, #tpu.memory_space<vmem>> -> memref<64xi32, #tpu.memory_space<vmem>>
      %dma_start3A_26 = arith.constant 0 : i32
      %dma_start3A_27 = arith.constant 0 : i32
      %dma_start3A_28 = tpu.memref_slice %arg3[%dma_start3A_26, %dma_start3A_27] : memref<100000x128xf32, #tpu.memory_space<hbm>> -> memref<100000x128xf32, #tpu.memory_space<hbm>>
      %dma_start3A_29 = tpu.memref_slice %arg12[%dma_start3A_18] : memref<5x!tpu.dma_semaphore, #tpu.memory_space<semaphore_mem>> -> memref<1x!tpu.dma_semaphore, #tpu.memory_space<semaphore_mem>>
      %dma_start3A_30 = tpu.memref_squeeze %dma_start3A_29 : memref<1x!tpu.dma_semaphore, #tpu.memory_space<semaphore_mem>> -> memref<!tpu.dma_semaphore, #tpu.memory_space<semaphore_mem>>
      tpu.enqueue_indirect_dma source(%dma_start3A_28 : memref<100000x128xf32, #tpu.memory_space<hbm>>) target(%dma_start3A_22 : memref<64x128xf32, #tpu.memory_space<vmem>>) offsets(%dma_start3A_25 : memref<64xi32, #tpu.memory_space<vmem>>) semaphore(%dma_start3A_30 : memref<!tpu.dma_semaphore, #tpu.memory_space<semaphore_mem>>)
      %scan3A = arith.constant 0 : i32
      %scan3A_31 = arith.constant 0 : i32
      %scan3A_32 = arith.addi %scan3A, %scan3A_31 : i32
      %scan3A_33 = arith.constant 0 : i32
      %dma_wait3A = arith.constant 0 : i32
      %dma_wait3A_34 = arith.constant 0 : i32
      %dma_wait3A_35 = arith.constant 0 : i32
      %dma_wait3A_36 = arith.constant 0 : i32
      %dma_wait3A_37 = arith.constant 0 : i32
      %dma_wait3A_38 = tpu.memref_slice %arg11[%dma_wait3A_34, %dma_wait3A_36, %dma_wait3A_37] : memref<5x64x128xf32, #tpu.memory_space<vmem>> -> memref<1x64x128xf32, #tpu.memory_space<vmem>>
      %dma_wait3A_39 = tpu.memref_squeeze %dma_wait3A_38 : memref<1x64x128xf32, #tpu.memory_space<vmem>> -> memref<64x128xf32, #tpu.memory_space<vmem>>
      %dma_wait3A_40 = arith.constant 0 : i32
      %dma_wait3A_41 = tpu.memref_slice %arg10[%dma_wait3A, %dma_wait3A_40] : memref<100x64xi32, #tpu.memory_space<vmem>> -> memref<1x64xi32, #tpu.memory_space<vmem>>
      %dma_wait3A_42 = tpu.memref_squeeze %dma_wait3A_41 : memref<1x64xi32, #tpu.memory_space<vmem>> -> memref<64xi32, #tpu.memory_space<vmem>>
      %dma_wait3A_43 = arith.constant 0 : i32
      %dma_wait3A_44 = arith.constant 0 : i32
      %dma_wait3A_45 = tpu.memref_slice %arg3[%dma_wait3A_43, %dma_wait3A_44] : memref<100000x128xf32, #tpu.memory_space<hbm>> -> memref<100000x128xf32, #tpu.memory_space<hbm>>
      %dma_wait3A_46 = tpu.memref_slice %arg12[%dma_wait3A_35] : memref<5x!tpu.dma_semaphore, #tpu.memory_space<semaphore_mem>> -> memref<1x!tpu.dma_semaphore, #tpu.memory_space<semaphore_mem>>
      %dma_wait3A_47 = tpu.memref_squeeze %dma_wait3A_46 : memref<1x!tpu.dma_semaphore, #tpu.memory_space<semaphore_mem>> -> memref<!tpu.dma_semaphore, #tpu.memory_space<semaphore_mem>>
      tpu.wait_indirect_dma semaphore(%dma_wait3A_47 : memref<!tpu.dma_semaphore, #tpu.memory_space<semaphore_mem>>) src(%dma_wait3A_45 : memref<100000x128xf32, #tpu.memory_space<hbm>>) dst(%dma_wait3A_39 : memref<64x128xf32, #tpu.memory_space<vmem>>)
      %add3A_48 = arith.constant 0 : i32
      %add3A_49 = arith.addi %mul3A_16, %add3A_48 : i32
      %dma_start3A_50 = arith.constant 0 : i32
      %dma_start3A_51 = arith.constant 0 : i32
      %dma_start3A_52 = arith.constant 0 : i32
      %dma_start3A_53 = arith.constant 0 : i32
      %dma_start3A_54 = tpu.memref_slice %arg11[%dma_start3A_50, %dma_start3A_52, %dma_start3A_53] : memref<5x64x128xf32, #tpu.memory_space<vmem>> -> memref<1x64x128xf32, #tpu.memory_space<vmem>>
      %dma_start3A_55 = tpu.memref_squeeze %dma_start3A_54 : memref<1x64x128xf32, #tpu.memory_space<vmem>> -> memref<64x128xf32, #tpu.memory_space<vmem>>
      %dma_start3A_56 = arith.constant 0 : i32
      %dma_start3A_57 = tpu.memref_slice %arg9[%add3A_49, %dma_start3A_56] : memref<1024x128xf32, #tpu.memory_space<hbm>> -> memref<64x128xf32, #tpu.memory_space<hbm>>
      %dma_start3A_58 = tpu.memref_slice %arg13[%dma_start3A_51] : memref<5x!tpu.dma_semaphore, #tpu.memory_space<semaphore_mem>> -> memref<1x!tpu.dma_semaphore, #tpu.memory_space<semaphore_mem>>
      %dma_start3A_59 = tpu.memref_squeeze %dma_start3A_58 : memref<1x!tpu.dma_semaphore, #tpu.memory_space<semaphore_mem>> -> memref<!tpu.dma_semaphore, #tpu.memory_space<semaphore_mem>>
      %dma_start3A_60 = arith.constant 0 : i32
      %dma_start3A_61 = tpu.memref_slice %arg9[%add3A_49, %dma_start3A_60] : memref<1024x128xf32, #tpu.memory_space<hbm>> -> memref<64x128xf32, #tpu.memory_space<hbm>>
      %dma_start3A_62 = arith.constant 0 : i32
      %dma_start3A_63 = arith.constant 0 : i32
      %dma_start3A_64 = tpu.memref_slice %arg11[%dma_start3A_50, %dma_start3A_62, %dma_start3A_63] : memref<5x64x128xf32, #tpu.memory_space<vmem>> -> memref<1x64x128xf32, #tpu.memory_space<vmem>>
      %dma_start3A_65 = tpu.memref_squeeze %dma_start3A_64 : memref<1x64x128xf32, #tpu.memory_space<vmem>> -> memref<64x128xf32, #tpu.memory_space<vmem>>
      tpu.enqueue_dma source(%dma_start3A_65 : memref<64x128xf32, #tpu.memory_space<vmem>>) target(%dma_start3A_61 : memref<64x128xf32, #tpu.memory_space<hbm>>) target_semaphore(%dma_start3A_59 : memref<!tpu.dma_semaphore, #tpu.memory_space<semaphore_mem>>)
      %add3A_66 = arith.constant 0 : i32
      %add3A_67 = arith.addi %mul3A_16, %add3A_66 : i32
      %dma_wait3A_68 = arith.constant 0 : i32
      %dma_wait3A_69 = arith.constant 0 : i32
      %dma_wait3A_70 = arith.constant 0 : i32
      %dma_wait3A_71 = arith.constant 0 : i32
      %dma_wait3A_72 = tpu.memref_slice %arg11[%dma_wait3A_68, %dma_wait3A_70, %dma_wait3A_71] : memref<5x64x128xf32, #tpu.memory_space<vmem>> -> memref<1x64x128xf32, #tpu.memory_space<vmem>>
      %dma_wait3A_73 = tpu.memref_squeeze %dma_wait3A_72 : memref<1x64x128xf32, #tpu.memory_space<vmem>> -> memref<64x128xf32, #tpu.memory_space<vmem>>
      %dma_wait3A_74 = arith.constant 0 : i32
      %dma_wait3A_75 = tpu.memref_slice %arg9[%add3A_67, %dma_wait3A_74] : memref<1024x128xf32, #tpu.memory_space<hbm>> -> memref<64x128xf32, #tpu.memory_space<hbm>>
      %dma_wait3A_76 = tpu.memref_slice %arg13[%dma_wait3A_69] : memref<5x!tpu.dma_semaphore, #tpu.memory_space<semaphore_mem>> -> memref<1x!tpu.dma_semaphore, #tpu.memory_space<semaphore_mem>>
      %dma_wait3A_77 = tpu.memref_squeeze %dma_wait3A_76 : memref<1x!tpu.dma_semaphore, #tpu.memory_space<semaphore_mem>> -> memref<!tpu.dma_semaphore, #tpu.memory_space<semaphore_mem>>
      %dma_wait3A_78 = arith.constant 0 : i32
      %dma_wait3A_79 = tpu.memref_slice %arg9[%add3A_67, %dma_wait3A_78] : memref<1024x128xf32, #tpu.memory_space<hbm>> -> memref<64x128xf32, #tpu.memory_space<hbm>>
      %dma_wait3A_80 = arith.constant 0 : i32
      %dma_wait3A_81 = arith.constant 0 : i32
      %dma_wait3A_82 = tpu.memref_slice %arg11[%dma_wait3A_68, %dma_wait3A_80, %dma_wait3A_81] : memref<5x64x128xf32, #tpu.memory_space<vmem>> -> memref<1x64x128xf32, #tpu.memory_space<vmem>>
      %dma_wait3A_83 = tpu.memref_squeeze %dma_wait3A_82 : memref<1x64x128xf32, #tpu.memory_space<vmem>> -> memref<64x128xf32, #tpu.memory_space<vmem>>
      tpu.wait_dma2 semaphore(%dma_wait3A_77 : memref<!tpu.dma_semaphore, #tpu.memory_space<semaphore_mem>>) src(%dma_wait3A_83 : memref<64x128xf32, #tpu.memory_space<vmem>>) dst(%dma_wait3A_79 : memref<64x128xf32, #tpu.memory_space<hbm>>)
    } else {
    }
    return
  }
}

module attributes {stable_mosaic.version = 14 : i64} {
  func.func @_tc_body(%arg0: i32, %arg1: memref<12800x128xf32, #tpu.memory_space<vmem>>, %arg2: memref<12800x8xbf16, #tpu.memory_space<vmem>>, %arg3: memref<3584x128xf32, #tpu.memory_space<vmem>>, %arg4: memref<64x128xf32, #tpu.memory_space<vmem>>, %arg5: memref<8x128xf32, #tpu.memory_space<vmem>>, %arg6: memref<128x128xbf16, #tpu.memory_space<vmem>>, %arg7: memref<128x128xf32, #tpu.memory_space<vmem>>, %arg8: memref<1x128xf32, #tpu.memory_space<vmem>>, %arg9: memref<128x128xbf16, #tpu.memory_space<vmem>>, %arg10: memref<1x128xf32, #tpu.memory_space<vmem>>, %arg11: memref<128x128xbf16, #tpu.memory_space<vmem>>, %arg12: memref<128x128xf32, #tpu.memory_space<vmem>>, %arg13: memref<1x128xf32, #tpu.memory_space<vmem>>, %arg14: memref<128x128xbf16, #tpu.memory_space<vmem>>, %arg15: memref<1x128xf32, #tpu.memory_space<vmem>>, %arg16: memref<1x128xf32, #tpu.memory_space<vmem>>, %arg17: memref<128x128xbf16, #tpu.memory_space<vmem>>, %arg18: memref<128x128xf32, #tpu.memory_space<vmem>>, %arg19: memref<1x128xf32, #tpu.memory_space<vmem>>, %arg20: memref<128x128xbf16, #tpu.memory_space<vmem>>, %arg21: memref<1x128xf32, #tpu.memory_space<vmem>>, %arg22: memref<1x128xf32, #tpu.memory_space<vmem>>, %arg23: memref<256x128xf32, #tpu.memory_space<vmem>>, %arg24: memref<1x128xf32, #tpu.memory_space<vmem>>, %arg25: memref<128x128xf32, #tpu.memory_space<vmem>>, %arg26: memref<1x128xf32, #tpu.memory_space<vmem>>, %arg27: memref<64x128xf32, #tpu.memory_space<vmem>>) attributes {dimension_semantics = [#tpu.dimension_semantics<arbitrary>], iteration_bounds = array<i64: 16>, scalar_prefetch = 0 : i64, scratch_operands = 0 : i64, tpu.core_type = #tpu.core_type<tc>, window_params = [{transform_indices = @transform_0, window_bounds = array<i64: 12800, 128>}, {transform_indices = @transform_1, window_bounds = array<i64: 12800, 8>}, {transform_indices = @transform_2, window_bounds = array<i64: 3584, 128>}, {transform_indices = @transform_3, window_bounds = array<i64: 64, 128>}, {pipeline_mode = #tpu.pipeline_mode<synchronous>, transform_indices = @transform_4, window_bounds = array<i64: 8, 128>}, {pipeline_mode = #tpu.pipeline_mode<synchronous>, transform_indices = @transform_5, window_bounds = array<i64: 128, 128>}, {pipeline_mode = #tpu.pipeline_mode<synchronous>, transform_indices = @transform_6, window_bounds = array<i64: 128, 128>}, {pipeline_mode = #tpu.pipeline_mode<synchronous>, transform_indices = @transform_7, window_bounds = array<i64: 1, 128>}, {pipeline_mode = #tpu.pipeline_mode<synchronous>, transform_indices = @transform_8, window_bounds = array<i64: 128, 128>}, {pipeline_mode = #tpu.pipeline_mode<synchronous>, transform_indices = @transform_9, window_bounds = array<i64: 1, 128>}, {pipeline_mode = #tpu.pipeline_mode<synchronous>, transform_indices = @transform_10, window_bounds = array<i64: 128, 128>}, {pipeline_mode = #tpu.pipeline_mode<synchronous>, transform_indices = @transform_11, window_bounds = array<i64: 128, 128>}, {pipeline_mode = #tpu.pipeline_mode<synchronous>, transform_indices = @transform_12, window_bounds = array<i64: 1, 128>}, {pipeline_mode = #tpu.pipeline_mode<synchronous>, transform_indices = @transform_13, window_bounds = array<i64: 128, 128>}, {pipeline_mode = #tpu.pipeline_mode<synchronous>, transform_indices = @transform_14, window_bounds = array<i64: 1, 128>}, {pipeline_mode = #tpu.pipeline_mode<synchronous>, transform_indices = @transform_15, window_bounds = array<i64: 1, 128>}, {pipeline_mode = #tpu.pipeline_mode<synchronous>, transform_indices = @transform_16, window_bounds = array<i64: 128, 128>}, {pipeline_mode = #tpu.pipeline_mode<synchronous>, transform_indices = @transform_17, window_bounds = array<i64: 128, 128>}, {pipeline_mode = #tpu.pipeline_mode<synchronous>, transform_indices = @transform_18, window_bounds = array<i64: 1, 128>}, {pipeline_mode = #tpu.pipeline_mode<synchronous>, transform_indices = @transform_19, window_bounds = array<i64: 128, 128>}, {pipeline_mode = #tpu.pipeline_mode<synchronous>, transform_indices = @transform_20, window_bounds = array<i64: 1, 128>}, {pipeline_mode = #tpu.pipeline_mode<synchronous>, transform_indices = @transform_21, window_bounds = array<i64: 1, 128>}, {pipeline_mode = #tpu.pipeline_mode<synchronous>, transform_indices = @transform_22, window_bounds = array<i64: 256, 128>}, {pipeline_mode = #tpu.pipeline_mode<synchronous>, transform_indices = @transform_23, window_bounds = array<i64: 1, 128>}, {pipeline_mode = #tpu.pipeline_mode<synchronous>, transform_indices = @transform_24, window_bounds = array<i64: 128, 128>}, {pipeline_mode = #tpu.pipeline_mode<synchronous>, transform_indices = @transform_25, window_bounds = array<i64: 1, 128>}, {transform_indices = @transform_26, window_bounds = array<i64: 64, 128>}]} {
    %get3A = arith.constant 0 : index
    %get3A_0 = arith.constant 0 : index
    %get3A_1 = vector.load %arg5[%get3A, %get3A_0] : memref<8x128xf32, #tpu.memory_space<vmem>>, vector<8x128xf32>
    %get3A_2 = arith.constant 0 : index
    %get3A_3 = arith.constant 0 : index
    %get3A_4 = vector.load %arg7[%get3A_2, %get3A_3] : memref<128x128xf32, #tpu.memory_space<vmem>>, vector<128x128xf32>
    %dot_general3A = arith.constant dense<0.000000e+00> : vector<8x128xf32>
    %dot_general3A_5 = tpu.matmul %get3A_1, %get3A_4, %dot_general3A {dimension_numbers = #tpu.dot_dimension_numbers<[1], [0], [0], [1], [0, 0, 1, 1], [], []>, transpose_lhs_hint = false} : vector<8x128xf32>, vector<128x128xf32>, vector<8x128xf32> -> vector<8x128xf32>
    %get3A_6 = arith.constant 0 : index
    %get3A_7 = arith.constant 0 : index
    %get3A_8 = vector.load %arg8[%get3A_6, %get3A_7] : memref<1x128xf32, #tpu.memory_space<vmem>>, vector<1x128xf32>
    %add3A = vector.broadcast %get3A_8 : vector<1x128xf32> to vector<8x128xf32>
    %add3A_9 = arith.addf %dot_general3A_5, %add3A : vector<8x128xf32>
    %convert_element_type3A = arith.truncf %add3A_9 : vector<8x128xf32> to vector<8x128xbf16>
    %get3A_10 = arith.constant 0 : index
    %get3A_11 = arith.constant 0 : index
    %get3A_12 = vector.load %arg1[%get3A_10, %get3A_11] : memref<12800x128xf32, #tpu.memory_space<vmem>>, vector<12800x128xf32>
    %convert_element_type3A_13 = arith.truncf %get3A_12 : vector<12800x128xf32> to vector<12800x128xbf16>
    %get3A_14 = arith.constant 0 : index
    %get3A_15 = arith.constant 0 : index
    %get3A_16 = vector.load %arg6[%get3A_14, %get3A_15] : memref<128x128xbf16, #tpu.memory_space<vmem>>, vector<128x128xbf16>
    %dot_general3A_17 = arith.constant dense<0.000000e+00> : vector<12800x128xf32>
    %dot_general3A_18 = tpu.matmul %convert_element_type3A_13, %get3A_16, %dot_general3A_17 {dimension_numbers = #tpu.dot_dimension_numbers<[1], [0], [0], [1], [0, 0, 1, 1], [], []>, transpose_lhs_hint = false} : vector<12800x128xbf16>, vector<128x128xbf16>, vector<12800x128xf32> -> vector<12800x128xf32>
    %get3A_19 = arith.constant 0 : index
    %get3A_20 = arith.constant 0 : index
    %get3A_21 = vector.load %arg2[%get3A_19, %get3A_20] : memref<12800x8xbf16, #tpu.memory_space<vmem>>, vector<12800x8xbf16>
    %dot_general3A_22 = arith.constant dense<0.000000e+00> : vector<12800x128xf32>
    %dot_general3A_23 = tpu.matmul %get3A_21, %convert_element_type3A, %dot_general3A_22 {dimension_numbers = #tpu.dot_dimension_numbers<[1], [0], [0], [1], [0, 0, 1, 1], [], []>, transpose_lhs_hint = false} : vector<12800x8xbf16>, vector<8x128xbf16>, vector<12800x128xf32> -> vector<12800x128xf32>
    %add3A_24 = arith.addf %dot_general3A_18, %dot_general3A_23 : vector<12800x128xf32>
    %max3A = arith.constant 0.000000e+00 : f32
    %max3A_25 = vector.broadcast %max3A : f32 to vector<12800x128xf32>
    %max3A_26 = arith.maximumf %add3A_24, %max3A_25 : vector<12800x128xf32>
    %convert_element_type3A_27 = arith.truncf %max3A_26 : vector<12800x128xf32> to vector<12800x128xbf16>
    %get3A_28 = arith.constant 0 : index
    %get3A_29 = arith.constant 0 : index
    %get3A_30 = vector.load %arg9[%get3A_28, %get3A_29] : memref<128x128xbf16, #tpu.memory_space<vmem>>, vector<128x128xbf16>
    %dot_general3A_31 = arith.constant dense<0.000000e+00> : vector<12800x128xf32>
    %dot_general3A_32 = tpu.matmul %convert_element_type3A_27, %get3A_30, %dot_general3A_31 {dimension_numbers = #tpu.dot_dimension_numbers<[1], [0], [0], [1], [0, 0, 1, 1], [], []>, transpose_lhs_hint = false} : vector<12800x128xbf16>, vector<128x128xbf16>, vector<12800x128xf32> -> vector<12800x128xf32>
    %get3A_33 = arith.constant 0 : index
    %get3A_34 = arith.constant 0 : index
    %get3A_35 = vector.load %arg10[%get3A_33, %get3A_34] : memref<1x128xf32, #tpu.memory_space<vmem>>, vector<1x128xf32>
    %add3A_36 = vector.broadcast %get3A_35 : vector<1x128xf32> to vector<12800x128xf32>
    %add3A_37 = arith.addf %dot_general3A_32, %add3A_36 : vector<12800x128xf32>
    %max3A_38 = arith.constant 0.000000e+00 : f32
    %max3A_39 = vector.broadcast %max3A_38 : f32 to vector<12800x128xf32>
    %max3A_40 = arith.maximumf %add3A_37, %max3A_39 : vector<12800x128xf32>
    %convert_element_type3A_41 = arith.truncf %max3A_40 : vector<12800x128xf32> to vector<12800x128xbf16>
    %get3A_42 = arith.constant 0 : index
    %get3A_43 = arith.constant 0 : index
    %get3A_44 = vector.load %arg4[%get3A_42, %get3A_43] : memref<64x128xf32, #tpu.memory_space<vmem>>, vector<64x128xf32>
    %get3A_45 = arith.constant 0 : index
    %get3A_46 = arith.constant 0 : index
    %get3A_47 = vector.load %arg12[%get3A_45, %get3A_46] : memref<128x128xf32, #tpu.memory_space<vmem>>, vector<128x128xf32>
    %dot_general3A_48 = arith.constant dense<0.000000e+00> : vector<64x128xf32>
    %dot_general3A_49 = tpu.matmul %get3A_44, %get3A_47, %dot_general3A_48 {dimension_numbers = #tpu.dot_dimension_numbers<[1], [0], [0], [1], [0, 0, 1, 1], [], []>, transpose_lhs_hint = false} : vector<64x128xf32>, vector<128x128xf32>, vector<64x128xf32> -> vector<64x128xf32>
    %get3A_50 = arith.constant 0 : index
    %get3A_51 = arith.constant 0 : index
    %get3A_52 = vector.load %arg13[%get3A_50, %get3A_51] : memref<1x128xf32, #tpu.memory_space<vmem>>, vector<1x128xf32>
    %add3A_53 = vector.broadcast %get3A_52 : vector<1x128xf32> to vector<64x128xf32>
    %add3A_54 = arith.addf %dot_general3A_49, %add3A_53 : vector<64x128xf32>
    %get3A_55 = arith.constant 0 : index
    %get3A_56 = arith.constant 0 : index
    %get3A_57 = vector.load %arg11[%get3A_55, %get3A_56] : memref<128x128xbf16, #tpu.memory_space<vmem>>, vector<128x128xbf16>
    %dot_general3A_58 = arith.constant dense<0.000000e+00> : vector<12800x128xf32>
    %dot_general3A_59 = tpu.matmul %convert_element_type3A_41, %get3A_57, %dot_general3A_58 {dimension_numbers = #tpu.dot_dimension_numbers<[1], [0], [0], [1], [0, 0, 1, 1], [], []>, transpose_lhs_hint = false} : vector<12800x128xbf16>, vector<128x128xbf16>, vector<12800x128xf32> -> vector<12800x128xf32>
    %reshape3A = vector.shape_cast %dot_general3A_59 : vector<12800x128xf32> to vector<64x200x128xf32>
    %broadcast_in_dim3A = vector.shape_cast %add3A_54 : vector<64x128xf32> to vector<64x1x128xf32>
    %add3A_60 = vector.broadcast %broadcast_in_dim3A : vector<64x1x128xf32> to vector<64x200x128xf32>
    %add3A_61 = arith.addf %reshape3A, %add3A_60 : vector<64x200x128xf32>
    %max3A_62 = arith.constant 0.000000e+00 : f32
    %max3A_63 = vector.broadcast %max3A_62 : f32 to vector<64x200x128xf32>
    %max3A_64 = arith.maximumf %add3A_61, %max3A_63 : vector<64x200x128xf32>
    %convert_element_type3A_65 = arith.truncf %max3A_64 : vector<64x200x128xf32> to vector<64x200x128xbf16>
    %reshape3A_66 = vector.shape_cast %convert_element_type3A_65 : vector<64x200x128xbf16> to vector<12800x128xbf16>
    %get3A_67 = arith.constant 0 : index
    %get3A_68 = arith.constant 0 : index
    %get3A_69 = vector.load %arg14[%get3A_67, %get3A_68] : memref<128x128xbf16, #tpu.memory_space<vmem>>, vector<128x128xbf16>
    %dot_general3A_70 = arith.constant dense<0.000000e+00> : vector<12800x128xf32>
    %dot_general3A_71 = tpu.matmul %reshape3A_66, %get3A_69, %dot_general3A_70 {dimension_numbers = #tpu.dot_dimension_numbers<[1], [0], [0], [1], [0, 0, 1, 1], [], []>, transpose_lhs_hint = false} : vector<12800x128xbf16>, vector<128x128xbf16>, vector<12800x128xf32> -> vector<12800x128xf32>
    %get3A_72 = arith.constant 0 : index
    %get3A_73 = arith.constant 0 : index
    %get3A_74 = vector.load %arg15[%get3A_72, %get3A_73] : memref<1x128xf32, #tpu.memory_space<vmem>>, vector<1x128xf32>
    %add3A_75 = vector.broadcast %get3A_74 : vector<1x128xf32> to vector<12800x128xf32>
    %add3A_76 = arith.addf %dot_general3A_71, %add3A_75 : vector<12800x128xf32>
    %max3A_77 = arith.constant 0.000000e+00 : f32
    %max3A_78 = vector.broadcast %max3A_77 : f32 to vector<12800x128xf32>
    %max3A_79 = arith.maximumf %add3A_76, %max3A_78 : vector<12800x128xf32>
    %get3A_80 = arith.constant 0 : index
    %get3A_81 = arith.constant 0 : index
    %get3A_82 = vector.load %arg16[%get3A_80, %get3A_81] : memref<1x128xf32, #tpu.memory_space<vmem>>, vector<1x128xf32>
    %mul3A = vector.broadcast %get3A_82 : vector<1x128xf32> to vector<12800x128xf32>
    %mul3A_83 = arith.mulf %max3A_79, %mul3A : vector<12800x128xf32>
    %reduce_sum3A = arith.constant dense<0.000000e+00> : vector<12800xf32>
    %reduce_sum3A_84 = vector.multi_reduction <add>, %mul3A_83, %reduce_sum3A [1] : vector<12800x128xf32> to vector<12800xf32>
    %broadcast_in_dim3A_85 = vector.shape_cast %reduce_sum3A_84 : vector<12800xf32> to vector<12800x1xf32>
    %reshape3A_86 = vector.shape_cast %broadcast_in_dim3A_85 : vector<12800x1xf32> to vector<64x200x1xf32>
    %reduce_max3A = arith.constant dense<0xFF800000> : vector<64x1xf32>
    %reduce_max3A_87 = vector.multi_reduction <maximumf>, %reshape3A_86, %reduce_max3A [1] : vector<64x200x1xf32> to vector<64x1xf32>
    %broadcast_in_dim3A_88 = vector.shape_cast %reduce_max3A_87 : vector<64x1xf32> to vector<64x1x1xf32>
    %sub3A = vector.broadcast %broadcast_in_dim3A_88 : vector<64x1x1xf32> to vector<64x200x1xf32>
    %sub3A_89 = arith.subf %reshape3A_86, %sub3A : vector<64x200x1xf32>
    %exp3A = math.exp %sub3A_89 : vector<64x200x1xf32>
    %reduce_sum3A_90 = arith.constant dense<0.000000e+00> : vector<64x1xf32>
    %reduce_sum3A_91 = vector.multi_reduction <add>, %exp3A, %reduce_sum3A_90 [1] : vector<64x200x1xf32> to vector<64x1xf32>
    %broadcast_in_dim3A_92 = vector.shape_cast %reduce_sum3A_91 : vector<64x1xf32> to vector<64x1x1xf32>
    %div3A = vector.broadcast %broadcast_in_dim3A_92 : vector<64x1x1xf32> to vector<64x200x1xf32>
    %div3A_93 = arith.divf %exp3A, %div3A : vector<64x200x1xf32>
    %reshape3A_94 = vector.shape_cast %max3A_40 : vector<12800x128xf32> to vector<64x200x128xf32>
    %mul3A_95 = vector.broadcast %div3A_93 : vector<64x200x1xf32> to vector<64x200x128xf32>
    %mul3A_96 = arith.mulf %mul3A_95, %reshape3A_94 : vector<64x200x128xf32>
    %reduce_sum3A_97 = arith.constant dense<0.000000e+00> : vector<64x128xf32>
    %reduce_sum3A_98 = vector.multi_reduction <add>, %mul3A_96, %reduce_sum3A_97 [1] : vector<64x200x128xf32> to vector<64x128xf32>
    %get3A_99 = arith.constant 0 : index
    %get3A_100 = arith.constant 0 : index
    %get3A_101 = vector.load %arg3[%get3A_99, %get3A_100] : memref<3584x128xf32, #tpu.memory_space<vmem>>, vector<3584x128xf32>
    %get3A_102 = arith.constant 0 : index
    %get3A_103 = arith.constant 0 : index
    %get3A_104 = vector.load %arg18[%get3A_102, %get3A_103] : memref<128x128xf32, #tpu.memory_space<vmem>>, vector<128x128xf32>
    %dot_general3A_105 = arith.constant dense<0.000000e+00> : vector<64x128xf32>
    %dot_general3A_106 = tpu.matmul %get3A_44, %get3A_104, %dot_general3A_105 {dimension_numbers = #tpu.dot_dimension_numbers<[1], [0], [0], [1], [0, 0, 1, 1], [], []>, transpose_lhs_hint = false} : vector<64x128xf32>, vector<128x128xf32>, vector<64x128xf32> -> vector<64x128xf32>
    %get3A_107 = arith.constant 0 : index
    %get3A_108 = arith.constant 0 : index
    %get3A_109 = vector.load %arg19[%get3A_107, %get3A_108] : memref<1x128xf32, #tpu.memory_space<vmem>>, vector<1x128xf32>
    %add3A_110 = vector.broadcast %get3A_109 : vector<1x128xf32> to vector<64x128xf32>
    %add3A_111 = arith.addf %dot_general3A_106, %add3A_110 : vector<64x128xf32>
    %convert_element_type3A_112 = arith.truncf %get3A_101 : vector<3584x128xf32> to vector<3584x128xbf16>
    %get3A_113 = arith.constant 0 : index
    %get3A_114 = arith.constant 0 : index
    %get3A_115 = vector.load %arg17[%get3A_113, %get3A_114] : memref<128x128xbf16, #tpu.memory_space<vmem>>, vector<128x128xbf16>
    %dot_general3A_116 = arith.constant dense<0.000000e+00> : vector<3584x128xf32>
    %dot_general3A_117 = tpu.matmul %convert_element_type3A_112, %get3A_115, %dot_general3A_116 {dimension_numbers = #tpu.dot_dimension_numbers<[1], [0], [0], [1], [0, 0, 1, 1], [], []>, transpose_lhs_hint = false} : vector<3584x128xbf16>, vector<128x128xbf16>, vector<3584x128xf32> -> vector<3584x128xf32>
    %reshape3A_118 = vector.shape_cast %dot_general3A_117 : vector<3584x128xf32> to vector<64x56x128xf32>
    %broadcast_in_dim3A_119 = vector.shape_cast %add3A_111 : vector<64x128xf32> to vector<64x1x128xf32>
    %add3A_120 = vector.broadcast %broadcast_in_dim3A_119 : vector<64x1x128xf32> to vector<64x56x128xf32>
    %add3A_121 = arith.addf %reshape3A_118, %add3A_120 : vector<64x56x128xf32>
    %max3A_122 = arith.constant 0.000000e+00 : f32
    %max3A_123 = vector.broadcast %max3A_122 : f32 to vector<64x56x128xf32>
    %max3A_124 = arith.maximumf %add3A_121, %max3A_123 : vector<64x56x128xf32>
    %convert_element_type3A_125 = arith.truncf %max3A_124 : vector<64x56x128xf32> to vector<64x56x128xbf16>
    %reshape3A_126 = vector.shape_cast %convert_element_type3A_125 : vector<64x56x128xbf16> to vector<3584x128xbf16>
    %get3A_127 = arith.constant 0 : index
    %get3A_128 = arith.constant 0 : index
    %get3A_129 = vector.load %arg20[%get3A_127, %get3A_128] : memref<128x128xbf16, #tpu.memory_space<vmem>>, vector<128x128xbf16>
    %dot_general3A_130 = arith.constant dense<0.000000e+00> : vector<3584x128xf32>
    %dot_general3A_131 = tpu.matmul %reshape3A_126, %get3A_129, %dot_general3A_130 {dimension_numbers = #tpu.dot_dimension_numbers<[1], [0], [0], [1], [0, 0, 1, 1], [], []>, transpose_lhs_hint = false} : vector<3584x128xbf16>, vector<128x128xbf16>, vector<3584x128xf32> -> vector<3584x128xf32>
    %get3A_132 = arith.constant 0 : index
    %get3A_133 = arith.constant 0 : index
    %get3A_134 = vector.load %arg21[%get3A_132, %get3A_133] : memref<1x128xf32, #tpu.memory_space<vmem>>, vector<1x128xf32>
    %add3A_135 = vector.broadcast %get3A_134 : vector<1x128xf32> to vector<3584x128xf32>
    %add3A_136 = arith.addf %dot_general3A_131, %add3A_135 : vector<3584x128xf32>
    %max3A_137 = arith.constant 0.000000e+00 : f32
    %max3A_138 = vector.broadcast %max3A_137 : f32 to vector<3584x128xf32>
    %max3A_139 = arith.maximumf %add3A_136, %max3A_138 : vector<3584x128xf32>
    %get3A_140 = arith.constant 0 : index
    %get3A_141 = arith.constant 0 : index
    %get3A_142 = vector.load %arg22[%get3A_140, %get3A_141] : memref<1x128xf32, #tpu.memory_space<vmem>>, vector<1x128xf32>
    %mul3A_143 = vector.broadcast %get3A_142 : vector<1x128xf32> to vector<3584x128xf32>
    %mul3A_144 = arith.mulf %max3A_139, %mul3A_143 : vector<3584x128xf32>
    %reduce_sum3A_145 = arith.constant dense<0.000000e+00> : vector<3584xf32>
    %reduce_sum3A_146 = vector.multi_reduction <add>, %mul3A_144, %reduce_sum3A_145 [1] : vector<3584x128xf32> to vector<3584xf32>
    %broadcast_in_dim3A_147 = vector.shape_cast %reduce_sum3A_146 : vector<3584xf32> to vector<3584x1xf32>
    %reshape3A_148 = vector.shape_cast %broadcast_in_dim3A_147 : vector<3584x1xf32> to vector<64x56x1xf32>
    %iota3A = tpu.iota {dimensions = array<i32: 1>} : vector<64x56x1xi32>
    %lt3A = arith.constant 50 : i32
    %lt3A_149 = vector.broadcast %lt3A : i32 to vector<64x56x1xi32>
    %lt3A_150 = arith.cmpi slt, %iota3A, %lt3A_149 : vector<64x56x1xi32>
    %jit3A = arith.constant -1.000000e+30 : f32
    %broadcast_in_dim3A_151 = vector.broadcast %jit3A : f32 to vector<64x56x1xf32>
    %select_n3A = arith.select %lt3A_150, %reshape3A_148, %broadcast_in_dim3A_151 : vector<64x56x1xi1>, vector<64x56x1xf32>
    %reduce_max3A_152 = arith.constant dense<0xFF800000> : vector<64x1xf32>
    %reduce_max3A_153 = vector.multi_reduction <maximumf>, %select_n3A, %reduce_max3A_152 [1] : vector<64x56x1xf32> to vector<64x1xf32>
    %broadcast_in_dim3A_154 = vector.shape_cast %reduce_max3A_153 : vector<64x1xf32> to vector<64x1x1xf32>
    %sub3A_155 = vector.broadcast %broadcast_in_dim3A_154 : vector<64x1x1xf32> to vector<64x56x1xf32>
    %sub3A_156 = arith.subf %select_n3A, %sub3A_155 : vector<64x56x1xf32>
    %exp3A_157 = math.exp %sub3A_156 : vector<64x56x1xf32>
    %reduce_sum3A_158 = arith.constant dense<0.000000e+00> : vector<64x1xf32>
    %reduce_sum3A_159 = vector.multi_reduction <add>, %exp3A_157, %reduce_sum3A_158 [1] : vector<64x56x1xf32> to vector<64x1xf32>
    %broadcast_in_dim3A_160 = vector.shape_cast %reduce_sum3A_159 : vector<64x1xf32> to vector<64x1x1xf32>
    %div3A_161 = vector.broadcast %broadcast_in_dim3A_160 : vector<64x1x1xf32> to vector<64x56x1xf32>
    %div3A_162 = arith.divf %exp3A_157, %div3A_161 : vector<64x56x1xf32>
    %reshape3A_163 = vector.shape_cast %get3A_101 : vector<3584x128xf32> to vector<64x56x128xf32>
    %mul3A_164 = vector.broadcast %div3A_162 : vector<64x56x1xf32> to vector<64x56x128xf32>
    %mul3A_165 = arith.mulf %mul3A_164, %reshape3A_163 : vector<64x56x128xf32>
    %reduce_sum3A_166 = arith.constant dense<0.000000e+00> : vector<64x128xf32>
    %reduce_sum3A_167 = vector.multi_reduction <add>, %mul3A_165, %reduce_sum3A_166 [1] : vector<64x56x128xf32> to vector<64x128xf32>
    %get3A_168 = arith.constant 0 : index
    %get3A_169 = arith.constant 0 : index
    %get3A_170 = vector.load %arg23[%get3A_168, %get3A_169] : memref<256x128xf32, #tpu.memory_space<vmem>>, vector<128x128xf32>
    %dot_general3A_171 = arith.constant dense<0.000000e+00> : vector<64x128xf32>
    %dot_general3A_172 = tpu.matmul %reduce_sum3A_98, %get3A_170, %dot_general3A_171 {dimension_numbers = #tpu.dot_dimension_numbers<[1], [0], [0], [1], [0, 0, 1, 1], [], []>, transpose_lhs_hint = false} : vector<64x128xf32>, vector<128x128xf32>, vector<64x128xf32> -> vector<64x128xf32>
    %get3A_173 = arith.constant 128 : index
    %get3A_174 = arith.constant 0 : index
    %get3A_175 = vector.load %arg23[%get3A_173, %get3A_174] : memref<256x128xf32, #tpu.memory_space<vmem>>, vector<128x128xf32>
    %dot_general3A_176 = arith.constant dense<0.000000e+00> : vector<64x128xf32>
    %dot_general3A_177 = tpu.matmul %reduce_sum3A_167, %get3A_175, %dot_general3A_176 {dimension_numbers = #tpu.dot_dimension_numbers<[1], [0], [0], [1], [0, 0, 1, 1], [], []>, transpose_lhs_hint = false} : vector<64x128xf32>, vector<128x128xf32>, vector<64x128xf32> -> vector<64x128xf32>
    %add3A_178 = arith.addf %dot_general3A_172, %dot_general3A_177 : vector<64x128xf32>
    %get3A_179 = arith.constant 0 : index
    %get3A_180 = arith.constant 0 : index
    %get3A_181 = vector.load %arg24[%get3A_179, %get3A_180] : memref<1x128xf32, #tpu.memory_space<vmem>>, vector<1x128xf32>
    %add3A_182 = vector.broadcast %get3A_181 : vector<1x128xf32> to vector<64x128xf32>
    %add3A_183 = arith.addf %add3A_178, %add3A_182 : vector<64x128xf32>
    %max3A_184 = arith.constant 0.000000e+00 : f32
    %max3A_185 = vector.broadcast %max3A_184 : f32 to vector<64x128xf32>
    %max3A_186 = arith.maximumf %add3A_183, %max3A_185 : vector<64x128xf32>
    %get3A_187 = arith.constant 0 : index
    %get3A_188 = arith.constant 0 : index
    %get3A_189 = vector.load %arg25[%get3A_187, %get3A_188] : memref<128x128xf32, #tpu.memory_space<vmem>>, vector<128x128xf32>
    %dot_general3A_190 = arith.constant dense<0.000000e+00> : vector<64x128xf32>
    %dot_general3A_191 = tpu.matmul %max3A_186, %get3A_189, %dot_general3A_190 {dimension_numbers = #tpu.dot_dimension_numbers<[1], [0], [0], [1], [0, 0, 1, 1], [], []>, transpose_lhs_hint = false} : vector<64x128xf32>, vector<128x128xf32>, vector<64x128xf32> -> vector<64x128xf32>
    %get3A_192 = arith.constant 0 : index
    %get3A_193 = arith.constant 0 : index
    %get3A_194 = vector.load %arg26[%get3A_192, %get3A_193] : memref<1x128xf32, #tpu.memory_space<vmem>>, vector<1x128xf32>
    %add3A_195 = vector.broadcast %get3A_194 : vector<1x128xf32> to vector<64x128xf32>
    %add3A_196 = arith.addf %dot_general3A_191, %add3A_195 : vector<64x128xf32>
    %max3A_197 = arith.constant 0.000000e+00 : f32
    %max3A_198 = vector.broadcast %max3A_197 : f32 to vector<64x128xf32>
    %max3A_199 = arith.maximumf %add3A_196, %max3A_198 : vector<64x128xf32>
    %swap3A = arith.constant 0 : index
    %swap3A_200 = arith.constant 0 : index
    %swap3A_201 = vector.load %arg27[%swap3A, %swap3A_200] : memref<64x128xf32, #tpu.memory_space<vmem>>, vector<64x128xf32>
    tpu.vector_store %arg27[%swap3A, %swap3A_200], %max3A_199 {strides = array<i32>} : memref<64x128xf32, #tpu.memory_space<vmem>>, vector<64x128xf32>,
    return
  }
  func.func @transform_0(%arg0: i32) -> (i32, i32) {
    %c0_i32 = arith.constant 0 : i32
    %c0_i32_0 = arith.constant 0 : i32
    return %arg0, %c0_i32 : i32, i32
  }
  func.func @transform_1(%arg0: i32) -> (i32, i32) {
    %c0_i32 = arith.constant 0 : i32
    %c0_i32_0 = arith.constant 0 : i32
    return %arg0, %c0_i32 : i32, i32
  }
  func.func @transform_2(%arg0: i32) -> (i32, i32) {
    %c0_i32 = arith.constant 0 : i32
    %c0_i32_0 = arith.constant 0 : i32
    return %arg0, %c0_i32 : i32, i32
  }
  func.func @transform_3(%arg0: i32) -> (i32, i32) {
    %c0_i32 = arith.constant 0 : i32
    %c0_i32_0 = arith.constant 0 : i32
    return %arg0, %c0_i32 : i32, i32
  }
  func.func @transform_4(%arg0: i32) -> (i32, i32) {
    %c0_i32 = arith.constant 0 : i32
    %c0_i32_0 = arith.constant 0 : i32
    %c0_i32_1 = arith.constant 0 : i32
    return %c0_i32, %c0_i32_0 : i32, i32
  }
  func.func @transform_5(%arg0: i32) -> (i32, i32) {
    %c0_i32 = arith.constant 0 : i32
    %c0_i32_0 = arith.constant 0 : i32
    %c0_i32_1 = arith.constant 0 : i32
    return %c0_i32, %c0_i32_0 : i32, i32
  }
  func.func @transform_6(%arg0: i32) -> (i32, i32) {
    %c0_i32 = arith.constant 0 : i32
    %c0_i32_0 = arith.constant 0 : i32
    %c0_i32_1 = arith.constant 0 : i32
    return %c0_i32, %c0_i32_0 : i32, i32
  }
  func.func @transform_7(%arg0: i32) -> (i32, i32) {
    %c0_i32 = arith.constant 0 : i32
    %c0_i32_0 = arith.constant 0 : i32
    %c0_i32_1 = arith.constant 0 : i32
    return %c0_i32, %c0_i32_0 : i32, i32
  }
  func.func @transform_8(%arg0: i32) -> (i32, i32) {
    %c0_i32 = arith.constant 0 : i32
    %c0_i32_0 = arith.constant 0 : i32
    %c0_i32_1 = arith.constant 0 : i32
    return %c0_i32, %c0_i32_0 : i32, i32
  }
  func.func @transform_9(%arg0: i32) -> (i32, i32) {
    %c0_i32 = arith.constant 0 : i32
    %c0_i32_0 = arith.constant 0 : i32
    %c0_i32_1 = arith.constant 0 : i32
    return %c0_i32, %c0_i32_0 : i32, i32
  }
  func.func @transform_10(%arg0: i32) -> (i32, i32) {
    %c0_i32 = arith.constant 0 : i32
    %c0_i32_0 = arith.constant 0 : i32
    %c0_i32_1 = arith.constant 0 : i32
    return %c0_i32, %c0_i32_0 : i32, i32
  }
  func.func @transform_11(%arg0: i32) -> (i32, i32) {
    %c0_i32 = arith.constant 0 : i32
    %c0_i32_0 = arith.constant 0 : i32
    %c0_i32_1 = arith.constant 0 : i32
    return %c0_i32, %c0_i32_0 : i32, i32
  }
  func.func @transform_12(%arg0: i32) -> (i32, i32) {
    %c0_i32 = arith.constant 0 : i32
    %c0_i32_0 = arith.constant 0 : i32
    %c0_i32_1 = arith.constant 0 : i32
    return %c0_i32, %c0_i32_0 : i32, i32
  }
  func.func @transform_13(%arg0: i32) -> (i32, i32) {
    %c0_i32 = arith.constant 0 : i32
    %c0_i32_0 = arith.constant 0 : i32
    %c0_i32_1 = arith.constant 0 : i32
    return %c0_i32, %c0_i32_0 : i32, i32
  }
  func.func @transform_14(%arg0: i32) -> (i32, i32) {
    %c0_i32 = arith.constant 0 : i32
    %c0_i32_0 = arith.constant 0 : i32
    %c0_i32_1 = arith.constant 0 : i32
    return %c0_i32, %c0_i32_0 : i32, i32
  }
  func.func @transform_15(%arg0: i32) -> (i32, i32) {
    %c0_i32 = arith.constant 0 : i32
    %c0_i32_0 = arith.constant 0 : i32
    %c0_i32_1 = arith.constant 0 : i32
    return %c0_i32, %c0_i32_0 : i32, i32
  }
  func.func @transform_16(%arg0: i32) -> (i32, i32) {
    %c0_i32 = arith.constant 0 : i32
    %c0_i32_0 = arith.constant 0 : i32
    %c0_i32_1 = arith.constant 0 : i32
    return %c0_i32, %c0_i32_0 : i32, i32
  }
  func.func @transform_17(%arg0: i32) -> (i32, i32) {
    %c0_i32 = arith.constant 0 : i32
    %c0_i32_0 = arith.constant 0 : i32
    %c0_i32_1 = arith.constant 0 : i32
    return %c0_i32, %c0_i32_0 : i32, i32
  }
  func.func @transform_18(%arg0: i32) -> (i32, i32) {
    %c0_i32 = arith.constant 0 : i32
    %c0_i32_0 = arith.constant 0 : i32
    %c0_i32_1 = arith.constant 0 : i32
    return %c0_i32, %c0_i32_0 : i32, i32
  }
  func.func @transform_19(%arg0: i32) -> (i32, i32) {
    %c0_i32 = arith.constant 0 : i32
    %c0_i32_0 = arith.constant 0 : i32
    %c0_i32_1 = arith.constant 0 : i32
    return %c0_i32, %c0_i32_0 : i32, i32
  }
  func.func @transform_20(%arg0: i32) -> (i32, i32) {
    %c0_i32 = arith.constant 0 : i32
    %c0_i32_0 = arith.constant 0 : i32
    %c0_i32_1 = arith.constant 0 : i32
    return %c0_i32, %c0_i32_0 : i32, i32
  }
  func.func @transform_21(%arg0: i32) -> (i32, i32) {
    %c0_i32 = arith.constant 0 : i32
    %c0_i32_0 = arith.constant 0 : i32
    %c0_i32_1 = arith.constant 0 : i32
    return %c0_i32, %c0_i32_0 : i32, i32
  }
  func.func @transform_22(%arg0: i32) -> (i32, i32) {
    %c0_i32 = arith.constant 0 : i32
    %c0_i32_0 = arith.constant 0 : i32
    %c0_i32_1 = arith.constant 0 : i32
    return %c0_i32, %c0_i32_0 : i32, i32
  }
  func.func @transform_23(%arg0: i32) -> (i32, i32) {
    %c0_i32 = arith.constant 0 : i32
    %c0_i32_0 = arith.constant 0 : i32
    %c0_i32_1 = arith.constant 0 : i32
    return %c0_i32, %c0_i32_0 : i32, i32
  }
  func.func @transform_24(%arg0: i32) -> (i32, i32) {
    %c0_i32 = arith.constant 0 : i32
    %c0_i32_0 = arith.constant 0 : i32
    %c0_i32_1 = arith.constant 0 : i32
    return %c0_i32, %c0_i32_0 : i32, i32
  }
  func.func @transform_25(%arg0: i32) -> (i32, i32) {
    %c0_i32 = arith.constant 0 : i32
    %c0_i32_0 = arith.constant 0 : i32
    %c0_i32_1 = arith.constant 0 : i32
    return %c0_i32, %c0_i32_0 : i32, i32
  }
  func.func @transform_26(%arg0: i32) -> (i32, i32) {
    %c0_i32 = arith.constant 0 : i32
    %c0_i32_0 = arith.constant 0 : i32
    return %arg0, %c0_i32 : i32, i32
  }
}

</mosaic_0001>

<sc_bundles>
// kernel: kernel.4.cloned.1.call-start
scs
__scs_entry_jumppad:
0x0: {  	(pc) =	sbr.rel $0x88, $3  }
0x1: {  	(tag) =	ssettag $0x0;
	lr =	simm.s32 $0x1  }
0x2: {  	[smem:$0x3F88] =	sst lr;
	_ =	strace $0xD0000000  }
0x3: {  	_ = 	snop  }
0x4: {  	_ = 	snop  }
0x5: {  	_ = 	snop  }
0x6: {  	_ = 	snop  }
0x7: {  	_ = 	snop  }
__scs_overlays_trampoline_lowered:
0x8: {  	[smem:$0x3F97] =	sst s0  }
0x9: {  	[smem:$0x3F98] =	sst s1  }
0xa: {  	[smem:$0x3F99] =	sst s2  }
0xb: {  	[smem:$0x3F9A] =	sst s3  }
0xc: {  	[smem:$0x3F9B] =	sst s4  }
0xd: {  	[smem:$0x3F9C] =	sst s5  }
0xe: {  	[smem:$0x3F9D] =	sst s6  }
0xf: {  	[smem:$0x3F9E] =	sst s7  }
0x10: {  	[smem:$0x3F9F] =	sst s8  }
0x11: {  	[smem:$0x3FA0] =	sst s9;
	s0 =	simm.s32 @!p0 $0x0  }
0x12: {  	s1 =	sld [smem:$0x3F86];
	s0 =	simm.s32 @p0 $0x1  }
0x13: {  	[smem:$0x3FA1] =	sst s0;
	s0 =	simm.s32 @!p1 $0x0  }
0x14: {  	s2 =	sld [smem:$0x3F85];
	s0 =	simm.s32 @p1 $0x1  }
0x15: {  	[smem:$0x3FA2] =	sst s0;
	s0 =	simm.s32 @!p2 $0x0  }
0x16: {  	s3 =	sld [smem:$0x3FDB];
	s0 =	simm.s32 @p2 $0x1  }
0x17: {  	s4 =	simm.s32 $0x1BF5;
	[smem:$0x3FA4] =	sst s0  }
0x18: {  	s0 =	sld [smem:$0x3F87];
	_ =	swait.ge [sflag:s4], $0x0  }
0x19: {  	s7 =	sld [smem:$0x3F88]  }
0x1a: {  	s8 =	sadd.s32 $0xFFFFE003, lr  }
0x1b: {  	s9 =	sadd.s32 $0xFFFFFEF7, lr;
	s5 =	simm.s32 $0xFFFFFFFF;
	p2 =	slt.u32 s8, $0xFFFFF086  }
0x1c: {  	p1 =	slt.u32 s9, $0xF7A;
	s5 =	simm.s32 @!p2 $0x0  }
0x1d: {  	s5 =	simm.s32 @p1 $0x1;
	p0 =	seq.s32 s7, s2  }
0x1e: {  	s7 =	smul.u32 @!p0 $0xF7A, s2;
	p2 =	seq.s32 @!p0 s5, $0x0  }
0x1f: {  	s9 =	smul.u32 $0xF7A, s1;
	s8 =	simm.s32 @!p0 $0x1BF5;
	p2 =	por !p2, p0  }
0x20: {  	[sflag:s8] =	ssyncset.s32 @!p0 $0xFFFFF086;
	s6 =	sadd.s32 @!p0 s3, s7;
	s7 =	simm.s32 @!p0 $0x108  }
0x21: {  	s3 =	sadd.s32 s3, s9;
	s6 =	sadd.s32 @!p0 $0x88, s6;
	s7 =	simm.s32 @p2 $0x1082  }
0x22: {  	[simem:s7], [sflag:s8] =	dma.local @!p0 [hbm:s6], $0xF7A  }
0x23: {  	s9 =	sor.u32 $0xD0000000, s2;
	s6 =	simm.s32 $0x108;
	_ =	swait.ge @!p0 [sflag:s8], $0x0  }
0x24: {  	s3 =	sadd.s32 $0x88, s3;
	s6 =	simm.s32 @!p1 $0x1082;
	[sflag:s4] =	ssyncset.s32 $0xFFFFF086  }
0x25: {  	[simem:s6], [sflag:s4] =	dma.local [hbm:s3], $0xF7A  }
0x26: {  	[smem:$0x3F88] =	sst s1;
	(tag) =	ssettag s2;
	_ =	strace s9  }
0x27: {  	s1 =	sld [smem:$0x3F98]  }
0x28: {  	s2 =	sld [smem:$0x3F99]  }
0x29: {  	s4 =	sld [smem:$0x3F9B]  }
0x2a: {  	p0 =	seq.s32 s5, $0x0;
	s5 =	sld [smem:$0x3F9C]  }
0x2b: {  	s6 =	sld [smem:$0x3F9D]  }
0x2c: {  	s7 =	sld [smem:$0x3F9E]  }
0x2d: {  	s3 =	simm.s32 $0x108;
	s8 =	sld [smem:$0x3F9F]  }
0x2e: {  	s3 =	simm.s32 @!p0 $0x1082;
	s9 =	sld [smem:$0x3FA0]  }
0x2f: {  	lr =	sadd.s32 s0, s3;
	s0 =	sld [smem:$0x3F97]  }
0x30: {  	s3 =	sld [smem:$0x3F9A]  }
0x31: {  	[smem:$0x3FA3] =	sst s10  }
0x32: {  	s10 =	sld [smem:$0x3FA1];
	_ =	sdelay $0x3  }
0x33: {  	p0 =	seq.s32 s10, $0x1;
	s10 =	sld [smem:$0x3FA3];
	_ =	sdelay $0x3  }
0x34: {  	[smem:$0x3FA3] =	sst s10  }
0x35: {  	s10 =	sld [smem:$0x3FA2];
	_ =	sdelay $0x3  }
0x36: {  	p1 =	seq.s32 s10, $0x1;
	s10 =	sld [smem:$0x3FA3];
	_ =	sdelay $0x3  }
0x37: {  	[smem:$0x3FA3] =	sst s10  }
0x38: {  	s10 =	sld [smem:$0x3FA4]  }
0x39: {  	_ = 	snop;
	(pc) =	sbr.ind lr, $3  }
0x3a: {  	_ = 	snop  }
0x3b: {  	_ = 	snop  }
0x3c: {  	p2 =	seq.s32 s10, $0x1;
	s10 =	sld [smem:$0x3FA3]  }
0x3d: {  	_ =	shalt  }
0x3e: {  	_ =	shalt  }
0x3f: {  	_ =	shalt  }
0x40: {  	_ =	shalt  }
0x41: {  	_ =	shalt  }
0x42: {  	_ =	shalt  }
0x43: {  	_ =	shalt  }
0x44: {  	_ =	shalt  }
0x45: {  	_ =	shalt  }
0x46: {  	_ =	shalt  }
0x47: {  	_ =	shalt  }
0x48: {  	_ =	shalt  }
0x49: {  	_ =	shalt  }
0x4a: {  	_ =	shalt  }
0x4b: {  	_ =	shalt  }
0x4c: {  	_ =	shalt  }
0x4d: {  	_ =	shalt  }
0x4e: {  	_ =	shalt  }
0x4f: {  	_ =	shalt  }
0x50: {  	_ =	shalt  }
0x51: {  	_ =	shalt  }
0x52: {  	_ =	shalt  }
0x53: {  	_ =	shalt  }
0x54: {  	_ =	shalt  }
0x55: {  	_ =	shalt  }
0x56: {  	_ =	shalt  }
0x57: {  	_ =	shalt  }
0x58: {  	_ =	shalt  }
0x59: {  	_ =	shalt  }
0x5a: {  	_ =	shalt  }
0x5b: {  	_ =	shalt  }
0x5c: {  	_ =	shalt  }
0x5d: {  	_ =	shalt  }
0x5e: {  	_ =	shalt  }
0x5f: {  	_ =	shalt  }
0x60: {  	_ =	shalt  }
0x61: {  	_ =	shalt  }
0x62: {  	_ =	shalt  }
0x63: {  	_ =	shalt  }
0x64: {  	_ =	shalt  }
0x65: {  	_ =	shalt  }
0x66: {  	_ =	shalt  }
0x67: {  	_ =	shalt  }
0x68: {  	_ =	shalt  }
0x69: {  	_ =	shalt  }
0x6a: {  	_ =	shalt  }
0x6b: {  	_ =	shalt  }
0x6c: {  	_ =	shalt  }
0x6d: {  	_ =	shalt  }
0x6e: {  	_ =	shalt  }
0x6f: {  	_ =	shalt  }
0x70: {  	_ =	shalt  }
0x71: {  	_ =	shalt  }
0x72: {  	_ =	shalt  }
0x73: {  	_ =	shalt  }
0x74: {  	_ =	shalt  }
0x75: {  	_ =	shalt  }
0x76: {  	_ =	shalt  }
0x77: {  	_ =	shalt  }
0x78: {  	_ =	shalt  }
0x79: {  	_ =	shalt  }
0x7a: {  	_ =	shalt  }
0x7b: {  	_ =	shalt  }
0x7c: {  	_ =	shalt  }
0x7d: {  	_ =	shalt  }
0x7e: {  	_ =	shalt  }
0x7f: {  	_ =	shalt  }
0x80: {  	_ =	shalt  }
0x81: {  	_ =	shalt  }
0x82: {  	_ =	shalt  }
0x83: {  	_ =	shalt  }
0x84: {  	_ =	shalt  }
0x85: {  	_ =	shalt  }
0x86: {  	_ =	shalt  }
0x87: {  	_ =	shalt  }
.Lfunc_end0:
.L_simem_size_0:
called_computation_lowered:
.L_overlay_start_0:
0x88: {  	s2 =	sld [smem:$0x3FD9]  }
0x89: {  	s3 =	sld [smem:$0x3FFE];
	_ =	sdelay $0x1  }
0x8a: {  	s1 =	srdreg.scid  }
0x8b: {  	s0 =	sand.u32 $0x1, s1  }
0x8c: {  	s17 =	sshll.u32 s0, $0xA;
	s2 =	sadd.s32 s3, s2  }
0x8d: {  	s2 =	sadd.s32 s2, s17  }
0x8e: {  	[smem:$0x3FAF] =	sst s2  }
0x8f: {  	_ = 	snop  }
0x90: {  	s2 =	sld [smem:$0x3FC5]  }
0x91: {  	s18 =	sld [smem:$0x3FC4]  }
0x92: {  	s4 =	sld [smem:$0x3FD0];
	(tm) =	ssettm $0x1  }
0x93: {  	s5 =	sld [smem:$0x3FFB];
	_ =	sdelay $0x3  }
0x94: {  	_ =	strace s5  }
0x95: {  	s5 =	sld [smem:$0x3FFC];
	_ =	sdelay $0x3  }
0x96: {  	_ =	strace s5  }
0x97: {  	s5 =	sld [smem:$0x3FFD];
	_ =	sdelay $0x3  }
0x98: {  	_ =	strace s5  }
0x99: {  	_ =	strace $0x8FFFFFFF  }
0x9a: {  	s19 =	sld [smem:$0x3FDB];
	_ =	sdelay $0x1  }
0x9b: {  	s6 =	simm.s32 $_scs_section_size  }
0x9c: {  	s7 =	simm.s32 $_size__tile_overlayer_lowered;
	s8 =	simm.s32 $_tile_overlayer_lowered  }
0x9d: {  	s22 =	simm.s32 $0x1BFF;
	s21 =	sshll.u32 s8, $0x1;
	s5 =	sadd.s32 s6, s19  }
0x9e: {  	s9 =	simm.s32 $0x0;
	s20 =	sshll.u32 s7, $0x1;
	s7 =	sadd.s32 s21, s5  }
0x9f: {  	[timem:s9], [sflag:s22] =	dma.local [hbm:s7], s20  }
0xa0: {  	_ =	swait.ge [sflag:s22], s20  }
0xa1: {  	s6 =	ssub.s32 $0x0, s20;
	[sflag:s22] =	ssyncset.done $0x0  }
0xa2: {  	[sflag:s22] =	ssyncadd.s32 s6;
	_ =	sdelay $0x1  }
0xa3: {  	s23 =	simm.s32 $0x1B8B  }
0xa4: {  	_ =	swait.ge [sflag:s23], $0x1  }
0xa5: {  	[sflag:s23] =	ssyncset.done $0x0  }
0xa6: {  	s25 =	simm.s32 $0x1B8E;
	s24 =	sld [smem:$0x3FFE];
	[sflag:s23] =	ssyncadd.s32 $0xFFFFFFFF  }
0xa7: {  	s26 =	simm.s32 $execute0_lowered;
	[smem:$0x3FD2] =	sst s25  }
0xa8: {  	s7 =	sshll.u32 s26, $0x1;
	_ =	strace $0x80000046;
	[dreg:$0x1] =	wrdreg $0xFFFFFFFF  }
0xa9: {  	s28 =	simm.s32 $_size_execute0_lowered;
	s5 =	sadd.s32 s5, s7;
	[dreg:$0x0] =	wrdreg $0x0  }
0xaa: {  	s7 =	sshll.u32 s28, $0x1;
	[dreg:$0x2] =	wrdreg s5  }
0xab: {  	[dreg:$0x3] =	wrdreg s7  }
0xac: {  	[dreg:$0x4] =	wrdreg $0xC0  }
0xad: {  	_ =	task [dreg:s9], $0x5FFFF  }
0xae: {  	[dreg:$0x1] =	wrdreg $0xFFFFFFFF  }
0xaf: {  	[dreg:$0x0] =	wrdreg $0x60  }
0xb0: {  	[dreg:$0x2] =	wrdreg s18  }
0xb1: {  	[dreg:$0x3] =	wrdreg s2  }
0xb2: {  	[dreg:$0x4] =	wrdreg s24  }
0xb3: {  	[dreg:$0x5] =	wrdreg s4  }
0xb4: {  	[dreg:$0x6] =	wrdreg $0x9  }
0xb5: {  	_ =	task.clear_ibuf [dreg:s9], $0x7FFFF;
	_ =	strace $0x90000046  }
0xb6: {  	s29 =	simm.s32 $0x9;
	_ =	strace $0x80000048  }
0xb7: {  	_ =	swait.ge [sflag:s29], $0x1  }
0xb8: {  	[sflag:s29] =	ssyncadd.s32 $0xFFFFFFFF  }
0xb9: {  	_ =	strace $0x90000048  }
0xba: {  	_ =	sfence  }
0xbb: {  	s30 =	sld [smem:$0x0];
	_ =	sdelay $0x2  }
0xbc: {  	s31 =	sshll.u32 s1, $0xD;
	s1 =	sshrl.u32 s1, $0x2  }
0xbd: {  	s3 =	sand.u32 $0x4000, s31;
	s1 =	sadd.s32 s1, s30  }
0xbe: {  	s0 =	sor.u32 s3, s0;
	s1 =	sshll.u32 s1, $0x11  }
0xbf: {  	s0 =	sor.u32 s1, s0  }
0xc0: {  	s0 =	sadd.s32 $0x8F2B, s0  }
0xc1: {  	[sflag:s0] =	ssyncadd.remote.s32 $0x1  }
0xc2: {  	_ =	sfence.sel $0xFFFF  }
0xc3: {  	[dreg:$0x0] =	wrdreg $0xFFFFFFFF;
	(pc) =	sbr.abs _section_cstart, $3  }
0xc4: {  	[dreg:$0x1] =	wrdreg $0xFFFFFFFF  }
0xc5: {  	_ =	task.clear_ibuf [dreg:s9], $0x2FFFF;
	_ =	strace $0x9FFFFFFF  }
0xc6: {  	(tm) =	ssettm $0x7FFFFFFF  }
0xc7: {  	_ =	shalt  }
tec
execute0_lowered:
.L_overlay_start_1:
0x0: {  	(tag) =	ssettag $0x1  }
0x1: {  	s0 =	rddreg [dreg:$0x0]  }
0x2: {  	s1 =	rddreg [dreg:$0x1]  }
0x3: {  	s2 =	srdreg.scid;
	s3 =	rddreg [dreg:$0x2]  }
0x4: {  	s5 =	rddreg [dreg:$0x3];
	s15 =	stileid.u32;
	s4 =	simm.s32 $0x0  }
0x5: {  	s29 =	simm.s32 $0x9400;
	s31 =	simm.s32 $0xB400;
	s28 =	simm.s32 $0x7  }
0x6: {  	s30 =	simm.s32 $0x3;
	s2 =	sand.u32 $0x1, s2;
	s19 =	smul.u32 $0x19000, s15  }
0x7: {  	[smem:$0x7FF] =	sst s4;
	s8 =	sshll.u32 s15, $0x4;
	s21 =	smul.u32 $0x7000, s15  }
0x8: {  	s10 =	sadd.s32 $0x14400, s3;
	s6 =	sshll.u32 s2, $0x4;
	s26 =	smul.u32 $0x190000, s2  }
0x9: {  	s11 =	sadd.s32 $0x334400, s3;
	s17 =	smul.u32 $0x70000, s2;
	s6 =	sor.u32 s15, s6  }
0xa: {  	s13 =	sshll.u32 s15, $0xA;
	_ =	strace $0x80000047;
	s7 =	smul.u32 $0x680, s6  }
0xb: {  	s8 =	sadd.s32 s8, s3;
	s12 =	ssub.s32 $0x2, s2;
	s9 =	smul.u32 $0xC8000, s6  }
0xc: {  	p0 =	sne.s32 s2, $0x0;
	s23 =	smul.u32 $0x38000, s6;
	s6 =	sshll.u32 s6, $0x9  }
0xd: {  	s5 =	sadd.s32 s5, s6;
	s7 =	sadd.s32 s7, s3;
	s9 =	sshrl.u32 s9, $0x3  }
0xe: {  	s3 =	sadd.s32 s13, s3;
	[dreg:$0xb] =	wrdreg s5;
	s7 =	sadd.s32 $0x3200, s7  }
0xf: {  	s9 =	sadd.s32 s10, s9;
	s3 =	sadd.s32 $0x10400, s3;
	[dreg:$0x5] =	wrdreg s7  }
0x10: {  	s14 =	sshrl.u32 s12, $0x1;
	s22 =	sadd.s32 $0x17C00, s9;
	[dreg:$0xf] =	wrdreg s3  }
0x11: {  	s12 =	ssub.s32 s12, s14;
	s24 =	sadd.s32 $0x18000, s9;
	[dreg:$0x6] =	wrdreg s22  }
0x12: {  	s16 =	smax.u32 s12, $0x1;
	s25 =	sadd.s32 $0x18400, s9;
	[dreg:$0x7] =	wrdreg s24  }
0x13: {  	s18 =	sadd.s32 $0x18800, s9;
	s9 =	sadd.s32 $0x18C00, s9;
	[dreg:$0x8] =	wrdreg s25  }
0x14: {  	s7 =	sshrl.u32 s23, $0x3;
	s23 =	sadd.s32 $0x10200, s8;
	[dreg:$0x9] =	wrdreg s18  }
0x15: {  	s8 =	simm.s32 $0x5;
	[dreg:$0xa] =	wrdreg s9;
	s22 =	smul.u32 $0x380000, s2  }
0x16: {  	s20 =	sadd.s32 s11, s7;
	[dreg:$0xe] =	wrdreg s23;
	s24 =	smul.u32 $0x38000, s15  }
0x17: {  	s25 =	sadd.s32 s26, s10;
	s26 =	sadd.s32 s17, s11;
	s23 =	simm.s32 $0x80  }
0x18: {  	s2 =	simm.s32 $0x1;
	s9 =	simm.s32 $0xA;
	s10 =	simm.s32 $0x0  }
0x19: {  	s7 =	sadd.s32 $0x6800, s20;
	s5 =	sadd.s32 $0x6C00, s20;
	s6 =	sadd.s32 s21, s26  }
0x1a: {  	s20 =	simm.s32 $0xB;
	s21 =	simm.s32 $0x40;
	[dreg:$0xc] =	wrdreg s7  }
0x1b: {  	s26 =	simm.s32 $0x7400;
	[dreg:$0xd] =	wrdreg s5;
	s7 =	sadd.s32 s19, s25  }
0x1c: {  	s3 =	sadd.s32 s24, s22;
	s18 =	sadd.s32 $0x400, s6;
	s22 =	simm.s32 $0x3400  }
0x1d: {  	s24 =	simm.s32 $0x5400;
	s25 =	simm.s32 $0x2;
	s5 =	simm.s32 $0x8  }
0x1e: {  	s6 =	simm.s32 $0x4;
	s17 =	sadd.s32 $0x1000, s7;
	s3 =	sshrl.u32 s3, $0x3  }
0x1f: {  	s7 =	simm.s32 $0x9;
	s19 =	sadd.s32 s3, s11;
	s3 =	simm.s32 $0x6  }
.LBB2_1:
0x20: {  	s11 =	rddreg [dreg:$0x5]  }
0x21: {  	[tilespmem:s4], [sflag:$0xB] =	stream.linear.gather [hbm4b:s11+s4], $0x3200, $0x38;
	[tilespmem:$0xD400] =	vst v63  }
0x22: {  	_ =	swait.ge [sflag:s20], $0x3200  }
0x23: {  	[sflag:s20] =	ssyncset.done $0x0  }
0x24: {  	[sflag:s20] =	ssyncadd.s32 $0xFFFFCE00  }
0x25: {  	[tilespmem:s22], [sflag:$0x1] =	stream.indirect.gather [hbm4b:s0+s21], $0x80, s4, s21, $0xb8;
	[tilespmem:$0xD400] =	vst v63  }
0x26: {  	_ = 	snop  }
0x27: {  	[tilespmem:s24], [sflag:$0x2] =	stream.indirect.gather [hbm4b:s0+s21], $0x80, s23, s21, $0xb8;
	[tilespmem:$0xD400] =	vst v63  }
0x28: {  	s13 =	simm.s32 $0x100  }
0x29: {  	[tilespmem:s26], [sflag:$0x3] =	stream.indirect.gather [hbm4b:s0+s21], $0x80, s13, s21, $0xb8;
	[tilespmem:$0xD400] =	vst v63  }
0x2a: {  	s14 =	simm.s32 $0x180  }
0x2b: {  	[tilespmem:s29], [sflag:$0x4] =	stream.indirect.gather [hbm4b:s0+s21], $0x80, s14, s21, $0xb8;
	[tilespmem:$0xD400] =	vst v63  }
0x2c: {  	s15 =	simm.s32 $0x200  }
0x2d: {  	[tilespmem:s31], [sflag:$0x5] =	stream.indirect.gather [hbm4b:s0+s21], $0x80, s15, s21, $0xb8;
	[tilespmem:$0xD400] =	vst v63  }
0x2e: {  	_ =	swait.ge [sflag:s2], $0x2000  }
0x2f: {  	[sflag:s2] =	ssyncset.done $0x0  }
0x30: {  	s12 =	sadd.s32 $0xFFFFF000, s17;
	[sflag:s2] =	ssyncadd.s32 $0xFFFFE000  }
0x31: {  	[hbm4b:s12+s4] =	stream.linear.scatter [tilespmem:s22], [sflag:$0x6], $0x2000, $0x38;
	[tilespmem:$0xD400] =	vst v63  }
0x32: {  	_ =	swait.ge [sflag:s3], $0x2000  }
0x33: {  	[sflag:s3] =	ssyncset.done $0x0  }
0x34: {  	s13 =	simm.s32 $0x280;
	[sflag:s3] =	ssyncadd.s32 $0xFFFFE000  }
0x35: {  	[tilespmem:s22], [sflag:$0x1] =	stream.indirect.gather [hbm4b:s0+s21], $0x80, s13, s21, $0xb8;
	[tilespmem:$0xD400] =	vst v63  }
0x36: {  	_ =	swait.ge [sflag:s25], $0x2000  }
0x37: {  	[sflag:s25] =	ssyncset.done $0x0  }
0x38: {  	s14 =	sadd.s32 $0xFFFFF400, s17;
	[sflag:s25] =	ssyncadd.s32 $0xFFFFE000  }
0x39: {  	[hbm4b:s14+s4] =	stream.linear.scatter [tilespmem:s24], [sflag:$0x7], $0x2000, $0x38;
	[tilespmem:$0xD400] =	vst v63  }
0x3a: {  	_ =	swait.ge [sflag:s28], $0x2000  }
0x3b: {  	[sflag:s28] =	ssyncset.done $0x0  }
0x3c: {  	s15 =	simm.s32 $0x300;
	[sflag:s28] =	ssyncadd.s32 $0xFFFFE000  }
0x3d: {  	[tilespmem:s24], [sflag:$0x2] =	stream.indirect.gather [hbm4b:s0+s21], $0x80, s15, s21, $0xb8;
	[tilespmem:$0xD400] =	vst v63  }
0x3e: {  	_ =	swait.ge [sflag:s30], $0x2000  }
0x3f: {  	[sflag:s30] =	ssyncset.done $0x0  }
0x40: {  	s12 =	sadd.s32 $0xFFFFF800, s17;
	[sflag:s30] =	ssyncadd.s32 $0xFFFFE000  }
0x41: {  	[hbm4b:s12+s4] =	stream.linear.scatter [tilespmem:s26], [sflag:$0x8], $0x2000, $0x38;
	[tilespmem:$0xD400] =	vst v63  }
0x42: {  	_ =	swait.ge [sflag:s5], $0x2000  }
0x43: {  	[sflag:s5] =	ssyncset.done $0x0  }
0x44: {  	s13 =	simm.s32 $0x380;
	[sflag:s5] =	ssyncadd.s32 $0xFFFFE000  }
0x45: {  	[tilespmem:s26], [sflag:$0x3] =	stream.indirect.gather [hbm4b:s0+s21], $0x80, s13, s21, $0xb8;
	[tilespmem:$0xD400] =	vst v63  }
0x46: {  	_ =	swait.ge [sflag:s6], $0x2000  }
0x47: {  	[sflag:s6] =	ssyncset.done $0x0  }
0x48: {  	s14 =	sadd.s32 $0xFFFFFC00, s17;
	[sflag:s6] =	ssyncadd.s32 $0xFFFFE000  }
0x49: {  	[hbm4b:s14+s4] =	stream.linear.scatter [tilespmem:s29], [sflag:$0x9], $0x2000, $0x38;
	[tilespmem:$0xD400] =	vst v63  }
0x4a: {  	_ =	swait.ge [sflag:s7], $0x2000  }
0x4b: {  	[sflag:s7] =	ssyncset.done $0x0  }
0x4c: {  	s15 =	simm.s32 $0x400;
	[sflag:s7] =	ssyncadd.s32 $0xFFFFE000  }
0x4d: {  	[tilespmem:s29], [sflag:$0x4] =	stream.indirect.gather [hbm4b:s0+s21], $0x80, s15, s21, $0xb8;
	[tilespmem:$0xD400] =	vst v63  }
0x4e: {  	_ =	swait.ge [sflag:s8], $0x2000  }
0x4f: {  	[sflag:s8] =	ssyncset.done $0x0  }
0x50: {  	[sflag:s8] =	ssyncadd.s32 $0xFFFFE000  }
0x51: {  	[hbm4b:s17+s4] =	stream.linear.scatter [tilespmem:s31], [sflag:$0xA], $0x2000, $0x38;
	[tilespmem:$0xD400] =	vst v63  }
0x52: {  	_ =	swait.ge [sflag:s9], $0x2000  }
0x53: {  	s11 =	simm.s32 $0xA00;
	[sflag:s9] =	ssyncset.done $0x0  }
0x54: {  	s12 =	sadd.s32 $0x1400, s17;
	s13 =	simm.s32 $0x480;
	[sflag:s9] =	ssyncadd.s32 $0xFFFFE000  }
.LBB2_2:
0x55: {  	[tilespmem:s31], [sflag:$0x5] =	stream.indirect.gather [hbm4b:s0+s21], $0x80, s13, s21, $0xb8;
	[tilespmem:$0xD400] =	vst v63  }
0x56: {  	s13 =	smov.u32 s11  }
0x57: {  	p1 =	sne.s32 s11, $0xB400;
	s11 =	sadd.s32 $0xA00, s11;
	_ =	swait.ge [sflag:s2], $0x2000  }
0x58: {  	[sflag:s2] =	ssyncset.done $0x0  }
0x59: {  	s14 =	sadd.s32 $0xFFFFF000, s12;
	[sflag:s2] =	ssyncadd.s32 $0xFFFFE000  }
0x5a: {  	[hbm4b:s14+s4] =	stream.linear.scatter [tilespmem:s22], [sflag:$0x6], $0x2000, $0x38;
	[tilespmem:$0xD400] =	vst v63  }
0x5b: {  	_ =	swait.ge [sflag:s3], $0x2000  }
0x5c: {  	s13 =	sshra.s32 s13, $0x2;
	[sflag:s3] =	ssyncset.done $0x0  }
0x5d: {  	s14 =	sadd.s32 $0x280, s13;
	[sflag:s3] =	ssyncadd.s32 $0xFFFFE000  }
0x5e: {  	[tilespmem:s22], [sflag:$0x1] =	stream.indirect.gather [hbm4b:s0+s21], $0x80, s14, s21, $0xb8;
	[tilespmem:$0xD400] =	vst v63  }
0x5f: {  	_ =	swait.ge [sflag:s25], $0x2000  }
0x60: {  	[sflag:s25] =	ssyncset.done $0x0  }
0x61: {  	s14 =	sadd.s32 $0xFFFFF400, s12;
	[sflag:s25] =	ssyncadd.s32 $0xFFFFE000  }
0x62: {  	[hbm4b:s14+s4] =	stream.linear.scatter [tilespmem:s24], [sflag:$0x7], $0x2000, $0x38;
	[tilespmem:$0xD400] =	vst v63  }
0x63: {  	_ =	swait.ge [sflag:s28], $0x2000  }
0x64: {  	[sflag:s28] =	ssyncset.done $0x0  }
0x65: {  	s14 =	sadd.s32 $0x300, s13;
	[sflag:s28] =	ssyncadd.s32 $0xFFFFE000  }
0x66: {  	[tilespmem:s24], [sflag:$0x2] =	stream.indirect.gather [hbm4b:s0+s21], $0x80, s14, s21, $0xb8;
	[tilespmem:$0xD400] =	vst v63  }
0x67: {  	_ =	swait.ge [sflag:s30], $0x2000  }
0x68: {  	[sflag:s30] =	ssyncset.done $0x0  }
0x69: {  	s14 =	sadd.s32 $0xFFFFF800, s12;
	[sflag:s30] =	ssyncadd.s32 $0xFFFFE000  }
0x6a: {  	[hbm4b:s14+s4] =	stream.linear.scatter [tilespmem:s26], [sflag:$0x8], $0x2000, $0x38;
	[tilespmem:$0xD400] =	vst v63  }
0x6b: {  	_ =	swait.ge [sflag:s5], $0x2000  }
0x6c: {  	[sflag:s5] =	ssyncset.done $0x0  }
0x6d: {  	s14 =	sadd.s32 $0x380, s13;
	[sflag:s5] =	ssyncadd.s32 $0xFFFFE000  }
0x6e: {  	[tilespmem:s26], [sflag:$0x3] =	stream.indirect.gather [hbm4b:s0+s21], $0x80, s14, s21, $0xb8;
	[tilespmem:$0xD400] =	vst v63  }
0x6f: {  	_ =	swait.ge [sflag:s6], $0x2000  }
0x70: {  	[sflag:s6] =	ssyncset.done $0x0  }
0x71: {  	s14 =	sadd.s32 $0xFFFFFC00, s12;
	[sflag:s6] =	ssyncadd.s32 $0xFFFFE000  }
0x72: {  	[hbm4b:s14+s4] =	stream.linear.scatter [tilespmem:s29], [sflag:$0x9], $0x2000, $0x38;
	[tilespmem:$0xD400] =	vst v63  }
0x73: {  	_ =	swait.ge [sflag:s7], $0x2000  }
0x74: {  	[sflag:s7] =	ssyncset.done $0x0  }
0x75: {  	s14 =	sadd.s32 $0x400, s13;
	[sflag:s7] =	ssyncadd.s32 $0xFFFFE000  }
0x76: {  	[tilespmem:s29], [sflag:$0x4] =	stream.indirect.gather [hbm4b:s0+s21], $0x80, s14, s21, $0xb8;
	[tilespmem:$0xD400] =	vst v63  }
0x77: {  	_ =	swait.ge [sflag:s8], $0x2000  }
0x78: {  	[sflag:s8] =	ssyncset.done $0x0  }
.Ltmp0:
0x79: {  	[sflag:s8] =	ssyncadd.s32 $0xFFFFE000;
	(pc) =	sbr.rel @p1 .LBB2_2-.Ltmp0, $4  }
0x7a: {  	[hbm4b:s12+s4] =	stream.linear.scatter [tilespmem:s31], [sflag:$0xA], $0x2000, $0x38;
	[tilespmem:$0xD400] =	vst v63  }
0x7b: {  	_ =	swait.ge [sflag:s9], $0x2000  }
0x7c: {  	[sflag:s9] =	ssyncset.done $0x0  }
0x7d: {  	s13 =	sadd.s32 $0x480, s13;
	s12 =	sadd.s32 $0x1400, s12;
	[sflag:s9] =	ssyncadd.s32 $0xFFFFE000  }
0x7e: {  	[tilespmem:s31], [sflag:$0x5] =	stream.indirect.gather [hbm4b:s0+s21], $0x80, s13, s21, $0xb8;
	[tilespmem:$0xD400] =	vst v63  }
0x7f: {  	_ =	swait.ge [sflag:s2], $0x2000  }
0x80: {  	[sflag:s2] =	ssyncset.done $0x0  }
0x81: {  	s11 =	simm.s32 $0x0;
	s12 =	rddreg [dreg:$0x6];
	[sflag:s2] =	ssyncadd.s32 $0xFFFFE000  }
0x82: {  	[hbm4b:s12+s11] =	stream.linear.scatter [tilespmem:s22], [sflag:$0x6], $0x2000, $0x38;
	[tilespmem:$0xD400] =	vst v63  }
0x83: {  	_ =	swait.ge [sflag:s25], $0x2000  }
0x84: {  	[sflag:s25] =	ssyncset.done $0x0  }
0x85: {  	s14 =	rddreg [dreg:$0x7];
	[sflag:s25] =	ssyncadd.s32 $0xFFFFE000  }
0x86: {  	[hbm4b:s14+s11] =	stream.linear.scatter [tilespmem:s24], [sflag:$0x7], $0x2000, $0x38;
	[tilespmem:$0xD400] =	vst v63  }
0x87: {  	_ =	swait.ge [sflag:s30], $0x2000  }
0x88: {  	[sflag:s30] =	ssyncset.done $0x0  }
0x89: {  	s15 =	rddreg [dreg:$0x8];
	[sflag:s30] =	ssyncadd.s32 $0xFFFFE000  }
0x8a: {  	[hbm4b:s15+s11] =	stream.linear.scatter [tilespmem:s26], [sflag:$0x8], $0x2000, $0x38;
	[tilespmem:$0xD400] =	vst v63  }
0x8b: {  	_ =	swait.ge [sflag:s6], $0x2000  }
0x8c: {  	[sflag:s6] =	ssyncset.done $0x0  }
0x8d: {  	s13 =	rddreg [dreg:$0x9];
	[sflag:s6] =	ssyncadd.s32 $0xFFFFE000  }
0x8e: {  	[hbm4b:s13+s11] =	stream.linear.scatter [tilespmem:s29], [sflag:$0x9], $0x2000, $0x38;
	[tilespmem:$0xD400] =	vst v63  }
0x8f: {  	_ =	swait.ge [sflag:s8], $0x2000  }
0x90: {  	[sflag:s8] =	ssyncset.done $0x0  }
0x91: {  	s14 =	rddreg [dreg:$0xa];
	[sflag:s8] =	ssyncadd.s32 $0xFFFFE000  }
0x92: {  	[hbm4b:s14+s11] =	stream.linear.scatter [tilespmem:s31], [sflag:$0xA], $0x2000, $0x38;
	[tilespmem:$0xD400] =	vst v63  }
0x93: {  	_ =	swait.ge [sflag:s3], $0x2000  }
0x94: {  	[sflag:s3] =	ssyncset.done $0x0  }
0x95: {  	[sflag:s3] =	ssyncadd.s32 $0xFFFFE000  }
0x96: {  	_ =	swait.ge [sflag:s28], $0x2000  }
0x97: {  	[sflag:s28] =	ssyncset.done $0x0  }
0x98: {  	[sflag:s28] =	ssyncadd.s32 $0xFFFFE000  }
0x99: {  	_ =	swait.ge [sflag:s5], $0x2000  }
0x9a: {  	[sflag:s5] =	ssyncset.done $0x0  }
0x9b: {  	[sflag:s5] =	ssyncadd.s32 $0xFFFFE000  }
0x9c: {  	_ =	swait.ge [sflag:s7], $0x2000  }
0x9d: {  	[sflag:s7] =	ssyncset.done $0x0  }
0x9e: {  	[sflag:s7] =	ssyncadd.s32 $0xFFFFE000  }
0x9f: {  	_ =	swait.ge [sflag:s9], $0x2000  }
0xa0: {  	[sflag:s9] =	ssyncset.done $0x0  }
0xa1: {  	s15 =	rddreg [dreg:$0xb];
	[sflag:s9] =	ssyncadd.s32 $0xFFFFE000  }
0xa2: {  	[tilespmem:s11], [sflag:$0xB] =	stream.linear.gather [hbm4b:s15+s11], $0xE00, $0x38;
	[tilespmem:$0xD400] =	vst v63  }
0xa3: {  	_ =	swait.ge [sflag:s20], $0xE00  }
0xa4: {  	[sflag:s20] =	ssyncset.done $0x0  }
0xa5: {  	[sflag:s20] =	ssyncadd.s32 $0xFFFFF200  }
0xa6: {  	[tilespmem:s22], [sflag:$0x1] =	stream.indirect.gather [hbm4b:s1+s21], $0x80, s11, s21, $0xb8;
	[tilespmem:$0xD400] =	vst v63  }
0xa7: {  	_ = 	snop  }
0xa8: {  	[tilespmem:s24], [sflag:$0x2] =	stream.indirect.gather [hbm4b:s1+s21], $0x80, s23, s21, $0xb8;
	[tilespmem:$0xD400] =	vst v63  }
0xa9: {  	_ =	swait.ge [sflag:s2], $0x2000  }
0xaa: {  	[sflag:s2] =	ssyncset.done $0x0  }
0xab: {  	s13 =	sadd.s32 $0x0, s19;
	[sflag:s2] =	ssyncadd.s32 $0xFFFFE000  }
0xac: {  	[hbm4b:s13+s4] =	stream.linear.scatter [tilespmem:s22], [sflag:$0x6], $0x2000, $0x38;
	[tilespmem:$0xD400] =	vst v63  }
0xad: {  	_ =	swait.ge [sflag:s3], $0x2000  }
0xae: {  	[sflag:s3] =	ssyncset.done $0x0  }
0xaf: {  	s14 =	simm.s32 $0x100;
	[sflag:s3] =	ssyncadd.s32 $0xFFFFE000  }
0xb0: {  	[tilespmem:s22], [sflag:$0x1] =	stream.indirect.gather [hbm4b:s1+s21], $0x80, s14, s21, $0xb8;
	[tilespmem:$0xD400] =	vst v63  }
0xb1: {  	_ =	swait.ge [sflag:s25], $0x2000  }
0xb2: {  	[sflag:s25] =	ssyncset.done $0x0  }
0xb3: {  	s15 =	sadd.s32 $0x0, s18;
	[sflag:s25] =	ssyncadd.s32 $0xFFFFE000  }
0xb4: {  	[hbm4b:s15+s4] =	stream.linear.scatter [tilespmem:s24], [sflag:$0x7], $0x2000, $0x38;
	[tilespmem:$0xD400] =	vst v63  }
0xb5: {  	_ =	swait.ge [sflag:s28], $0x2000  }
0xb6: {  	s12 =	simm.s32 $0x800;
	[sflag:s28] =	ssyncset.done $0x0  }
0xb7: {  	s11 =	simm.s32 $0x180;
	s13 =	simm.s32 $0x280;
	[sflag:s28] =	ssyncadd.s32 $0xFFFFE000  }
.LBB2_4:
0xb8: {  	[tilespmem:s24], [sflag:$0x2] =	stream.indirect.gather [hbm4b:s1+s21], $0x80, s11, s21, $0xb8;
	[tilespmem:$0xD400] =	vst v63  }
0xb9: {  	s14 =	smov.u32 s12;
	s11 =	smov.u32 s13  }
0xba: {  	p1 =	sne.s32 s12, $0x6000;
	s12 =	sadd.s32 $0x800, s12;
	_ =	swait.ge [sflag:s2], $0x2000  }
0xbb: {  	[sflag:s2] =	ssyncset.done $0x0  }
0xbc: {  	s15 =	sadd.s32 s14, s19;
	[sflag:s2] =	ssyncadd.s32 $0xFFFFE000  }
0xbd: {  	[hbm4b:s15+s4] =	stream.linear.scatter [tilespmem:s22], [sflag:$0x6], $0x2000, $0x38;
	[tilespmem:$0xD400] =	vst v63  }
0xbe: {  	_ =	swait.ge [sflag:s3], $0x2000  }
0xbf: {  	[sflag:s3] =	ssyncset.done $0x0  }
0xc0: {  	s15 =	sadd.s32 $0xFFFFFF80, s13;
	[sflag:s3] =	ssyncadd.s32 $0xFFFFE000  }
0xc1: {  	[tilespmem:s22], [sflag:$0x1] =	stream.indirect.gather [hbm4b:s1+s21], $0x80, s15, s21, $0xb8;
	[tilespmem:$0xD400] =	vst v63  }
0xc2: {  	_ =	swait.ge [sflag:s25], $0x2000  }
0xc3: {  	[sflag:s25] =	ssyncset.done $0x0  }
.Ltmp1:
0xc4: {  	s14 =	sadd.s32 s14, s18;
	[sflag:s25] =	ssyncadd.s32 $0xFFFFE000;
	(pc) =	sbr.rel @p1 .LBB2_4-.Ltmp1, $4  }
0xc5: {  	[hbm4b:s14+s4] =	stream.linear.scatter [tilespmem:s24], [sflag:$0x7], $0x2000, $0x38;
	[tilespmem:$0xD400] =	vst v63  }
0xc6: {  	_ =	swait.ge [sflag:s28], $0x2000  }
0xc7: {  	[sflag:s28] =	ssyncset.done $0x0  }
0xc8: {  	s13 =	sadd.s32 $0x100, s13;
	[sflag:s28] =	ssyncadd.s32 $0xFFFFE000  }
0xc9: {  	[tilespmem:s24], [sflag:$0x2] =	stream.indirect.gather [hbm4b:s1+s21], $0x80, s11, s21, $0xb8;
	[tilespmem:$0xD400] =	vst v63  }
0xca: {  	_ =	swait.ge [sflag:s2], $0x2000  }
0xcb: {  	[sflag:s2] =	ssyncset.done $0x0  }
0xcc: {  	s14 =	rddreg [dreg:$0xc];
	[sflag:s2] =	ssyncadd.s32 $0xFFFFE000  }
0xcd: {  	[hbm4b:s14+s4] =	stream.linear.scatter [tilespmem:s22], [sflag:$0x6], $0x2000, $0x38;
	[tilespmem:$0xD400] =	vst v63  }
0xce: {  	_ =	swait.ge [sflag:s25], $0x2000  }
0xcf: {  	[sflag:s25] =	ssyncset.done $0x0  }
0xd0: {  	s15 =	rddreg [dreg:$0xd];
	[sflag:s25] =	ssyncadd.s32 $0xFFFFE000  }
0xd1: {  	[hbm4b:s15+s4] =	stream.linear.scatter [tilespmem:s24], [sflag:$0x7], $0x2000, $0x38;
	[tilespmem:$0xD400] =	vst v63  }
0xd2: {  	_ =	swait.ge [sflag:s3], $0x2000  }
0xd3: {  	[sflag:s3] =	ssyncset.done $0x0  }
0xd4: {  	[sflag:s3] =	ssyncadd.s32 $0xFFFFE000  }
0xd5: {  	_ =	swait.ge [sflag:s28], $0x2000  }
0xd6: {  	[sflag:s28] =	ssyncset.done $0x0  }
0xd7: {  	s11 =	simm.s32 @!p0 $0x0;
	s12 =	rddreg [dreg:$0xe];
	[sflag:s28] =	ssyncadd.s32 $0xFFFFE000  }
0xd8: {  	[tilespmem:s11], [sflag:$0xB] =	stream.linear.gather @!p0 [hbm4b:s12+s11], $0x80, $0x38;
	[tilespmem:$0xD400] =	vst v63  }
0xd9: {  	s12 =	simm.s32 @!p0 $0xB  }
0xda: {  	_ =	swait.ge @!p0 [sflag:s12], $0x80  }
0xdb: {  	[sflag:s12] =	ssyncset.done @!p0 $0x0  }
0xdc: {  	s13 =	simm.s32 @!p0 $0x3400;
	[sflag:s12] =	ssyncadd.s32 @!p0 $0xFFFFFF80;
	s12 =	simm.s32 @!p0 $0x40  }
0xdd: {  	[tilespmem:s13], [sflag:$0x1] =	stream.indirect.gather @!p0 [hbm4b:s1+s12], $0x80, s11, s12, $0xb8;
	[tilespmem:$0xD400] =	vst v63  }
0xde: {  	s12 =	simm.s32 @!p0 $0x1  }
0xdf: {  	_ =	swait.ge @!p0 [sflag:s12], $0x2000  }
0xe0: {  	s10 =	sadd.s32 $0x1, s10;
	[sflag:s12] =	ssyncset.done @!p0 $0x0  }
0xe1: {  	p1 =	sne.s32 s10, s16;
	[sflag:s12] =	ssyncadd.s32 @!p0 $0xFFFFE000;
	s12 =	rddreg [dreg:$0xf]  }
0xe2: {  	[hbm4b:s12+s11] =	stream.linear.scatter @!p0 [tilespmem:s13], [sflag:$0x6], $0x2000, $0x38;
	[tilespmem:$0xD400] =	vst v63  }
.Ltmp2:
0xe3: {  	_ = 	snop;
	(pc) =	sbr.rel @p1 .LBB2_1-.Ltmp2, $4  }
0xe4: {  	s11 =	simm.s32 @!p0 $0x6  }
0xe5: {  	_ =	swait.ge @!p0 [sflag:s11], $0x2000  }
0xe6: {  	[sflag:s11] =	ssyncset.done @!p0 $0x0  }
0xe7: {  	[sflag:s11] =	ssyncadd.s32 @!p0 $0xFFFFE000  }
0xe8: {  	_ =	sfence.sel $0x180000  }
0xe9: {  	[bflag:$0x0] =	sbarrier.arrive $0xFFFF  }
0xea: {  	_ =	strace $0x90000047  }
0xeb: {  	s0 =	stileid.u32;
	[bflag:$0x2] =	sbarrier.arrive $0xFFFF  }
0xec: {  	p0 =	sne.s32 s0, $0x0;
	s0 =	rddreg [dreg:$0x4]  }
0xed: {  	s0 =	sadd.s32 @!p0 $0x100000, s0  }
0xee: {  	[sflag:s0] =	ssyncadd.tile.s32 @!p0 $0x1;
	_ =	shalt  }
.Lfunc_end2:
_tile_overlayer_lowered:
.L_overlay_start_2:
0xef: {  	(tag) =	ssettag $0x2  }
0xf0: {  	s0 =	rddreg [dreg:$0x0];
	s2 =	stileid.u32  }
0xf1: {  	s1 =	rddreg [dreg:$0x1];
	p0 =	sne.s32 s2, $0x0  }
0xf2: {  	s3 =	rddreg [dreg:$0x2];
	[bflag:$0x3] =	sbarrier.arrive $0xFFFF;
	s2 =	simm.s32 @!p0 $0x1C0B  }
0xf3: {  	[timem:s3], [sflag:s2] =	dma.local @!p0 [hbm:s0], s1  }
0xf4: {  	s0 =	simm.s32 @!p0 $0xB  }
0xf5: {  	_ =	swait.ge @!p0 [sflag:s0], s1  }
0xf6: {  	s1 =	ssub.s32 @!p0 $0x0, s1;
	[sflag:s0] =	ssyncset.done @!p0 $0x0  }
0xf7: {  	[sflag:s0] =	ssyncadd.s32 @!p0 s1  }
0xf8: {  	[bflag:$0x3] =	sbarrier.arrive $0xFFFF  }
0xf9: {  	_ =	shalt  }

</sc_bundles>
